<compile_context>
chip_gen: v7x
topology: tpu7x:2x2x1
jax: 0.10.2.dev20260603
libtpu: 0.0.44.dev20260713+nightly
codegen_flags: <defaults>
</compile_context>

<pallas_src>
import functools
import jax
import jax.numpy as jnp
from jax import lax
from jax.experimental import pallas as pl
from jax.experimental.pallas import tpu as pltpu
from jax.experimental.pallas import tpu_sc as plsc

B, N, D, K = 4, 2048, 128, 24
BN = B * N
TOK = BN * K

BIG_F = 3.0e38
BIG_I = 2**30

QBLK = 128
QB2 = 256
CHR = 256
NCH = N // CHR


KH = 10


def _topk_body(h_all_ref, hq_ref, idx_ref, score_ref, cv_ref, ci_ref, m16_ref):
    b = pl.program_id(0)
    j = pl.program_id(2)

    @pl.when(j == 0)
    def _scores():
        h_all = h_all_ref[0]
        sq = jnp.sum(h_all * h_all, axis=1, keepdims=True) * 0.5
        dot = lax.dot_general(h_all, hq_ref[0], (((1,), (0,)), ((), ())),
                              preferred_element_type=jnp.float32)
        score = sq - dot
        score_ref[...] = score
        m16_ref[...] = jnp.min(score.reshape(N // 16, 16, QB2), axis=1)

    def _extract(hh):
        q0 = hh * QBLK
        kiota = lax.broadcasted_iota(jnp.int32, (K, QBLK), 0)
        riota = lax.broadcasted_iota(jnp.int32, (CHR, QBLK), 0)

        def ext_tau(k, carry):
            mv16, _ = carry
            m = jnp.min(mv16, axis=0, keepdims=True)
            mv16 = jnp.where(mv16 == m, BIG_F, mv16)
            return mv16, m

        _, tau = lax.fori_loop(
            0, K, ext_tau, (m16_ref[:, q0:q0 + QBLK],
                            jnp.zeros((1, QBLK), jnp.float32)))

        def ext_local(k, carry):
            ch, mv, mi = carry
            m = jnp.min(ch, axis=0, keepdims=True)
            key = jnp.where(ch == m, riota, BIG_I)
            am = jnp.min(key, axis=0, keepdims=True)
            ch = jnp.where(key == am, BIG_F, ch)
            mv = jnp.where(kiota == k, m, mv)
            mi = jnp.where(kiota == k, am, mi)
            return ch, mv, mi

        for c in range(NCH):
            ch0 = score_ref[c * CHR:(c + 1) * CHR, q0:q0 + QBLK]
            ch1, mv, mi = lax.fori_loop(
                0, KH, ext_local,
                (ch0, jnp.full((K, QBLK), BIG_F, jnp.float32),
                 jnp.zeros((K, QBLK), jnp.int32)))
            cv_ref[c * K:(c + 1) * K, :] = mv
            ci_ref[c * K:(c + 1) * K, :] = mi + c * CHR
            mnext = jnp.min(ch1, axis=0, keepdims=True)
            need_more = jnp.any(mnext <= tau)

            @pl.when(need_more)
            def _finish(ch1=ch1, mv=mv, mi=mi, c=c):
                _, mv2, mi2 = lax.fori_loop(KH, K, ext_local, (ch1, mv, mi))
                cv_ref[c * K:(c + 1) * K, :] = mv2
                ci_ref[c * K:(c + 1) * K, :] = mi2 + c * CHR

        v0 = cv_ref[...]
        ix = ci_ref[...]

        def ext_merge(k, carry):
            v, cols = carry
            m = jnp.min(v, axis=0, keepdims=True)
            key = jnp.where(v == m, ix, BIG_I)
            am = jnp.min(key, axis=0, keepdims=True)
            v = jnp.where(key == am, BIG_F, v)
            cols = jnp.where(kiota == k, am, cols)
            return v, cols

        _, cols = lax.fori_loop(
            0, K, ext_merge, (v0, jnp.zeros((K, QBLK), jnp.int32)))
        idx_ref[...] = cols + b * N

    for _hh in range(2):
        @pl.when(j == 1 + _hh)
        def _run(_hh=_hh):
            _extract(_hh)


def _topk(h):
    return pl.pallas_call(
        _topk_body,
        grid=(B, N // QB2, 3),
        in_specs=[
            pl.BlockSpec((1, N, D), lambda b, i, j: (b, 0, 0)),
            pl.BlockSpec((1, D, QB2), lambda b, i, j: (b, 0, i)),
        ],
        out_specs=pl.BlockSpec(
            (K, QBLK),
            lambda b, i, j: (0, (b * (N // QB2) + i) * 2 +
                             jnp.maximum(j - 1, 0))),
        out_shape=jax.ShapeDtypeStruct((K, BN), jnp.int32),
        scratch_shapes=[pltpu.VMEM((N, QB2), jnp.float32),
                        pltpu.VMEM((NCH * K, QBLK), jnp.float32),
                        pltpu.VMEM((NCH * K, QBLK), jnp.int32),
                        pltpu.VMEM((N // 16, QB2), jnp.float32)],
    )(h, jnp.swapaxes(h, 1, 2))


PBLK = 512


def _pre_body(h_ref, rf_ref, p_ref, w1hi_ref, w1hj_ref, w1p_ref, b1_ref,
              prej_ref, base_ref, g_ref):
    h = h_ref[...]
    rf = rf_ref[...]
    pp = p_ref[...]
    w1p = w1p_ref[...]
    prej_ref[...] = lax.dot_general(h, w1hj_ref[...], (((1,), (0,)), ((), ())),
                                    preferred_element_type=jnp.float32)
    prei = lax.dot_general(h, w1hi_ref[...], (((1,), (0,)), ((), ())),
                           preferred_element_type=jnp.float32)
    gs = []
    pterm = jnp.zeros((PBLK, D), jnp.float32)
    for c in range(3):
        g_c = (rf[:, 3 * c + 0:3 * c + 1] * w1p[0:1, :]
               + rf[:, 3 * c + 1:3 * c + 2] * w1p[1:2, :]
               + rf[:, 3 * c + 2:3 * c + 3] * w1p[2:3, :])
        gs.append(g_c)
        pterm = pterm + pp[:, c:c + 1] * g_c
    g_ref[...] = jnp.concatenate(gs, axis=1)
    base_ref[...] = prei + b1_ref[...] - pterm


def _precompute(hf, rf, pf, w1hi, w1hj, w1p, b1):
    return pl.pallas_call(
        _pre_body,
        grid=(BN // PBLK,),
        in_specs=[
            pl.BlockSpec((PBLK, D), lambda i: (i, 0)),
            pl.BlockSpec((PBLK, 16), lambda i: (i, 0)),
            pl.BlockSpec((PBLK, 8), lambda i: (i, 0)),
            pl.BlockSpec((D, D), lambda i: (0, 0)),
            pl.BlockSpec((D, D), lambda i: (0, 0)),
            pl.BlockSpec((8, D), lambda i: (0, 0)),
            pl.BlockSpec((1, D), lambda i: (0, 0)),
        ],
        out_specs=[
            pl.BlockSpec((PBLK, D), lambda i: (i, 0)),
            pl.BlockSpec((PBLK, D), lambda i: (i, 0)),
            pl.BlockSpec((PBLK, 3 * D), lambda i: (i, 0)),
        ],
        out_shape=[
            jax.ShapeDtypeStruct((BN, D), jnp.float32),
            jax.ShapeDtypeStruct((BN, D), jnp.float32),
            jax.ShapeDtypeStruct((BN, 3 * D), jnp.float32),
        ],
    )(hf, rf, pf, w1hi, w1hj, w1p, b1)


CQ = 128
CT = CQ * K


def _mlp_body(prej_ref, pj0_ref, pj1_ref, pj2_ref, base_ref, g_ref, w2_ref,
              b2_ref, w3_ref, b3_ref, out_ref):
    prej = prej_ref[...]
    base = base_ref[...]
    g = g_ref[...]
    t = prej.reshape(CQ, K, D) + base[:, None, :]
    for c, pj_ref in enumerate((pj0_ref, pj1_ref, pj2_ref)):
        t = t + pj_ref[...][:, :, None] * g[:, c * D:(c + 1) * D][:, None, :]
    x = jnp.where(t > 0, t, 0.1 * t).reshape(CT, D)
    x = lax.dot_general(x, w2_ref[...], (((1,), (0,)), ((), ())),
                        preferred_element_type=jnp.float32) + b2_ref[...]
    x = jnp.where(x > 0, x, 0.1 * x)
    x = lax.dot_general(x, w3_ref[...], (((1,), (0,)), ((), ())),
                        preferred_element_type=jnp.float32) + b3_ref[...]
    out_ref[...] = jnp.max(x.reshape(CQ, K, D), axis=1)


def _mlp_call(prej_g, pj0, pj1, pj2, base, g, w2, b2, w3, b3):
    return pl.pallas_call(
        _mlp_body,
        grid=(BN // CQ,),
        in_specs=[
            pl.BlockSpec((CT, D), lambda i: (i, 0)),
            pl.BlockSpec((CQ, K), lambda i: (i, 0)),
            pl.BlockSpec((CQ, K), lambda i: (i, 0)),
            pl.BlockSpec((CQ, K), lambda i: (i, 0)),
            pl.BlockSpec((CQ, D), lambda i: (i, 0)),
            pl.BlockSpec((CQ, 3 * D), lambda i: (i, 0)),
            pl.BlockSpec((D, D), lambda i: (0, 0)),
            pl.BlockSpec((1, D), lambda i: (0, 0)),
            pl.BlockSpec((D, D), lambda i: (0, 0)),
            pl.BlockSpec((1, D), lambda i: (0, 0)),
        ],
        out_specs=pl.BlockSpec((CQ, D), lambda i: (i, 0)),
        out_shape=jax.ShapeDtypeStruct((BN, D), jnp.float32),
    )(prej_g, pj0, pj1, pj2, base, g, w2, b2, w3, b3)


NWORK = 32
GW = TOK // NWORK
GC = 128
NWIN = GW // GC


def _gather(prej_table, ptab_flat, idx_flat):
    mesh = plsc.VectorSubcoreMesh(core_axis_name="c", subcore_axis_name="s")

    @functools.partial(
        pl.kernel, mesh=mesh,
        out_type=[jax.ShapeDtypeStruct((TOK, D), jnp.float32),
                  jax.ShapeDtypeStruct((3 * TOK,), jnp.float32)],
        scratch_types=[pltpu.VMEM((GW,), jnp.int32),
                       pltpu.VMEM((GC, D), jnp.float32),
                       pltpu.VMEM((GC, D), jnp.float32),
                       pltpu.VMEM((3 * GC,), jnp.int32),
                       pltpu.VMEM((3 * GC,), jnp.int32),
                       pltpu.VMEM((3 * GW,), jnp.float32),
                       pltpu.SemaphoreType.DMA,
                       pltpu.SemaphoreType.DMA,
                       pltpu.SemaphoreType.DMA,
                       pltpu.SemaphoreType.DMA],
    )
    def k(prej_hbm, ptab_hbm, idx_hbm, o1_hbm, o2_hbm,
          idx_v, rows_a, rows_b, offs_a, offs_b, pv_acc, sa, sb, pa, pb):
        wid = lax.axis_index("s") * 2 + lax.axis_index("c")
        base = wid * GW
        pltpu.sync_copy(idx_hbm.at[pl.ds(base, GW)], idx_v)

        def fill_offs(w, offs):
            for g in range(GC // 16):
                iv = idx_v[pl.ds(w * GC + g * 16, 16)]
                for c in range(3):
                    offs[pl.ds(c * GC + g * 16, 16)] = iv * 4 + c

        def start_win(w, offs, rows, sr, sp):
            fill_offs(w, offs)
            hr = pltpu.async_copy(
                prej_hbm.at[idx_v.at[pl.ds(w * GC, GC)]], rows, sr)
            hp = pltpu.async_copy(
                ptab_hbm.at[offs], pv_acc.at[pl.ds(w * 3 * GC, 3 * GC)], sp)
            return hr, hp

        def finish_win(w, rows, hr, hp):
            hr.wait()
            pltpu.sync_copy(rows, o1_hbm.at[pl.ds(base + w * GC, GC)])
            hp.wait()

        def pair(g, _):
            wa = 2 * g
            wb = 2 * g + 1
            ha = start_win(wa, offs_a, rows_a, sa, pa)
            hb = start_win(wb, offs_b, rows_b, sb, pb)
            finish_win(wa, rows_a, *ha)
            finish_win(wb, rows_b, *hb)
            return 0

        lax.fori_loop(0, NWIN // 2, pair, 0)
        pltpu.sync_copy(pv_acc, o2_hbm.at[pl.ds(base * 3, 3 * GW)])

    return k(prej_table, ptab_flat, idx_flat)


@jax.jit
def kernel(p, R, h, W1, b1, W2, b2, W3, b3):
    hf = h.reshape(BN, D)
    rf = jnp.pad(R.reshape(BN, 9), ((0, 0), (0, 7)))
    pf = jnp.pad(p.reshape(BN, 3), ((0, 0), (0, 5)))
    w1p = jnp.pad(W1[0:3], ((0, 5), (0, 0)))
    w1hi = W1[3:3 + D]
    w1hj = W1[3 + D:3 + 2 * D]
    b1r = b1.reshape(1, D)

    idx = _topk(h).T
    prej_table, base, g = _precompute(hf, rf, pf, w1hi, w1hj, w1p, b1r)
    ptab = jnp.pad(p.reshape(BN, 3), ((0, 0), (0, 1))).reshape(BN * 4)

    prej_g, pj_flat = _gather(prej_table, ptab, idx.reshape(TOK))
    pj3 = pj_flat.reshape(NWORK, NWIN, 3, GC).transpose(2, 0, 1, 3)
    pj3 = pj3.reshape(3, BN, K)
    out = _mlp_call(prej_g, pj3[0], pj3[1], pj3[2], base, g, W2,
                    b2.reshape(1, D), W3, b3.reshape(1, D))
    return out.reshape(B, N, D)

# --- scband reference (transcript-rebuilt; emitter-appended) ---
"""Pipeline reference for scband-point-oriented-aggregation-9663676416050 (READ-ONLY COPY).

The authoritative reference and input builder live on the scoring server;
editing this copy changes nothing except your own understanding.
"""

import jax, jax.numpy as jnp
import numpy as np

B, N, D, K = 4, 2048, 128, 24
IN_DIM = D * 2 + 3  # hidden_dim*2 + 3*num_frames


def setup_inputs(seed: int = 0) -> dict:
    key = jax.random.key(seed)
    ks = jax.random.split(key, 10)
    p = jax.random.normal(ks[0], (B, N, 3), jnp.float32)
    R = jax.random.normal(ks[1], (B, N, 3, 3), jnp.float32)
    h = jax.random.normal(ks[2], (B, N, D), jnp.float32)
    W1 = jax.random.normal(ks[3], (IN_DIM, D), jnp.float32) * 0.05
    b1 = jax.random.normal(ks[4], (D,), jnp.float32) * 0.05
    W2 = jax.random.normal(ks[5], (D, D), jnp.float32) * 0.05
    b2 = jax.random.normal(ks[6], (D,), jnp.float32) * 0.05
    W3 = jax.random.normal(ks[7], (D, D), jnp.float32) * 0.05
    b3 = jax.random.normal(ks[8], (D,), jnp.float32) * 0.05
    return {"p": p, "R": R, "h": h, "W1": W1, "b1": b1, "W2": W2, "b2": b2, "W3": W3, "b3": b3}


def _knn_idx(x, k):
    # brute-force knn of x against itself (includes self), like pytorch3d knn_points
    sq = jnp.sum(x * x, axis=-1)  # (B, N)
    dist = sq[:, :, None] + sq[:, None, :] - 2.0 * jnp.einsum('bnd,bmd->bnm', x, x)
    _, idx = jax.lax.top_k(-dist, k)  # (B, N, K)
    return idx


def _knn_gather(x, idx):
    # x: (B, M, C), idx: (B, N, K) -> (B, N, K, C)
    return jax.vmap(lambda xb, ib: xb[ib])(x, idx)


def _leaky(x):
    return jnp.where(x > 0, x, 0.1 * x)


def reference(p, R, h, W1, b1, W2, b2, W3, b3):
    idx = _knn_idx(h, K)  # graph_type == 'hidden'
    p_j = _knn_gather(p, idx)                      # (B, N, K, 3)
    v = p_j - p[:, :, None, :]                     # (B, N, K, 3)
    # global_to_local: R^T (p_j - p_i)
    p_ij = jnp.einsum('bnca,bnkc->bnka', R, v)     # (B, N, K, 3)
    h_j = _knn_gather(h, idx)                      # (B, N, K, D)
    h_i = jnp.broadcast_to(h[:, :, None, :], (B, N, K, D))
    feat = jnp.concatenate([p_ij, h_i, h_j], axis=-1)  # (B, N, K, IN_DIM)
    x = _leaky(feat @ W1 + b1)
    x = _leaky(x @ W2 + b2)
    x = x @ W3 + b3
    out = jnp.max(x, axis=2)                       # aggr == 'max'
    return out

if __name__ == "__main__":
    import jax
    _d = setup_inputs()
    print(jax.jit(kernel)(*tuple(_d.values())))

</pallas_src>

<mosaic_0001>
#map = affine_map<(d0, d1) -> (0, 0)>
#map1 = affine_map<(d0, d1) -> (0)>
module attributes {stable_mosaic.version = 14 : i64} {
  func.func @k(%arg0: i32, %arg1: i32, %arg2: memref<8192x128xf32, #tpu.memory_space<hbm>>, %arg3: memref<32768xf32, #tpu.memory_space<hbm>>, %arg4: memref<196608xi32, #tpu.memory_space<hbm>>, %arg5: memref<196608x128xf32, #tpu.memory_space<hbm>>, %arg6: memref<589824xf32, #tpu.memory_space<hbm>>, %arg7: memref<6144xi32, #tpu.memory_space<vmem>>, %arg8: memref<128x128xf32, #tpu.memory_space<vmem>>, %arg9: memref<128x128xf32, #tpu.memory_space<vmem>>, %arg10: memref<384xi32, #tpu.memory_space<vmem>>, %arg11: memref<384xi32, #tpu.memory_space<vmem>>, %arg12: memref<18432xf32, #tpu.memory_space<vmem>>, %arg13: memref<!tpu.dma_semaphore, #tpu.memory_space<semaphore_mem>>, %arg14: memref<!tpu.dma_semaphore, #tpu.memory_space<semaphore_mem>>, %arg15: memref<!tpu.dma_semaphore, #tpu.memory_space<semaphore_mem>>, %arg16: memref<!tpu.dma_semaphore, #tpu.memory_space<semaphore_mem>>) attributes {dimension_semantics = [#tpu.dimension_semantics<core_parallel>, #tpu.dimension_semantics<subcore_parallel>], iteration_bounds = array<i64: 2, 16>, scalar_prefetch = 0 : i64, scratch_operands = 10 : i64, tpu.core_type = #tpu.core_type<sc_vector_subcore>, window_params = [{transform_indices = #map}, {transform_indices = #map1}, {transform_indices = #map1}, {transform_indices = #map}, {transform_indices = #map1}]} {
    %mul3A = arith.constant 2 : i32
    %mul3A_0 = arith.muli %arg1, %mul3A : i32
    %add3A = arith.addi %mul3A_0, %arg0 : i32
    %mul3A_1 = arith.constant 6144 : i32
    %mul3A_2 = arith.muli %add3A, %mul3A_1 : i32
    "tpu.region"() ({
      %run_scoped3A = tpu.sem_alloc : memref<!tpu.dma_semaphore, #tpu.memory_space<semaphore_mem>>
      %dma_start3A = tpu.memref_slice %arg4[%mul3A_2] : memref<196608xi32, #tpu.memory_space<hbm>> -> memref<6144xi32, #tpu.memory_space<hbm>>
      %dma_start3A_11 = tpu.memref_slice %arg4[%mul3A_2] : memref<196608xi32, #tpu.memory_space<hbm>> -> memref<6144xi32, #tpu.memory_space<hbm>>
      tpu.enqueue_dma source(%dma_start3A_11 : memref<6144xi32, #tpu.memory_space<hbm>>) target(%arg7 : memref<6144xi32, #tpu.memory_space<vmem>>) target_semaphore(%run_scoped3A : memref<!tpu.dma_semaphore, #tpu.memory_space<semaphore_mem>>)
      %dma_wait3A = tpu.memref_slice %arg4[%mul3A_2] : memref<196608xi32, #tpu.memory_space<hbm>> -> memref<6144xi32, #tpu.memory_space<hbm>>
      %dma_wait3A_12 = tpu.memref_slice %arg4[%mul3A_2] : memref<196608xi32, #tpu.memory_space<hbm>> -> memref<6144xi32, #tpu.memory_space<hbm>>
      tpu.wait_dma2 semaphore(%run_scoped3A : memref<!tpu.dma_semaphore, #tpu.memory_space<semaphore_mem>>) src(%dma_wait3A_12 : memref<6144xi32, #tpu.memory_space<hbm>>) dst(%arg7 : memref<6144xi32, #tpu.memory_space<vmem>>)
      tpu.yield
    }) : () -> ()
    %scan3A = arith.constant 0 : i32
    %scan3A_3 = arith.constant 0 : i32
    %scan3A_4 = arith.constant 24 : i32
    %scan3A_5 = arith.addi %scan3A_3, %scan3A_4 : i32
    %scan3A_6 = arith.constant 1 : i32
    %scan3A_7 = scf.for %scan3A_11 = %scan3A_3 to %scan3A_5 step %scan3A_6 iter_args(%scan3A_12 = %scan3A) -> (i32)  : i32 {
      %mul3A_13 = arith.constant 2 : i32
      %mul3A_14 = arith.muli %mul3A_13, %scan3A_11 : i32
      %mul3A_15 = arith.constant 2 : i32
      %mul3A_16 = arith.muli %mul3A_15, %scan3A_11 : i32
      %add3A_17 = arith.constant 1 : i32
      %add3A_18 = arith.addi %mul3A_16, %add3A_17 : i32
      %mul3A_19 = arith.constant 128 : i32
      %mul3A_20 = arith.muli %mul3A_14, %mul3A_19 : i32
      %add3A_21 = arith.constant 0 : i32
      %add3A_22 = arith.addi %mul3A_20, %add3A_21 : i32
      %get3A = arith.index_cast %add3A_22 : i32 to index
      %get3A_23 = tpu.vector_load %arg7[%get3A] {strides = array<i32>} : memref<6144xi32, #tpu.memory_space<vmem>>, vector<16xi32>,
      %get3A_24 = vector.shape_cast %get3A_23 : vector<16xi32> to vector<16xi32>
      %mul3A_25 = arith.constant 4 : i32
      %mul3A_26 = vector.broadcast %mul3A_25 : i32 to vector<16xi32>
      %mul3A_27 = arith.muli %get3A_24, %mul3A_26 : vector<16xi32>
      %add3A_28 = arith.constant 0 : i32
      %add3A_29 = vector.broadcast %add3A_28 : i32 to vector<16xi32>
      %add3A_30 = arith.addi %mul3A_27, %add3A_29 : vector<16xi32>
      %swap3A = arith.constant 0 : index
      %swap3A_31 = tpu.vector_load %arg10[%swap3A] {strides = array<i32>} : memref<384xi32, #tpu.memory_space<vmem>>, vector<16xi32>,
      %swap3A_32 = vector.shape_cast %swap3A_31 : vector<16xi32> to vector<16xi32>
      %swap3A_33 = vector.shape_cast %add3A_30 : vector<16xi32> to vector<16xi32>
      tpu.vector_store %arg10[%swap3A], %swap3A_33 {strides = array<i32>} : memref<384xi32, #tpu.memory_space<vmem>>, vector<16xi32>,
      %mul3A_34 = arith.constant 4 : i32
      %mul3A_35 = vector.broadcast %mul3A_34 : i32 to vector<16xi32>
      %mul3A_36 = arith.muli %get3A_24, %mul3A_35 : vector<16xi32>
      %add3A_37 = arith.constant 1 : i32
      %add3A_38 = vector.broadcast %add3A_37 : i32 to vector<16xi32>
      %add3A_39 = arith.addi %mul3A_36, %add3A_38 : vector<16xi32>
      %swap3A_40 = arith.constant 128 : index
      %swap3A_41 = tpu.vector_load %arg10[%swap3A_40] {strides = array<i32>} : memref<384xi32, #tpu.memory_space<vmem>>, vector<16xi32>,
      %swap3A_42 = vector.shape_cast %swap3A_41 : vector<16xi32> to vector<16xi32>
      %swap3A_43 = vector.shape_cast %add3A_39 : vector<16xi32> to vector<16xi32>
      tpu.vector_store %arg10[%swap3A_40], %swap3A_43 {strides = array<i32>} : memref<384xi32, #tpu.memory_space<vmem>>, vector<16xi32>,
      %mul3A_44 = arith.constant 4 : i32
      %mul3A_45 = vector.broadcast %mul3A_44 : i32 to vector<16xi32>
      %mul3A_46 = arith.muli %get3A_24, %mul3A_45 : vector<16xi32>
      %add3A_47 = arith.constant 2 : i32
      %add3A_48 = vector.broadcast %add3A_47 : i32 to vector<16xi32>
      %add3A_49 = arith.addi %mul3A_46, %add3A_48 : vector<16xi32>
      %swap3A_50 = arith.constant 256 : index
      %swap3A_51 = tpu.vector_load %arg10[%swap3A_50] {strides = array<i32>} : memref<384xi32, #tpu.memory_space<vmem>>, vector<16xi32>,
      %swap3A_52 = vector.shape_cast %swap3A_51 : vector<16xi32> to vector<16xi32>
      %swap3A_53 = vector.shape_cast %add3A_49 : vector<16xi32> to vector<16xi32>
      tpu.vector_store %arg10[%swap3A_50], %swap3A_53 {strides = array<i32>} : memref<384xi32, #tpu.memory_space<vmem>>, vector<16xi32>,
      %mul3A_54 = arith.constant 128 : i32
      %mul3A_55 = arith.muli %mul3A_14, %mul3A_54 : i32
      %add3A_56 = arith.constant 16 : i32
      %add3A_57 = arith.addi %mul3A_55, %add3A_56 : i32
      %get3A_58 = arith.index_cast %add3A_57 : i32 to index
      %get3A_59 = tpu.vector_load %arg7[%get3A_58] {strides = array<i32>} : memref<6144xi32, #tpu.memory_space<vmem>>, vector<16xi32>,
      %get3A_60 = vector.shape_cast %get3A_59 : vector<16xi32> to vector<16xi32>
      %mul3A_61 = arith.constant 4 : i32
      %mul3A_62 = vector.broadcast %mul3A_61 : i32 to vector<16xi32>
      %mul3A_63 = arith.muli %get3A_60, %mul3A_62 : vector<16xi32>
      %add3A_64 = arith.constant 0 : i32
      %add3A_65 = vector.broadcast %add3A_64 : i32 to vector<16xi32>
      %add3A_66 = arith.addi %mul3A_63, %add3A_65 : vector<16xi32>
      %swap3A_67 = arith.constant 16 : index
      %swap3A_68 = tpu.vector_load %arg10[%swap3A_67] {strides = array<i32>} : memref<384xi32, #tpu.memory_space<vmem>>, vector<16xi32>,
      %swap3A_69 = vector.shape_cast %swap3A_68 : vector<16xi32> to vector<16xi32>
      %swap3A_70 = vector.shape_cast %add3A_66 : vector<16xi32> to vector<16xi32>
      tpu.vector_store %arg10[%swap3A_67], %swap3A_70 {strides = array<i32>} : memref<384xi32, #tpu.memory_space<vmem>>, vector<16xi32>,
      %mul3A_71 = arith.constant 4 : i32
      %mul3A_72 = vector.broadcast %mul3A_71 : i32 to vector<16xi32>
      %mul3A_73 = arith.muli %get3A_60, %mul3A_72 : vector<16xi32>
      %add3A_74 = arith.constant 1 : i32
      %add3A_75 = vector.broadcast %add3A_74 : i32 to vector<16xi32>
      %add3A_76 = arith.addi %mul3A_73, %add3A_75 : vector<16xi32>
      %swap3A_77 = arith.constant 144 : index
      %swap3A_78 = tpu.vector_load %arg10[%swap3A_77] {strides = array<i32>} : memref<384xi32, #tpu.memory_space<vmem>>, vector<16xi32>,
      %swap3A_79 = vector.shape_cast %swap3A_78 : vector<16xi32> to vector<16xi32>
      %swap3A_80 = vector.shape_cast %add3A_76 : vector<16xi32> to vector<16xi32>
      tpu.vector_store %arg10[%swap3A_77], %swap3A_80 {strides = array<i32>} : memref<384xi32, #tpu.memory_space<vmem>>, vector<16xi32>,
      %mul3A_81 = arith.constant 4 : i32
      %mul3A_82 = vector.broadcast %mul3A_81 : i32 to vector<16xi32>
      %mul3A_83 = arith.muli %get3A_60, %mul3A_82 : vector<16xi32>
      %add3A_84 = arith.constant 2 : i32
      %add3A_85 = vector.broadcast %add3A_84 : i32 to vector<16xi32>
      %add3A_86 = arith.addi %mul3A_83, %add3A_85 : vector<16xi32>
      %swap3A_87 = arith.constant 272 : index
      %swap3A_88 = tpu.vector_load %arg10[%swap3A_87] {strides = array<i32>} : memref<384xi32, #tpu.memory_space<vmem>>, vector<16xi32>,
      %swap3A_89 = vector.shape_cast %swap3A_88 : vector<16xi32> to vector<16xi32>
      %swap3A_90 = vector.shape_cast %add3A_86 : vector<16xi32> to vector<16xi32>
      tpu.vector_store %arg10[%swap3A_87], %swap3A_90 {strides = array<i32>} : memref<384xi32, #tpu.memory_space<vmem>>, vector<16xi32>,
      %mul3A_91 = arith.constant 128 : i32
      %mul3A_92 = arith.muli %mul3A_14, %mul3A_91 : i32
      %add3A_93 = arith.constant 32 : i32
      %add3A_94 = arith.addi %mul3A_92, %add3A_93 : i32
      %get3A_95 = arith.index_cast %add3A_94 : i32 to index
      %get3A_96 = tpu.vector_load %arg7[%get3A_95] {strides = array<i32>} : memref<6144xi32, #tpu.memory_space<vmem>>, vector<16xi32>,
      %get3A_97 = vector.shape_cast %get3A_96 : vector<16xi32> to vector<16xi32>
      %mul3A_98 = arith.constant 4 : i32
      %mul3A_99 = vector.broadcast %mul3A_98 : i32 to vector<16xi32>
      %mul3A_100 = arith.muli %get3A_97, %mul3A_99 : vector<16xi32>
      %add3A_101 = arith.constant 0 : i32
      %add3A_102 = vector.broadcast %add3A_101 : i32 to vector<16xi32>
      %add3A_103 = arith.addi %mul3A_100, %add3A_102 : vector<16xi32>
      %swap3A_104 = arith.constant 32 : index
      %swap3A_105 = tpu.vector_load %arg10[%swap3A_104] {strides = array<i32>} : memref<384xi32, #tpu.memory_space<vmem>>, vector<16xi32>,
      %swap3A_106 = vector.shape_cast %swap3A_105 : vector<16xi32> to vector<16xi32>
      %swap3A_107 = vector.shape_cast %add3A_103 : vector<16xi32> to vector<16xi32>
      tpu.vector_store %arg10[%swap3A_104], %swap3A_107 {strides = array<i32>} : memref<384xi32, #tpu.memory_space<vmem>>, vector<16xi32>,
      %mul3A_108 = arith.constant 4 : i32
      %mul3A_109 = vector.broadcast %mul3A_108 : i32 to vector<16xi32>
      %mul3A_110 = arith.muli %get3A_97, %mul3A_109 : vector<16xi32>
      %add3A_111 = arith.constant 1 : i32
      %add3A_112 = vector.broadcast %add3A_111 : i32 to vector<16xi32>
      %add3A_113 = arith.addi %mul3A_110, %add3A_112 : vector<16xi32>
      %swap3A_114 = arith.constant 160 : index
      %swap3A_115 = tpu.vector_load %arg10[%swap3A_114] {strides = array<i32>} : memref<384xi32, #tpu.memory_space<vmem>>, vector<16xi32>,
      %swap3A_116 = vector.shape_cast %swap3A_115 : vector<16xi32> to vector<16xi32>
      %swap3A_117 = vector.shape_cast %add3A_113 : vector<16xi32> to vector<16xi32>
      tpu.vector_store %arg10[%swap3A_114], %swap3A_117 {strides = array<i32>} : memref<384xi32, #tpu.memory_space<vmem>>, vector<16xi32>,
      %mul3A_118 = arith.constant 4 : i32
      %mul3A_119 = vector.broadcast %mul3A_118 : i32 to vector<16xi32>
      %mul3A_120 = arith.muli %get3A_97, %mul3A_119 : vector<16xi32>
      %add3A_121 = arith.constant 2 : i32
      %add3A_122 = vector.broadcast %add3A_121 : i32 to vector<16xi32>
      %add3A_123 = arith.addi %mul3A_120, %add3A_122 : vector<16xi32>
      %swap3A_124 = arith.constant 288 : index
      %swap3A_125 = tpu.vector_load %arg10[%swap3A_124] {strides = array<i32>} : memref<384xi32, #tpu.memory_space<vmem>>, vector<16xi32>,
      %swap3A_126 = vector.shape_cast %swap3A_125 : vector<16xi32> to vector<16xi32>
      %swap3A_127 = vector.shape_cast %add3A_123 : vector<16xi32> to vector<16xi32>
      tpu.vector_store %arg10[%swap3A_124], %swap3A_127 {strides = array<i32>} : memref<384xi32, #tpu.memory_space<vmem>>, vector<16xi32>,
      %mul3A_128 = arith.constant 128 : i32
      %mul3A_129 = arith.muli %mul3A_14, %mul3A_128 : i32
      %add3A_130 = arith.constant 48 : i32
      %add3A_131 = arith.addi %mul3A_129, %add3A_130 : i32
      %get3A_132 = arith.index_cast %add3A_131 : i32 to index
      %get3A_133 = tpu.vector_load %arg7[%get3A_132] {strides = array<i32>} : memref<6144xi32, #tpu.memory_space<vmem>>, vector<16xi32>,
      %get3A_134 = vector.shape_cast %get3A_133 : vector<16xi32> to vector<16xi32>
      %mul3A_135 = arith.constant 4 : i32
      %mul3A_136 = vector.broadcast %mul3A_135 : i32 to vector<16xi32>
      %mul3A_137 = arith.muli %get3A_134, %mul3A_136 : vector<16xi32>
      %add3A_138 = arith.constant 0 : i32
      %add3A_139 = vector.broadcast %add3A_138 : i32 to vector<16xi32>
      %add3A_140 = arith.addi %mul3A_137, %add3A_139 : vector<16xi32>
      %swap3A_141 = arith.constant 48 : index
      %swap3A_142 = tpu.vector_load %arg10[%swap3A_141] {strides = array<i32>} : memref<384xi32, #tpu.memory_space<vmem>>, vector<16xi32>,
      %swap3A_143 = vector.shape_cast %swap3A_142 : vector<16xi32> to vector<16xi32>
      %swap3A_144 = vector.shape_cast %add3A_140 : vector<16xi32> to vector<16xi32>
      tpu.vector_store %arg10[%swap3A_141], %swap3A_144 {strides = array<i32>} : memref<384xi32, #tpu.memory_space<vmem>>, vector<16xi32>,
      %mul3A_145 = arith.constant 4 : i32
      %mul3A_146 = vector.broadcast %mul3A_145 : i32 to vector<16xi32>
      %mul3A_147 = arith.muli %get3A_134, %mul3A_146 : vector<16xi32>
      %add3A_148 = arith.constant 1 : i32
      %add3A_149 = vector.broadcast %add3A_148 : i32 to vector<16xi32>
      %add3A_150 = arith.addi %mul3A_147, %add3A_149 : vector<16xi32>
      %swap3A_151 = arith.constant 176 : index
      %swap3A_152 = tpu.vector_load %arg10[%swap3A_151] {strides = array<i32>} : memref<384xi32, #tpu.memory_space<vmem>>, vector<16xi32>,
      %swap3A_153 = vector.shape_cast %swap3A_152 : vector<16xi32> to vector<16xi32>
      %swap3A_154 = vector.shape_cast %add3A_150 : vector<16xi32> to vector<16xi32>
      tpu.vector_store %arg10[%swap3A_151], %swap3A_154 {strides = array<i32>} : memref<384xi32, #tpu.memory_space<vmem>>, vector<16xi32>,
      %mul3A_155 = arith.constant 4 : i32
      %mul3A_156 = vector.broadcast %mul3A_155 : i32 to vector<16xi32>
      %mul3A_157 = arith.muli %get3A_134, %mul3A_156 : vector<16xi32>
      %add3A_158 = arith.constant 2 : i32
      %add3A_159 = vector.broadcast %add3A_158 : i32 to vector<16xi32>
      %add3A_160 = arith.addi %mul3A_157, %add3A_159 : vector<16xi32>
      %swap3A_161 = arith.constant 304 : index
      %swap3A_162 = tpu.vector_load %arg10[%swap3A_161] {strides = array<i32>} : memref<384xi32, #tpu.memory_space<vmem>>, vector<16xi32>,
      %swap3A_163 = vector.shape_cast %swap3A_162 : vector<16xi32> to vector<16xi32>
      %swap3A_164 = vector.shape_cast %add3A_160 : vector<16xi32> to vector<16xi32>
      tpu.vector_store %arg10[%swap3A_161], %swap3A_164 {strides = array<i32>} : memref<384xi32, #tpu.memory_space<vmem>>, vector<16xi32>,
      %mul3A_165 = arith.constant 128 : i32
      %mul3A_166 = arith.muli %mul3A_14, %mul3A_165 : i32
      %add3A_167 = arith.constant 64 : i32
      %add3A_168 = arith.addi %mul3A_166, %add3A_167 : i32
      %get3A_169 = arith.index_cast %add3A_168 : i32 to index
      %get3A_170 = tpu.vector_load %arg7[%get3A_169] {strides = array<i32>} : memref<6144xi32, #tpu.memory_space<vmem>>, vector<16xi32>,
      %get3A_171 = vector.shape_cast %get3A_170 : vector<16xi32> to vector<16xi32>
      %mul3A_172 = arith.constant 4 : i32
      %mul3A_173 = vector.broadcast %mul3A_172 : i32 to vector<16xi32>
      %mul3A_174 = arith.muli %get3A_171, %mul3A_173 : vector<16xi32>
      %add3A_175 = arith.constant 0 : i32
      %add3A_176 = vector.broadcast %add3A_175 : i32 to vector<16xi32>
      %add3A_177 = arith.addi %mul3A_174, %add3A_176 : vector<16xi32>
      %swap3A_178 = arith.constant 64 : index
      %swap3A_179 = tpu.vector_load %arg10[%swap3A_178] {strides = array<i32>} : memref<384xi32, #tpu.memory_space<vmem>>, vector<16xi32>,
      %swap3A_180 = vector.shape_cast %swap3A_179 : vector<16xi32> to vector<16xi32>
      %swap3A_181 = vector.shape_cast %add3A_177 : vector<16xi32> to vector<16xi32>
      tpu.vector_store %arg10[%swap3A_178], %swap3A_181 {strides = array<i32>} : memref<384xi32, #tpu.memory_space<vmem>>, vector<16xi32>,
      %mul3A_182 = arith.constant 4 : i32
      %mul3A_183 = vector.broadcast %mul3A_182 : i32 to vector<16xi32>
      %mul3A_184 = arith.muli %get3A_171, %mul3A_183 : vector<16xi32>
      %add3A_185 = arith.constant 1 : i32
      %add3A_186 = vector.broadcast %add3A_185 : i32 to vector<16xi32>
      %add3A_187 = arith.addi %mul3A_184, %add3A_186 : vector<16xi32>
      %swap3A_188 = arith.constant 192 : index
      %swap3A_189 = tpu.vector_load %arg10[%swap3A_188] {strides = array<i32>} : memref<384xi32, #tpu.memory_space<vmem>>, vector<16xi32>,
      %swap3A_190 = vector.shape_cast %swap3A_189 : vector<16xi32> to vector<16xi32>
      %swap3A_191 = vector.shape_cast %add3A_187 : vector<16xi32> to vector<16xi32>
      tpu.vector_store %arg10[%swap3A_188], %swap3A_191 {strides = array<i32>} : memref<384xi32, #tpu.memory_space<vmem>>, vector<16xi32>,
      %mul3A_192 = arith.constant 4 : i32
      %mul3A_193 = vector.broadcast %mul3A_192 : i32 to vector<16xi32>
      %mul3A_194 = arith.muli %get3A_171, %mul3A_193 : vector<16xi32>
      %add3A_195 = arith.constant 2 : i32
      %add3A_196 = vector.broadcast %add3A_195 : i32 to vector<16xi32>
      %add3A_197 = arith.addi %mul3A_194, %add3A_196 : vector<16xi32>
      %swap3A_198 = arith.constant 320 : index
      %swap3A_199 = tpu.vector_load %arg10[%swap3A_198] {strides = array<i32>} : memref<384xi32, #tpu.memory_space<vmem>>, vector<16xi32>,
      %swap3A_200 = vector.shape_cast %swap3A_199 : vector<16xi32> to vector<16xi32>
      %swap3A_201 = vector.shape_cast %add3A_197 : vector<16xi32> to vector<16xi32>
      tpu.vector_store %arg10[%swap3A_198], %swap3A_201 {strides = array<i32>} : memref<384xi32, #tpu.memory_space<vmem>>, vector<16xi32>,
      %mul3A_202 = arith.constant 128 : i32
      %mul3A_203 = arith.muli %mul3A_14, %mul3A_202 : i32
      %add3A_204 = arith.constant 80 : i32
      %add3A_205 = arith.addi %mul3A_203, %add3A_204 : i32
      %get3A_206 = arith.index_cast %add3A_205 : i32 to index
      %get3A_207 = tpu.vector_load %arg7[%get3A_206] {strides = array<i32>} : memref<6144xi32, #tpu.memory_space<vmem>>, vector<16xi32>,
      %get3A_208 = vector.shape_cast %get3A_207 : vector<16xi32> to vector<16xi32>
      %mul3A_209 = arith.constant 4 : i32
      %mul3A_210 = vector.broadcast %mul3A_209 : i32 to vector<16xi32>
      %mul3A_211 = arith.muli %get3A_208, %mul3A_210 : vector<16xi32>
      %add3A_212 = arith.constant 0 : i32
      %add3A_213 = vector.broadcast %add3A_212 : i32 to vector<16xi32>
      %add3A_214 = arith.addi %mul3A_211, %add3A_213 : vector<16xi32>
      %swap3A_215 = arith.constant 80 : index
      %swap3A_216 = tpu.vector_load %arg10[%swap3A_215] {strides = array<i32>} : memref<384xi32, #tpu.memory_space<vmem>>, vector<16xi32>,
      %swap3A_217 = vector.shape_cast %swap3A_216 : vector<16xi32> to vector<16xi32>
      %swap3A_218 = vector.shape_cast %add3A_214 : vector<16xi32> to vector<16xi32>
      tpu.vector_store %arg10[%swap3A_215], %swap3A_218 {strides = array<i32>} : memref<384xi32, #tpu.memory_space<vmem>>, vector<16xi32>,
      %mul3A_219 = arith.constant 4 : i32
      %mul3A_220 = vector.broadcast %mul3A_219 : i32 to vector<16xi32>
      %mul3A_221 = arith.muli %get3A_208, %mul3A_220 : vector<16xi32>
      %add3A_222 = arith.constant 1 : i32
      %add3A_223 = vector.broadcast %add3A_222 : i32 to vector<16xi32>
      %add3A_224 = arith.addi %mul3A_221, %add3A_223 : vector<16xi32>
      %swap3A_225 = arith.constant 208 : index
      %swap3A_226 = tpu.vector_load %arg10[%swap3A_225] {strides = array<i32>} : memref<384xi32, #tpu.memory_space<vmem>>, vector<16xi32>,
      %swap3A_227 = vector.shape_cast %swap3A_226 : vector<16xi32> to vector<16xi32>
      %swap3A_228 = vector.shape_cast %add3A_224 : vector<16xi32> to vector<16xi32>
      tpu.vector_store %arg10[%swap3A_225], %swap3A_228 {strides = array<i32>} : memref<384xi32, #tpu.memory_space<vmem>>, vector<16xi32>,
      %mul3A_229 = arith.constant 4 : i32
      %mul3A_230 = vector.broadcast %mul3A_229 : i32 to vector<16xi32>
      %mul3A_231 = arith.muli %get3A_208, %mul3A_230 : vector<16xi32>
      %add3A_232 = arith.constant 2 : i32
      %add3A_233 = vector.broadcast %add3A_232 : i32 to vector<16xi32>
      %add3A_234 = arith.addi %mul3A_231, %add3A_233 : vector<16xi32>
      %swap3A_235 = arith.constant 336 : index
      %swap3A_236 = tpu.vector_load %arg10[%swap3A_235] {strides = array<i32>} : memref<384xi32, #tpu.memory_space<vmem>>, vector<16xi32>,
      %swap3A_237 = vector.shape_cast %swap3A_236 : vector<16xi32> to vector<16xi32>
      %swap3A_238 = vector.shape_cast %add3A_234 : vector<16xi32> to vector<16xi32>
      tpu.vector_store %arg10[%swap3A_235], %swap3A_238 {strides = array<i32>} : memref<384xi32, #tpu.memory_space<vmem>>, vector<16xi32>,
      %mul3A_239 = arith.constant 128 : i32
      %mul3A_240 = arith.muli %mul3A_14, %mul3A_239 : i32
      %add3A_241 = arith.constant 96 : i32
      %add3A_242 = arith.addi %mul3A_240, %add3A_241 : i32
      %get3A_243 = arith.index_cast %add3A_242 : i32 to index
      %get3A_244 = tpu.vector_load %arg7[%get3A_243] {strides = array<i32>} : memref<6144xi32, #tpu.memory_space<vmem>>, vector<16xi32>,
      %get3A_245 = vector.shape_cast %get3A_244 : vector<16xi32> to vector<16xi32>
      %mul3A_246 = arith.constant 4 : i32
      %mul3A_247 = vector.broadcast %mul3A_246 : i32 to vector<16xi32>
      %mul3A_248 = arith.muli %get3A_245, %mul3A_247 : vector<16xi32>
      %add3A_249 = arith.constant 0 : i32
      %add3A_250 = vector.broadcast %add3A_249 : i32 to vector<16xi32>
      %add3A_251 = arith.addi %mul3A_248, %add3A_250 : vector<16xi32>
      %swap3A_252 = arith.constant 96 : index
      %swap3A_253 = tpu.vector_load %arg10[%swap3A_252] {strides = array<i32>} : memref<384xi32, #tpu.memory_space<vmem>>, vector<16xi32>,
      %swap3A_254 = vector.shape_cast %swap3A_253 : vector<16xi32> to vector<16xi32>
      %swap3A_255 = vector.shape_cast %add3A_251 : vector<16xi32> to vector<16xi32>
      tpu.vector_store %arg10[%swap3A_252], %swap3A_255 {strides = array<i32>} : memref<384xi32, #tpu.memory_space<vmem>>, vector<16xi32>,
      %mul3A_256 = arith.constant 4 : i32
      %mul3A_257 = vector.broadcast %mul3A_256 : i32 to vector<16xi32>
      %mul3A_258 = arith.muli %get3A_245, %mul3A_257 : vector<16xi32>
      %add3A_259 = arith.constant 1 : i32
      %add3A_260 = vector.broadcast %add3A_259 : i32 to vector<16xi32>
      %add3A_261 = arith.addi %mul3A_258, %add3A_260 : vector<16xi32>
      %swap3A_262 = arith.constant 224 : index
      %swap3A_263 = tpu.vector_load %arg10[%swap3A_262] {strides = array<i32>} : memref<384xi32, #tpu.memory_space<vmem>>, vector<16xi32>,
      %swap3A_264 = vector.shape_cast %swap3A_263 : vector<16xi32> to vector<16xi32>
      %swap3A_265 = vector.shape_cast %add3A_261 : vector<16xi32> to vector<16xi32>
      tpu.vector_store %arg10[%swap3A_262], %swap3A_265 {strides = array<i32>} : memref<384xi32, #tpu.memory_space<vmem>>, vector<16xi32>,
      %mul3A_266 = arith.constant 4 : i32
      %mul3A_267 = vector.broadcast %mul3A_266 : i32 to vector<16xi32>
      %mul3A_268 = arith.muli %get3A_245, %mul3A_267 : vector<16xi32>
      %add3A_269 = arith.constant 2 : i32
      %add3A_270 = vector.broadcast %add3A_269 : i32 to vector<16xi32>
      %add3A_271 = arith.addi %mul3A_268, %add3A_270 : vector<16xi32>
      %swap3A_272 = arith.constant 352 : index
      %swap3A_273 = tpu.vector_load %arg10[%swap3A_272] {strides = array<i32>} : memref<384xi32, #tpu.memory_space<vmem>>, vector<16xi32>,
      %swap3A_274 = vector.shape_cast %swap3A_273 : vector<16xi32> to vector<16xi32>
      %swap3A_275 = vector.shape_cast %add3A_271 : vector<16xi32> to vector<16xi32>
      tpu.vector_store %arg10[%swap3A_272], %swap3A_275 {strides = array<i32>} : memref<384xi32, #tpu.memory_space<vmem>>, vector<16xi32>,
      %mul3A_276 = arith.constant 128 : i32
      %mul3A_277 = arith.muli %mul3A_14, %mul3A_276 : i32
      %add3A_278 = arith.constant 112 : i32
      %add3A_279 = arith.addi %mul3A_277, %add3A_278 : i32
      %get3A_280 = arith.index_cast %add3A_279 : i32 to index
      %get3A_281 = tpu.vector_load %arg7[%get3A_280] {strides = array<i32>} : memref<6144xi32, #tpu.memory_space<vmem>>, vector<16xi32>,
      %get3A_282 = vector.shape_cast %get3A_281 : vector<16xi32> to vector<16xi32>
      %mul3A_283 = arith.constant 4 : i32
      %mul3A_284 = vector.broadcast %mul3A_283 : i32 to vector<16xi32>
      %mul3A_285 = arith.muli %get3A_282, %mul3A_284 : vector<16xi32>
      %add3A_286 = arith.constant 0 : i32
      %add3A_287 = vector.broadcast %add3A_286 : i32 to vector<16xi32>
      %add3A_288 = arith.addi %mul3A_285, %add3A_287 : vector<16xi32>
      %swap3A_289 = arith.constant 112 : index
      %swap3A_290 = tpu.vector_load %arg10[%swap3A_289] {strides = array<i32>} : memref<384xi32, #tpu.memory_space<vmem>>, vector<16xi32>,
      %swap3A_291 = vector.shape_cast %swap3A_290 : vector<16xi32> to vector<16xi32>
      %swap3A_292 = vector.shape_cast %add3A_288 : vector<16xi32> to vector<16xi32>
      tpu.vector_store %arg10[%swap3A_289], %swap3A_292 {strides = array<i32>} : memref<384xi32, #tpu.memory_space<vmem>>, vector<16xi32>,
      %mul3A_293 = arith.constant 4 : i32
      %mul3A_294 = vector.broadcast %mul3A_293 : i32 to vector<16xi32>
      %mul3A_295 = arith.muli %get3A_282, %mul3A_294 : vector<16xi32>
      %add3A_296 = arith.constant 1 : i32
      %add3A_297 = vector.broadcast %add3A_296 : i32 to vector<16xi32>
      %add3A_298 = arith.addi %mul3A_295, %add3A_297 : vector<16xi32>
      %swap3A_299 = arith.constant 240 : index
      %swap3A_300 = tpu.vector_load %arg10[%swap3A_299] {strides = array<i32>} : memref<384xi32, #tpu.memory_space<vmem>>, vector<16xi32>,
      %swap3A_301 = vector.shape_cast %swap3A_300 : vector<16xi32> to vector<16xi32>
      %swap3A_302 = vector.shape_cast %add3A_298 : vector<16xi32> to vector<16xi32>
      tpu.vector_store %arg10[%swap3A_299], %swap3A_302 {strides = array<i32>} : memref<384xi32, #tpu.memory_space<vmem>>, vector<16xi32>,
      %mul3A_303 = arith.constant 4 : i32
      %mul3A_304 = vector.broadcast %mul3A_303 : i32 to vector<16xi32>
      %mul3A_305 = arith.muli %get3A_282, %mul3A_304 : vector<16xi32>
      %add3A_306 = arith.constant 2 : i32
      %add3A_307 = vector.broadcast %add3A_306 : i32 to vector<16xi32>
      %add3A_308 = arith.addi %mul3A_305, %add3A_307 : vector<16xi32>
      %swap3A_309 = arith.constant 368 : index
      %swap3A_310 = tpu.vector_load %arg10[%swap3A_309] {strides = array<i32>} : memref<384xi32, #tpu.memory_space<vmem>>, vector<16xi32>,
      %swap3A_311 = vector.shape_cast %swap3A_310 : vector<16xi32> to vector<16xi32>
      %swap3A_312 = vector.shape_cast %add3A_308 : vector<16xi32> to vector<16xi32>
      tpu.vector_store %arg10[%swap3A_309], %swap3A_312 {strides = array<i32>} : memref<384xi32, #tpu.memory_space<vmem>>, vector<16xi32>,
      %mul3A_313 = arith.constant 128 : i32
      %mul3A_314 = arith.muli %mul3A_14, %mul3A_313 : i32
      %dma_start3A = tpu.memref_slice %arg7[%mul3A_314] : memref<6144xi32, #tpu.memory_space<vmem>> -> memref<128xi32, #tpu.memory_space<vmem>>
      %dma_start3A_315 = arith.constant 0 : i32
      %dma_start3A_316 = arith.constant 0 : i32
      %dma_start3A_317 = tpu.memref_slice %arg2[%dma_start3A_315, %dma_start3A_316] : memref<8192x128xf32, #tpu.memory_space<hbm>> -> memref<8192x128xf32, #tpu.memory_space<hbm>>
      tpu.enqueue_indirect_dma source(%dma_start3A_317 : memref<8192x128xf32, #tpu.memory_space<hbm>>) target(%arg8 : memref<128x128xf32, #tpu.memory_space<vmem>>) offsets(%dma_start3A : memref<128xi32, #tpu.memory_space<vmem>>) semaphore(%arg13 : memref<!tpu.dma_semaphore, #tpu.memory_space<semaphore_mem>>)
      %mul3A_318 = arith.constant 3 : i32
      %mul3A_319 = arith.muli %mul3A_14, %mul3A_318 : i32
      %mul3A_320 = arith.constant 128 : i32
      %mul3A_321 = arith.muli %mul3A_319, %mul3A_320 : i32
      %dma_start3A_322 = tpu.memref_slice %arg12[%mul3A_321] : memref<18432xf32, #tpu.memory_space<vmem>> -> memref<384xf32, #tpu.memory_space<vmem>>
      %dma_start3A_323 = arith.constant 0 : i32
      %dma_start3A_324 = tpu.memref_slice %arg3[%dma_start3A_323] : memref<32768xf32, #tpu.memory_space<hbm>> -> memref<32768xf32, #tpu.memory_space<hbm>>
      tpu.enqueue_indirect_dma source(%dma_start3A_324 : memref<32768xf32, #tpu.memory_space<hbm>>) target(%dma_start3A_322 : memref<384xf32, #tpu.memory_space<vmem>>) offsets(%arg10 : memref<384xi32, #tpu.memory_space<vmem>>) semaphore(%arg15 : memref<!tpu.dma_semaphore, #tpu.memory_space<semaphore_mem>>)
      %mul3A_325 = arith.constant 128 : i32
      %mul3A_326 = arith.muli %add3A_18, %mul3A_325 : i32
      %add3A_327 = arith.constant 0 : i32
      %add3A_328 = arith.addi %mul3A_326, %add3A_327 : i32
      %get3A_329 = arith.index_cast %add3A_328 : i32 to index
      %get3A_330 = tpu.vector_load %arg7[%get3A_329] {strides = array<i32>} : memref<6144xi32, #tpu.memory_space<vmem>>, vector<16xi32>,
      %get3A_331 = vector.shape_cast %get3A_330 : vector<16xi32> to vector<16xi32>
      %mul3A_332 = arith.constant 4 : i32
      %mul3A_333 = vector.broadcast %mul3A_332 : i32 to vector<16xi32>
      %mul3A_334 = arith.muli %get3A_331, %mul3A_333 : vector<16xi32>
      %add3A_335 = arith.constant 0 : i32
      %add3A_336 = vector.broadcast %add3A_335 : i32 to vector<16xi32>
      %add3A_337 = arith.addi %mul3A_334, %add3A_336 : vector<16xi32>
      %swap3A_338 = arith.constant 0 : index
      %swap3A_339 = tpu.vector_load %arg11[%swap3A_338] {strides = array<i32>} : memref<384xi32, #tpu.memory_space<vmem>>, vector<16xi32>,
      %swap3A_340 = vector.shape_cast %swap3A_339 : vector<16xi32> to vector<16xi32>
      %swap3A_341 = vector.shape_cast %add3A_337 : vector<16xi32> to vector<16xi32>
      tpu.vector_store %arg11[%swap3A_338], %swap3A_341 {strides = array<i32>} : memref<384xi32, #tpu.memory_space<vmem>>, vector<16xi32>,
      %mul3A_342 = arith.constant 4 : i32
      %mul3A_343 = vector.broadcast %mul3A_342 : i32 to vector<16xi32>
      %mul3A_344 = arith.muli %get3A_331, %mul3A_343 : vector<16xi32>
      %add3A_345 = arith.constant 1 : i32
      %add3A_346 = vector.broadcast %add3A_345 : i32 to vector<16xi32>
      %add3A_347 = arith.addi %mul3A_344, %add3A_346 : vector<16xi32>
      %swap3A_348 = arith.constant 128 : index
      %swap3A_349 = tpu.vector_load %arg11[%swap3A_348] {strides = array<i32>} : memref<384xi32, #tpu.memory_space<vmem>>, vector<16xi32>,
      %swap3A_350 = vector.shape_cast %swap3A_349 : vector<16xi32> to vector<16xi32>
      %swap3A_351 = vector.shape_cast %add3A_347 : vector<16xi32> to vector<16xi32>
      tpu.vector_store %arg11[%swap3A_348], %swap3A_351 {strides = array<i32>} : memref<384xi32, #tpu.memory_space<vmem>>, vector<16xi32>,
      %mul3A_352 = arith.constant 4 : i32
      %mul3A_353 = vector.broadcast %mul3A_352 : i32 to vector<16xi32>
      %mul3A_354 = arith.muli %get3A_331, %mul3A_353 : vector<16xi32>
      %add3A_355 = arith.constant 2 : i32
      %add3A_356 = vector.broadcast %add3A_355 : i32 to vector<16xi32>
      %add3A_357 = arith.addi %mul3A_354, %add3A_356 : vector<16xi32>
      %swap3A_358 = arith.constant 256 : index
      %swap3A_359 = tpu.vector_load %arg11[%swap3A_358] {strides = array<i32>} : memref<384xi32, #tpu.memory_space<vmem>>, vector<16xi32>,
      %swap3A_360 = vector.shape_cast %swap3A_359 : vector<16xi32> to vector<16xi32>
      %swap3A_361 = vector.shape_cast %add3A_357 : vector<16xi32> to vector<16xi32>
      tpu.vector_store %arg11[%swap3A_358], %swap3A_361 {strides = array<i32>} : memref<384xi32, #tpu.memory_space<vmem>>, vector<16xi32>,
      %mul3A_362 = arith.constant 128 : i32
      %mul3A_363 = arith.muli %add3A_18, %mul3A_362 : i32
      %add3A_364 = arith.constant 16 : i32
      %add3A_365 = arith.addi %mul3A_363, %add3A_364 : i32
      %get3A_366 = arith.index_cast %add3A_365 : i32 to index
      %get3A_367 = tpu.vector_load %arg7[%get3A_366] {strides = array<i32>} : memref<6144xi32, #tpu.memory_space<vmem>>, vector<16xi32>,
      %get3A_368 = vector.shape_cast %get3A_367 : vector<16xi32> to vector<16xi32>
      %mul3A_369 = arith.constant 4 : i32
      %mul3A_370 = vector.broadcast %mul3A_369 : i32 to vector<16xi32>
      %mul3A_371 = arith.muli %get3A_368, %mul3A_370 : vector<16xi32>
      %add3A_372 = arith.constant 0 : i32
      %add3A_373 = vector.broadcast %add3A_372 : i32 to vector<16xi32>
      %add3A_374 = arith.addi %mul3A_371, %add3A_373 : vector<16xi32>
      %swap3A_375 = arith.constant 16 : index
      %swap3A_376 = tpu.vector_load %arg11[%swap3A_375] {strides = array<i32>} : memref<384xi32, #tpu.memory_space<vmem>>, vector<16xi32>,
      %swap3A_377 = vector.shape_cast %swap3A_376 : vector<16xi32> to vector<16xi32>
      %swap3A_378 = vector.shape_cast %add3A_374 : vector<16xi32> to vector<16xi32>
      tpu.vector_store %arg11[%swap3A_375], %swap3A_378 {strides = array<i32>} : memref<384xi32, #tpu.memory_space<vmem>>, vector<16xi32>,
      %mul3A_379 = arith.constant 4 : i32
      %mul3A_380 = vector.broadcast %mul3A_379 : i32 to vector<16xi32>
      %mul3A_381 = arith.muli %get3A_368, %mul3A_380 : vector<16xi32>
      %add3A_382 = arith.constant 1 : i32
      %add3A_383 = vector.broadcast %add3A_382 : i32 to vector<16xi32>
      %add3A_384 = arith.addi %mul3A_381, %add3A_383 : vector<16xi32>
      %swap3A_385 = arith.constant 144 : index
      %swap3A_386 = tpu.vector_load %arg11[%swap3A_385] {strides = array<i32>} : memref<384xi32, #tpu.memory_space<vmem>>, vector<16xi32>,
      %swap3A_387 = vector.shape_cast %swap3A_386 : vector<16xi32> to vector<16xi32>
      %swap3A_388 = vector.shape_cast %add3A_384 : vector<16xi32> to vector<16xi32>
      tpu.vector_store %arg11[%swap3A_385], %swap3A_388 {strides = array<i32>} : memref<384xi32, #tpu.memory_space<vmem>>, vector<16xi32>,
      %mul3A_389 = arith.constant 4 : i32
      %mul3A_390 = vector.broadcast %mul3A_389 : i32 to vector<16xi32>
      %mul3A_391 = arith.muli %get3A_368, %mul3A_390 : vector<16xi32>
      %add3A_392 = arith.constant 2 : i32
      %add3A_393 = vector.broadcast %add3A_392 : i32 to vector<16xi32>
      %add3A_394 = arith.addi %mul3A_391, %add3A_393 : vector<16xi32>
      %swap3A_395 = arith.constant 272 : index
      %swap3A_396 = tpu.vector_load %arg11[%swap3A_395] {strides = array<i32>} : memref<384xi32, #tpu.memory_space<vmem>>, vector<16xi32>,
      %swap3A_397 = vector.shape_cast %swap3A_396 : vector<16xi32> to vector<16xi32>
      %swap3A_398 = vector.shape_cast %add3A_394 : vector<16xi32> to vector<16xi32>
      tpu.vector_store %arg11[%swap3A_395], %swap3A_398 {strides = array<i32>} : memref<384xi32, #tpu.memory_space<vmem>>, vector<16xi32>,
      %mul3A_399 = arith.constant 128 : i32
      %mul3A_400 = arith.muli %add3A_18, %mul3A_399 : i32
      %add3A_401 = arith.constant 32 : i32
      %add3A_402 = arith.addi %mul3A_400, %add3A_401 : i32
      %get3A_403 = arith.index_cast %add3A_402 : i32 to index
      %get3A_404 = tpu.vector_load %arg7[%get3A_403] {strides = array<i32>} : memref<6144xi32, #tpu.memory_space<vmem>>, vector<16xi32>,
      %get3A_405 = vector.shape_cast %get3A_404 : vector<16xi32> to vector<16xi32>
      %mul3A_406 = arith.constant 4 : i32
      %mul3A_407 = vector.broadcast %mul3A_406 : i32 to vector<16xi32>
      %mul3A_408 = arith.muli %get3A_405, %mul3A_407 : vector<16xi32>
      %add3A_409 = arith.constant 0 : i32
      %add3A_410 = vector.broadcast %add3A_409 : i32 to vector<16xi32>
      %add3A_411 = arith.addi %mul3A_408, %add3A_410 : vector<16xi32>
      %swap3A_412 = arith.constant 32 : index
      %swap3A_413 = tpu.vector_load %arg11[%swap3A_412] {strides = array<i32>} : memref<384xi32, #tpu.memory_space<vmem>>, vector<16xi32>,
      %swap3A_414 = vector.shape_cast %swap3A_413 : vector<16xi32> to vector<16xi32>
      %swap3A_415 = vector.shape_cast %add3A_411 : vector<16xi32> to vector<16xi32>
      tpu.vector_store %arg11[%swap3A_412], %swap3A_415 {strides = array<i32>} : memref<384xi32, #tpu.memory_space<vmem>>, vector<16xi32>,
      %mul3A_416 = arith.constant 4 : i32
      %mul3A_417 = vector.broadcast %mul3A_416 : i32 to vector<16xi32>
      %mul3A_418 = arith.muli %get3A_405, %mul3A_417 : vector<16xi32>
      %add3A_419 = arith.constant 1 : i32
      %add3A_420 = vector.broadcast %add3A_419 : i32 to vector<16xi32>
      %add3A_421 = arith.addi %mul3A_418, %add3A_420 : vector<16xi32>
      %swap3A_422 = arith.constant 160 : index
      %swap3A_423 = tpu.vector_load %arg11[%swap3A_422] {strides = array<i32>} : memref<384xi32, #tpu.memory_space<vmem>>, vector<16xi32>,
      %swap3A_424 = vector.shape_cast %swap3A_423 : vector<16xi32> to vector<16xi32>
      %swap3A_425 = vector.shape_cast %add3A_421 : vector<16xi32> to vector<16xi32>
      tpu.vector_store %arg11[%swap3A_422], %swap3A_425 {strides = array<i32>} : memref<384xi32, #tpu.memory_space<vmem>>, vector<16xi32>,
      %mul3A_426 = arith.constant 4 : i32
      %mul3A_427 = vector.broadcast %mul3A_426 : i32 to vector<16xi32>
      %mul3A_428 = arith.muli %get3A_405, %mul3A_427 : vector<16xi32>
      %add3A_429 = arith.constant 2 : i32
      %add3A_430 = vector.broadcast %add3A_429 : i32 to vector<16xi32>
      %add3A_431 = arith.addi %mul3A_428, %add3A_430 : vector<16xi32>
      %swap3A_432 = arith.constant 288 : index
      %swap3A_433 = tpu.vector_load %arg11[%swap3A_432] {strides = array<i32>} : memref<384xi32, #tpu.memory_space<vmem>>, vector<16xi32>,
      %swap3A_434 = vector.shape_cast %swap3A_433 : vector<16xi32> to vector<16xi32>
      %swap3A_435 = vector.shape_cast %add3A_431 : vector<16xi32> to vector<16xi32>
      tpu.vector_store %arg11[%swap3A_432], %swap3A_435 {strides = array<i32>} : memref<384xi32, #tpu.memory_space<vmem>>, vector<16xi32>,
      %mul3A_436 = arith.constant 128 : i32
      %mul3A_437 = arith.muli %add3A_18, %mul3A_436 : i32
      %add3A_438 = arith.constant 48 : i32
      %add3A_439 = arith.addi %mul3A_437, %add3A_438 : i32
      %get3A_440 = arith.index_cast %add3A_439 : i32 to index
      %get3A_441 = tpu.vector_load %arg7[%get3A_440] {strides = array<i32>} : memref<6144xi32, #tpu.memory_space<vmem>>, vector<16xi32>,
      %get3A_442 = vector.shape_cast %get3A_441 : vector<16xi32> to vector<16xi32>
      %mul3A_443 = arith.constant 4 : i32
      %mul3A_444 = vector.broadcast %mul3A_443 : i32 to vector<16xi32>
      %mul3A_445 = arith.muli %get3A_442, %mul3A_444 : vector<16xi32>
      %add3A_446 = arith.constant 0 : i32
      %add3A_447 = vector.broadcast %add3A_446 : i32 to vector<16xi32>
      %add3A_448 = arith.addi %mul3A_445, %add3A_447 : vector<16xi32>
      %swap3A_449 = arith.constant 48 : index
      %swap3A_450 = tpu.vector_load %arg11[%swap3A_449] {strides = array<i32>} : memref<384xi32, #tpu.memory_space<vmem>>, vector<16xi32>,
      %swap3A_451 = vector.shape_cast %swap3A_450 : vector<16xi32> to vector<16xi32>
      %swap3A_452 = vector.shape_cast %add3A_448 : vector<16xi32> to vector<16xi32>
      tpu.vector_store %arg11[%swap3A_449], %swap3A_452 {strides = array<i32>} : memref<384xi32, #tpu.memory_space<vmem>>, vector<16xi32>,
      %mul3A_453 = arith.constant 4 : i32
      %mul3A_454 = vector.broadcast %mul3A_453 : i32 to vector<16xi32>
      %mul3A_455 = arith.muli %get3A_442, %mul3A_454 : vector<16xi32>
      %add3A_456 = arith.constant 1 : i32
      %add3A_457 = vector.broadcast %add3A_456 : i32 to vector<16xi32>
      %add3A_458 = arith.addi %mul3A_455, %add3A_457 : vector<16xi32>
      %swap3A_459 = arith.constant 176 : index
      %swap3A_460 = tpu.vector_load %arg11[%swap3A_459] {strides = array<i32>} : memref<384xi32, #tpu.memory_space<vmem>>, vector<16xi32>,
      %swap3A_461 = vector.shape_cast %swap3A_460 : vector<16xi32> to vector<16xi32>
      %swap3A_462 = vector.shape_cast %add3A_458 : vector<16xi32> to vector<16xi32>
      tpu.vector_store %arg11[%swap3A_459], %swap3A_462 {strides = array<i32>} : memref<384xi32, #tpu.memory_space<vmem>>, vector<16xi32>,
      %mul3A_463 = arith.constant 4 : i32
      %mul3A_464 = vector.broadcast %mul3A_463 : i32 to vector<16xi32>
      %mul3A_465 = arith.muli %get3A_442, %mul3A_464 : vector<16xi32>
      %add3A_466 = arith.constant 2 : i32
      %add3A_467 = vector.broadcast %add3A_466 : i32 to vector<16xi32>
      %add3A_468 = arith.addi %mul3A_465, %add3A_467 : vector<16xi32>
      %swap3A_469 = arith.constant 304 : index
      %swap3A_470 = tpu.vector_load %arg11[%swap3A_469] {strides = array<i32>} : memref<384xi32, #tpu.memory_space<vmem>>, vector<16xi32>,
      %swap3A_471 = vector.shape_cast %swap3A_470 : vector<16xi32> to vector<16xi32>
      %swap3A_472 = vector.shape_cast %add3A_468 : vector<16xi32> to vector<16xi32>
      tpu.vector_store %arg11[%swap3A_469], %swap3A_472 {strides = array<i32>} : memref<384xi32, #tpu.memory_space<vmem>>, vector<16xi32>,
      %mul3A_473 = arith.constant 128 : i32
      %mul3A_474 = arith.muli %add3A_18, %mul3A_473 : i32
      %add3A_475 = arith.constant 64 : i32
      %add3A_476 = arith.addi %mul3A_474, %add3A_475 : i32
      %get3A_477 = arith.index_cast %add3A_476 : i32 to index
      %get3A_478 = tpu.vector_load %arg7[%get3A_477] {strides = array<i32>} : memref<6144xi32, #tpu.memory_space<vmem>>, vector<16xi32>,
      %get3A_479 = vector.shape_cast %get3A_478 : vector<16xi32> to vector<16xi32>
      %mul3A_480 = arith.constant 4 : i32
      %mul3A_481 = vector.broadcast %mul3A_480 : i32 to vector<16xi32>
      %mul3A_482 = arith.muli %get3A_479, %mul3A_481 : vector<16xi32>
      %add3A_483 = arith.constant 0 : i32
      %add3A_484 = vector.broadcast %add3A_483 : i32 to vector<16xi32>
      %add3A_485 = arith.addi %mul3A_482, %add3A_484 : vector<16xi32>
      %swap3A_486 = arith.constant 64 : index
      %swap3A_487 = tpu.vector_load %arg11[%swap3A_486] {strides = array<i32>} : memref<384xi32, #tpu.memory_space<vmem>>, vector<16xi32>,
      %swap3A_488 = vector.shape_cast %swap3A_487 : vector<16xi32> to vector<16xi32>
      %swap3A_489 = vector.shape_cast %add3A_485 : vector<16xi32> to vector<16xi32>
      tpu.vector_store %arg11[%swap3A_486], %swap3A_489 {strides = array<i32>} : memref<384xi32, #tpu.memory_space<vmem>>, vector<16xi32>,
      %mul3A_490 = arith.constant 4 : i32
      %mul3A_491 = vector.broadcast %mul3A_490 : i32 to vector<16xi32>
      %mul3A_492 = arith.muli %get3A_479, %mul3A_491 : vector<16xi32>
      %add3A_493 = arith.constant 1 : i32
      %add3A_494 = vector.broadcast %add3A_493 : i32 to vector<16xi32>
      %add3A_495 = arith.addi %mul3A_492, %add3A_494 : vector<16xi32>
      %swap3A_496 = arith.constant 192 : index
      %swap3A_497 = tpu.vector_load %arg11[%swap3A_496] {strides = array<i32>} : memref<384xi32, #tpu.memory_space<vmem>>, vector<16xi32>,
      %swap3A_498 = vector.shape_cast %swap3A_497 : vector<16xi32> to vector<16xi32>
      %swap3A_499 = vector.shape_cast %add3A_495 : vector<16xi32> to vector<16xi32>
      tpu.vector_store %arg11[%swap3A_496], %swap3A_499 {strides = array<i32>} : memref<384xi32, #tpu.memory_space<vmem>>, vector<16xi32>,
      %mul3A_500 = arith.constant 4 : i32
      %mul3A_501 = vector.broadcast %mul3A_500 : i32 to vector<16xi32>
      %mul3A_502 = arith.muli %get3A_479, %mul3A_501 : vector<16xi32>
      %add3A_503 = arith.constant 2 : i32
      %add3A_504 = vector.broadcast %add3A_503 : i32 to vector<16xi32>
      %add3A_505 = arith.addi %mul3A_502, %add3A_504 : vector<16xi32>
      %swap3A_506 = arith.constant 320 : index
      %swap3A_507 = tpu.vector_load %arg11[%swap3A_506] {strides = array<i32>} : memref<384xi32, #tpu.memory_space<vmem>>, vector<16xi32>,
      %swap3A_508 = vector.shape_cast %swap3A_507 : vector<16xi32> to vector<16xi32>
      %swap3A_509 = vector.shape_cast %add3A_505 : vector<16xi32> to vector<16xi32>
      tpu.vector_store %arg11[%swap3A_506], %swap3A_509 {strides = array<i32>} : memref<384xi32, #tpu.memory_space<vmem>>, vector<16xi32>,
      %mul3A_510 = arith.constant 128 : i32
      %mul3A_511 = arith.muli %add3A_18, %mul3A_510 : i32
      %add3A_512 = arith.constant 80 : i32
      %add3A_513 = arith.addi %mul3A_511, %add3A_512 : i32
      %get3A_514 = arith.index_cast %add3A_513 : i32 to index
      %get3A_515 = tpu.vector_load %arg7[%get3A_514] {strides = array<i32>} : memref<6144xi32, #tpu.memory_space<vmem>>, vector<16xi32>,
      %get3A_516 = vector.shape_cast %get3A_515 : vector<16xi32> to vector<16xi32>
      %mul3A_517 = arith.constant 4 : i32
      %mul3A_518 = vector.broadcast %mul3A_517 : i32 to vector<16xi32>
      %mul3A_519 = arith.muli %get3A_516, %mul3A_518 : vector<16xi32>
      %add3A_520 = arith.constant 0 : i32
      %add3A_521 = vector.broadcast %add3A_520 : i32 to vector<16xi32>
      %add3A_522 = arith.addi %mul3A_519, %add3A_521 : vector<16xi32>
      %swap3A_523 = arith.constant 80 : index
      %swap3A_524 = tpu.vector_load %arg11[%swap3A_523] {strides = array<i32>} : memref<384xi32, #tpu.memory_space<vmem>>, vector<16xi32>,
      %swap3A_525 = vector.shape_cast %swap3A_524 : vector<16xi32> to vector<16xi32>
      %swap3A_526 = vector.shape_cast %add3A_522 : vector<16xi32> to vector<16xi32>
      tpu.vector_store %arg11[%swap3A_523], %swap3A_526 {strides = array<i32>} : memref<384xi32, #tpu.memory_space<vmem>>, vector<16xi32>,
      %mul3A_527 = arith.constant 4 : i32
      %mul3A_528 = vector.broadcast %mul3A_527 : i32 to vector<16xi32>
      %mul3A_529 = arith.muli %get3A_516, %mul3A_528 : vector<16xi32>
      %add3A_530 = arith.constant 1 : i32
      %add3A_531 = vector.broadcast %add3A_530 : i32 to vector<16xi32>
      %add3A_532 = arith.addi %mul3A_529, %add3A_531 : vector<16xi32>
      %swap3A_533 = arith.constant 208 : index
      %swap3A_534 = tpu.vector_load %arg11[%swap3A_533] {strides = array<i32>} : memref<384xi32, #tpu.memory_space<vmem>>, vector<16xi32>,
      %swap3A_535 = vector.shape_cast %swap3A_534 : vector<16xi32> to vector<16xi32>
      %swap3A_536 = vector.shape_cast %add3A_532 : vector<16xi32> to vector<16xi32>
      tpu.vector_store %arg11[%swap3A_533], %swap3A_536 {strides = array<i32>} : memref<384xi32, #tpu.memory_space<vmem>>, vector<16xi32>,
      %mul3A_537 = arith.constant 4 : i32
      %mul3A_538 = vector.broadcast %mul3A_537 : i32 to vector<16xi32>
      %mul3A_539 = arith.muli %get3A_516, %mul3A_538 : vector<16xi32>
      %add3A_540 = arith.constant 2 : i32
      %add3A_541 = vector.broadcast %add3A_540 : i32 to vector<16xi32>
      %add3A_542 = arith.addi %mul3A_539, %add3A_541 : vector<16xi32>
      %swap3A_543 = arith.constant 336 : index
      %swap3A_544 = tpu.vector_load %arg11[%swap3A_543] {strides = array<i32>} : memref<384xi32, #tpu.memory_space<vmem>>, vector<16xi32>,
      %swap3A_545 = vector.shape_cast %swap3A_544 : vector<16xi32> to vector<16xi32>
      %swap3A_546 = vector.shape_cast %add3A_542 : vector<16xi32> to vector<16xi32>
      tpu.vector_store %arg11[%swap3A_543], %swap3A_546 {strides = array<i32>} : memref<384xi32, #tpu.memory_space<vmem>>, vector<16xi32>,
      %mul3A_547 = arith.constant 128 : i32
      %mul3A_548 = arith.muli %add3A_18, %mul3A_547 : i32
      %add3A_549 = arith.constant 96 : i32
      %add3A_550 = arith.addi %mul3A_548, %add3A_549 : i32
      %get3A_551 = arith.index_cast %add3A_550 : i32 to index
      %get3A_552 = tpu.vector_load %arg7[%get3A_551] {strides = array<i32>} : memref<6144xi32, #tpu.memory_space<vmem>>, vector<16xi32>,
      %get3A_553 = vector.shape_cast %get3A_552 : vector<16xi32> to vector<16xi32>
      %mul3A_554 = arith.constant 4 : i32
      %mul3A_555 = vector.broadcast %mul3A_554 : i32 to vector<16xi32>
      %mul3A_556 = arith.muli %get3A_553, %mul3A_555 : vector<16xi32>
      %add3A_557 = arith.constant 0 : i32
      %add3A_558 = vector.broadcast %add3A_557 : i32 to vector<16xi32>
      %add3A_559 = arith.addi %mul3A_556, %add3A_558 : vector<16xi32>
      %swap3A_560 = arith.constant 96 : index
      %swap3A_561 = tpu.vector_load %arg11[%swap3A_560] {strides = array<i32>} : memref<384xi32, #tpu.memory_space<vmem>>, vector<16xi32>,
      %swap3A_562 = vector.shape_cast %swap3A_561 : vector<16xi32> to vector<16xi32>
      %swap3A_563 = vector.shape_cast %add3A_559 : vector<16xi32> to vector<16xi32>
      tpu.vector_store %arg11[%swap3A_560], %swap3A_563 {strides = array<i32>} : memref<384xi32, #tpu.memory_space<vmem>>, vector<16xi32>,
      %mul3A_564 = arith.constant 4 : i32
      %mul3A_565 = vector.broadcast %mul3A_564 : i32 to vector<16xi32>
      %mul3A_566 = arith.muli %get3A_553, %mul3A_565 : vector<16xi32>
      %add3A_567 = arith.constant 1 : i32
      %add3A_568 = vector.broadcast %add3A_567 : i32 to vector<16xi32>
      %add3A_569 = arith.addi %mul3A_566, %add3A_568 : vector<16xi32>
      %swap3A_570 = arith.constant 224 : index
      %swap3A_571 = tpu.vector_load %arg11[%swap3A_570] {strides = array<i32>} : memref<384xi32, #tpu.memory_space<vmem>>, vector<16xi32>,
      %swap3A_572 = vector.shape_cast %swap3A_571 : vector<16xi32> to vector<16xi32>
      %swap3A_573 = vector.shape_cast %add3A_569 : vector<16xi32> to vector<16xi32>
      tpu.vector_store %arg11[%swap3A_570], %swap3A_573 {strides = array<i32>} : memref<384xi32, #tpu.memory_space<vmem>>, vector<16xi32>,
      %mul3A_574 = arith.constant 4 : i32
      %mul3A_575 = vector.broadcast %mul3A_574 : i32 to vector<16xi32>
      %mul3A_576 = arith.muli %get3A_553, %mul3A_575 : vector<16xi32>
      %add3A_577 = arith.constant 2 : i32
      %add3A_578 = vector.broadcast %add3A_577 : i32 to vector<16xi32>
      %add3A_579 = arith.addi %mul3A_576, %add3A_578 : vector<16xi32>
      %swap3A_580 = arith.constant 352 : index
      %swap3A_581 = tpu.vector_load %arg11[%swap3A_580] {strides = array<i32>} : memref<384xi32, #tpu.memory_space<vmem>>, vector<16xi32>,
      %swap3A_582 = vector.shape_cast %swap3A_581 : vector<16xi32> to vector<16xi32>
      %swap3A_583 = vector.shape_cast %add3A_579 : vector<16xi32> to vector<16xi32>
      tpu.vector_store %arg11[%swap3A_580], %swap3A_583 {strides = array<i32>} : memref<384xi32, #tpu.memory_space<vmem>>, vector<16xi32>,
      %mul3A_584 = arith.constant 128 : i32
      %mul3A_585 = arith.muli %add3A_18, %mul3A_584 : i32
      %add3A_586 = arith.constant 112 : i32
      %add3A_587 = arith.addi %mul3A_585, %add3A_586 : i32
      %get3A_588 = arith.index_cast %add3A_587 : i32 to index
      %get3A_589 = tpu.vector_load %arg7[%get3A_588] {strides = array<i32>} : memref<6144xi32, #tpu.memory_space<vmem>>, vector<16xi32>,
      %get3A_590 = vector.shape_cast %get3A_589 : vector<16xi32> to vector<16xi32>
      %mul3A_591 = arith.constant 4 : i32
      %mul3A_592 = vector.broadcast %mul3A_591 : i32 to vector<16xi32>
      %mul3A_593 = arith.muli %get3A_590, %mul3A_592 : vector<16xi32>
      %add3A_594 = arith.constant 0 : i32
      %add3A_595 = vector.broadcast %add3A_594 : i32 to vector<16xi32>
      %add3A_596 = arith.addi %mul3A_593, %add3A_595 : vector<16xi32>
      %swap3A_597 = arith.constant 112 : index
      %swap3A_598 = tpu.vector_load %arg11[%swap3A_597] {strides = array<i32>} : memref<384xi32, #tpu.memory_space<vmem>>, vector<16xi32>,
      %swap3A_599 = vector.shape_cast %swap3A_598 : vector<16xi32> to vector<16xi32>
      %swap3A_600 = vector.shape_cast %add3A_596 : vector<16xi32> to vector<16xi32>
      tpu.vector_store %arg11[%swap3A_597], %swap3A_600 {strides = array<i32>} : memref<384xi32, #tpu.memory_space<vmem>>, vector<16xi32>,
      %mul3A_601 = arith.constant 4 : i32
      %mul3A_602 = vector.broadcast %mul3A_601 : i32 to vector<16xi32>
      %mul3A_603 = arith.muli %get3A_590, %mul3A_602 : vector<16xi32>
      %add3A_604 = arith.constant 1 : i32
      %add3A_605 = vector.broadcast %add3A_604 : i32 to vector<16xi32>
      %add3A_606 = arith.addi %mul3A_603, %add3A_605 : vector<16xi32>
      %swap3A_607 = arith.constant 240 : index
      %swap3A_608 = tpu.vector_load %arg11[%swap3A_607] {strides = array<i32>} : memref<384xi32, #tpu.memory_space<vmem>>, vector<16xi32>,
      %swap3A_609 = vector.shape_cast %swap3A_608 : vector<16xi32> to vector<16xi32>
      %swap3A_610 = vector.shape_cast %add3A_606 : vector<16xi32> to vector<16xi32>
      tpu.vector_store %arg11[%swap3A_607], %swap3A_610 {strides = array<i32>} : memref<384xi32, #tpu.memory_space<vmem>>, vector<16xi32>,
      %mul3A_611 = arith.constant 4 : i32
      %mul3A_612 = vector.broadcast %mul3A_611 : i32 to vector<16xi32>
      %mul3A_613 = arith.muli %get3A_590, %mul3A_612 : vector<16xi32>
      %add3A_614 = arith.constant 2 : i32
      %add3A_615 = vector.broadcast %add3A_614 : i32 to vector<16xi32>
      %add3A_616 = arith.addi %mul3A_613, %add3A_615 : vector<16xi32>
      %swap3A_617 = arith.constant 368 : index
      %swap3A_618 = tpu.vector_load %arg11[%swap3A_617] {strides = array<i32>} : memref<384xi32, #tpu.memory_space<vmem>>, vector<16xi32>,
      %swap3A_619 = vector.shape_cast %swap3A_618 : vector<16xi32> to vector<16xi32>
      %swap3A_620 = vector.shape_cast %add3A_616 : vector<16xi32> to vector<16xi32>
      tpu.vector_store %arg11[%swap3A_617], %swap3A_620 {strides = array<i32>} : memref<384xi32, #tpu.memory_space<vmem>>, vector<16xi32>,
      %mul3A_621 = arith.constant 128 : i32
      %mul3A_622 = arith.muli %add3A_18, %mul3A_621 : i32
      %dma_start3A_623 = tpu.memref_slice %arg7[%mul3A_622] : memref<6144xi32, #tpu.memory_space<vmem>> -> memref<128xi32, #tpu.memory_space<vmem>>
      %dma_start3A_624 = arith.constant 0 : i32
      %dma_start3A_625 = arith.constant 0 : i32
      %dma_start3A_626 = tpu.memref_slice %arg2[%dma_start3A_624, %dma_start3A_625] : memref<8192x128xf32, #tpu.memory_space<hbm>> -> memref<8192x128xf32, #tpu.memory_space<hbm>>
      tpu.enqueue_indirect_dma source(%dma_start3A_626 : memref<8192x128xf32, #tpu.memory_space<hbm>>) target(%arg9 : memref<128x128xf32, #tpu.memory_space<vmem>>) offsets(%dma_start3A_623 : memref<128xi32, #tpu.memory_space<vmem>>) semaphore(%arg14 : memref<!tpu.dma_semaphore, #tpu.memory_space<semaphore_mem>>)
      %mul3A_627 = arith.constant 3 : i32
      %mul3A_628 = arith.muli %add3A_18, %mul3A_627 : i32
      %mul3A_629 = arith.constant 128 : i32
      %mul3A_630 = arith.muli %mul3A_628, %mul3A_629 : i32
      %dma_start3A_631 = tpu.memref_slice %arg12[%mul3A_630] : memref<18432xf32, #tpu.memory_space<vmem>> -> memref<384xf32, #tpu.memory_space<vmem>>
      %dma_start3A_632 = arith.constant 0 : i32
      %dma_start3A_633 = tpu.memref_slice %arg3[%dma_start3A_632] : memref<32768xf32, #tpu.memory_space<hbm>> -> memref<32768xf32, #tpu.memory_space<hbm>>
      tpu.enqueue_indirect_dma source(%dma_start3A_633 : memref<32768xf32, #tpu.memory_space<hbm>>) target(%dma_start3A_631 : memref<384xf32, #tpu.memory_space<vmem>>) offsets(%arg11 : memref<384xi32, #tpu.memory_space<vmem>>) semaphore(%arg16 : memref<!tpu.dma_semaphore, #tpu.memory_space<semaphore_mem>>)
      %dma_wait3A = tpu.memref_slice %arg7[%mul3A_314] : memref<6144xi32, #tpu.memory_space<vmem>> -> memref<128xi32, #tpu.memory_space<vmem>>
      %dma_wait3A_634 = arith.constant 0 : i32
      %dma_wait3A_635 = arith.constant 0 : i32
      %dma_wait3A_636 = tpu.memref_slice %arg2[%dma_wait3A_634, %dma_wait3A_635] : memref<8192x128xf32, #tpu.memory_space<hbm>> -> memref<8192x128xf32, #tpu.memory_space<hbm>>
      tpu.wait_indirect_dma semaphore(%arg13 : memref<!tpu.dma_semaphore, #tpu.memory_space<semaphore_mem>>) src(%dma_wait3A_636 : memref<8192x128xf32, #tpu.memory_space<hbm>>) dst(%arg8 : memref<128x128xf32, #tpu.memory_space<vmem>>)
      %mul3A_637 = arith.constant 128 : i32
      %mul3A_638 = arith.muli %mul3A_14, %mul3A_637 : i32
      %add3A_639 = arith.addi %mul3A_2, %mul3A_638 : i32
      "tpu.region"() ({
        %run_scoped3A = tpu.sem_alloc : memref<!tpu.dma_semaphore, #tpu.memory_space<semaphore_mem>>
        %dma_start3A_654 = arith.constant 0 : i32
        %dma_start3A_655 = tpu.memref_slice %arg5[%add3A_639, %dma_start3A_654] : memref<196608x128xf32, #tpu.memory_space<hbm>> -> memref<128x128xf32, #tpu.memory_space<hbm>>
        %dma_start3A_656 = arith.constant 0 : i32
        %dma_start3A_657 = tpu.memref_slice %arg5[%add3A_639, %dma_start3A_656] : memref<196608x128xf32, #tpu.memory_space<hbm>> -> memref<128x128xf32, #tpu.memory_space<hbm>>
        tpu.enqueue_dma source(%arg8 : memref<128x128xf32, #tpu.memory_space<vmem>>) target(%dma_start3A_657 : memref<128x128xf32, #tpu.memory_space<hbm>>) target_semaphore(%run_scoped3A : memref<!tpu.dma_semaphore, #tpu.memory_space<semaphore_mem>>)
        %dma_wait3A_658 = arith.constant 0 : i32
        %dma_wait3A_659 = tpu.memref_slice %arg5[%add3A_639, %dma_wait3A_658] : memref<196608x128xf32, #tpu.memory_space<hbm>> -> memref<128x128xf32, #tpu.memory_space<hbm>>
        %dma_wait3A_660 = arith.constant 0 : i32
        %dma_wait3A_661 = tpu.memref_slice %arg5[%add3A_639, %dma_wait3A_660] : memref<196608x128xf32, #tpu.memory_space<hbm>> -> memref<128x128xf32, #tpu.memory_space<hbm>>
        tpu.wait_dma2 semaphore(%run_scoped3A : memref<!tpu.dma_semaphore, #tpu.memory_space<semaphore_mem>>) src(%arg8 : memref<128x128xf32, #tpu.memory_space<vmem>>) dst(%dma_wait3A_661 : memref<128x128xf32, #tpu.memory_space<hbm>>)
        tpu.yield
      }) : () -> ()
      %dma_wait3A_640 = tpu.memref_slice %arg12[%mul3A_321] : memref<18432xf32, #tpu.memory_space<vmem>> -> memref<384xf32, #tpu.memory_space<vmem>>
      %dma_wait3A_641 = arith.constant 0 : i32
      %dma_wait3A_642 = tpu.memref_slice %arg3[%dma_wait3A_641] : memref<32768xf32, #tpu.memory_space<hbm>> -> memref<32768xf32, #tpu.memory_space<hbm>>
      tpu.wait_indirect_dma semaphore(%arg15 : memref<!tpu.dma_semaphore, #tpu.memory_space<semaphore_mem>>) src(%dma_wait3A_642 : memref<32768xf32, #tpu.memory_space<hbm>>) dst(%dma_wait3A_640 : memref<384xf32, #tpu.memory_space<vmem>>)
      %dma_wait3A_643 = tpu.memref_slice %arg7[%mul3A_622] : memref<6144xi32, #tpu.memory_space<vmem>> -> memref<128xi32, #tpu.memory_space<vmem>>
      %dma_wait3A_644 = arith.constant 0 : i32
      %dma_wait3A_645 = arith.constant 0 : i32
      %dma_wait3A_646 = tpu.memref_slice %arg2[%dma_wait3A_644, %dma_wait3A_645] : memref<8192x128xf32, #tpu.memory_space<hbm>> -> memref<8192x128xf32, #tpu.memory_space<hbm>>
      tpu.wait_indirect_dma semaphore(%arg14 : memref<!tpu.dma_semaphore, #tpu.memory_space<semaphore_mem>>) src(%dma_wait3A_646 : memref<8192x128xf32, #tpu.memory_space<hbm>>) dst(%arg9 : memref<128x128xf32, #tpu.memory_space<vmem>>)
      %mul3A_647 = arith.constant 128 : i32
      %mul3A_648 = arith.muli %add3A_18, %mul3A_647 : i32
      %add3A_649 = arith.addi %mul3A_2, %mul3A_648 : i32
      "tpu.region"() ({
        %run_scoped3A = tpu.sem_alloc : memref<!tpu.dma_semaphore, #tpu.memory_space<semaphore_mem>>
        %dma_start3A_654 = arith.constant 0 : i32
        %dma_start3A_655 = tpu.memref_slice %arg5[%add3A_649, %dma_start3A_654] : memref<196608x128xf32, #tpu.memory_space<hbm>> -> memref<128x128xf32, #tpu.memory_space<hbm>>
        %dma_start3A_656 = arith.constant 0 : i32
        %dma_start3A_657 = tpu.memref_slice %arg5[%add3A_649, %dma_start3A_656] : memref<196608x128xf32, #tpu.memory_space<hbm>> -> memref<128x128xf32, #tpu.memory_space<hbm>>
        tpu.enqueue_dma source(%arg9 : memref<128x128xf32, #tpu.memory_space<vmem>>) target(%dma_start3A_657 : memref<128x128xf32, #tpu.memory_space<hbm>>) target_semaphore(%run_scoped3A : memref<!tpu.dma_semaphore, #tpu.memory_space<semaphore_mem>>)
        %dma_wait3A_658 = arith.constant 0 : i32
        %dma_wait3A_659 = tpu.memref_slice %arg5[%add3A_649, %dma_wait3A_658] : memref<196608x128xf32, #tpu.memory_space<hbm>> -> memref<128x128xf32, #tpu.memory_space<hbm>>
        %dma_wait3A_660 = arith.constant 0 : i32
        %dma_wait3A_661 = tpu.memref_slice %arg5[%add3A_649, %dma_wait3A_660] : memref<196608x128xf32, #tpu.memory_space<hbm>> -> memref<128x128xf32, #tpu.memory_space<hbm>>
        tpu.wait_dma2 semaphore(%run_scoped3A : memref<!tpu.dma_semaphore, #tpu.memory_space<semaphore_mem>>) src(%arg9 : memref<128x128xf32, #tpu.memory_space<vmem>>) dst(%dma_wait3A_661 : memref<128x128xf32, #tpu.memory_space<hbm>>)
        tpu.yield
      }) : () -> ()
      %dma_wait3A_650 = tpu.memref_slice %arg12[%mul3A_630] : memref<18432xf32, #tpu.memory_space<vmem>> -> memref<384xf32, #tpu.memory_space<vmem>>
      %dma_wait3A_651 = arith.constant 0 : i32
      %dma_wait3A_652 = tpu.memref_slice %arg3[%dma_wait3A_651] : memref<32768xf32, #tpu.memory_space<hbm>> -> memref<32768xf32, #tpu.memory_space<hbm>>
      tpu.wait_indirect_dma semaphore(%arg16 : memref<!tpu.dma_semaphore, #tpu.memory_space<semaphore_mem>>) src(%dma_wait3A_652 : memref<32768xf32, #tpu.memory_space<hbm>>) dst(%dma_wait3A_650 : memref<384xf32, #tpu.memory_space<vmem>>)
      %scan3A_653 = arith.constant 0 : i32
      scf.yield %scan3A_653 : i32
    }
    %scan3A_8 = arith.constant 24 : i32
    %mul3A_9 = arith.constant 3 : i32
    %mul3A_10 = arith.muli %mul3A_2, %mul3A_9 : i32
    "tpu.region"() ({
      %run_scoped3A = tpu.sem_alloc : memref<!tpu.dma_semaphore, #tpu.memory_space<semaphore_mem>>
      %dma_start3A = tpu.memref_slice %arg6[%mul3A_10] : memref<589824xf32, #tpu.memory_space<hbm>> -> memref<18432xf32, #tpu.memory_space<hbm>>
      %dma_start3A_11 = tpu.memref_slice %arg6[%mul3A_10] : memref<589824xf32, #tpu.memory_space<hbm>> -> memref<18432xf32, #tpu.memory_space<hbm>>
      tpu.enqueue_dma source(%arg12 : memref<18432xf32, #tpu.memory_space<vmem>>) target(%dma_start3A_11 : memref<18432xf32, #tpu.memory_space<hbm>>) target_semaphore(%run_scoped3A : memref<!tpu.dma_semaphore, #tpu.memory_space<semaphore_mem>>)
      %dma_wait3A = tpu.memref_slice %arg6[%mul3A_10] : memref<589824xf32, #tpu.memory_space<hbm>> -> memref<18432xf32, #tpu.memory_space<hbm>>
      %dma_wait3A_12 = tpu.memref_slice %arg6[%mul3A_10] : memref<589824xf32, #tpu.memory_space<hbm>> -> memref<18432xf32, #tpu.memory_space<hbm>>
      tpu.wait_dma2 semaphore(%run_scoped3A : memref<!tpu.dma_semaphore, #tpu.memory_space<semaphore_mem>>) src(%arg12 : memref<18432xf32, #tpu.memory_space<vmem>>) dst(%dma_wait3A_12 : memref<18432xf32, #tpu.memory_space<hbm>>)
      tpu.yield
    }) : () -> ()
    return
  }
}

module attributes {stable_mosaic.version = 14 : i64} {
  func.func @_topk_body(%arg0: i32, %arg1: i32, %arg2: i32, %arg3: memref<1x2048x128xf32, #tpu.memory_space<vmem>>, %arg4: memref<1x128x256xf32, #tpu.memory_space<vmem>>, %arg5: memref<24x128xi32, #tpu.memory_space<vmem>>, %arg6: memref<2048x256xf32, #tpu.memory_space<vmem>>, %arg7: memref<192x128xf32, #tpu.memory_space<vmem>>, %arg8: memref<192x128xi32, #tpu.memory_space<vmem>>, %arg9: memref<128x256xf32, #tpu.memory_space<vmem>>) attributes {dimension_semantics = [#tpu.dimension_semantics<arbitrary>, #tpu.dimension_semantics<arbitrary>, #tpu.dimension_semantics<arbitrary>], iteration_bounds = array<i64: 4, 8, 3>, scalar_prefetch = 0 : i64, scratch_operands = 4 : i64, tpu.core_type = #tpu.core_type<tc>, window_params = [{transform_indices = @transform_0, window_bounds = array<i64: 1, 2048, 128>}, {transform_indices = @transform_1, window_bounds = array<i64: 1, 128, 256>}, {transform_indices = @transform_2, window_bounds = array<i64: 24, 128>}]} {
    %eq3A = arith.constant 0 : i32
    %eq3A_0 = arith.cmpi eq, %arg2, %eq3A : i32
    %convert_element_type3A = arith.extui %eq3A_0 : i1 to i32
    %cond3A = arith.constant 0 : i32
    %cond3A_1 = arith.cmpi ne, %convert_element_type3A, %cond3A : i32
    scf.if %cond3A_1 {
      %get3A = arith.constant 0 : index
      %get3A_12 = arith.constant 0 : index
      %get3A_13 = arith.constant 0 : index
      %get3A_14 = vector.load %arg3[%get3A, %get3A_12, %get3A_13] : memref<1x2048x128xf32, #tpu.memory_space<vmem>>, vector<1x2048x128xf32>
      %get3A_15 = vector.shape_cast %get3A_14 : vector<1x2048x128xf32> to vector<2048x128xf32>
      %mul3A = arith.mulf %get3A_15, %get3A_15 : vector<2048x128xf32>
      %reduce_sum3A = arith.constant dense<0.000000e+00> : vector<2048xf32>
      %reduce_sum3A_16 = vector.multi_reduction <add>, %mul3A, %reduce_sum3A [1] : vector<2048x128xf32> to vector<2048xf32>
      %broadcast_in_dim3A = vector.shape_cast %reduce_sum3A_16 : vector<2048xf32> to vector<2048x1xf32>
      %mul3A_17 = arith.constant 5.000000e-01 : f32
      %mul3A_18 = vector.broadcast %mul3A_17 : f32 to vector<2048x1xf32>
      %mul3A_19 = arith.mulf %broadcast_in_dim3A, %mul3A_18 : vector<2048x1xf32>
      %get3A_20 = arith.constant 0 : index
      %get3A_21 = arith.constant 0 : index
      %get3A_22 = arith.constant 0 : index
      %get3A_23 = vector.load %arg4[%get3A_20, %get3A_21, %get3A_22] : memref<1x128x256xf32, #tpu.memory_space<vmem>>, vector<1x128x256xf32>
      %get3A_24 = vector.shape_cast %get3A_23 : vector<1x128x256xf32> to vector<128x256xf32>
      %dot_general3A = arith.constant dense<0.000000e+00> : vector<2048x256xf32>
      %dot_general3A_25 = tpu.matmul %get3A_15, %get3A_24, %dot_general3A {dimension_numbers = #tpu.dot_dimension_numbers<[1], [0], [0], [1], [0, 0, 1, 1], [], []>, transpose_lhs_hint = false} : vector<2048x128xf32>, vector<128x256xf32>, vector<2048x256xf32> -> vector<2048x256xf32>
      %sub3A = vector.broadcast %mul3A_19 : vector<2048x1xf32> to vector<2048x256xf32>
      %sub3A_26 = arith.subf %sub3A, %dot_general3A_25 : vector<2048x256xf32>
      %swap3A = arith.constant 0 : index
      %swap3A_27 = arith.constant 0 : index
      %swap3A_28 = vector.load %arg6[%swap3A, %swap3A_27] : memref<2048x256xf32, #tpu.memory_space<vmem>>, vector<2048x256xf32>
      tpu.vector_store %arg6[%swap3A, %swap3A_27], %sub3A_26 {strides = array<i32>} : memref<2048x256xf32, #tpu.memory_space<vmem>>, vector<2048x256xf32>,
      %reshape3A = vector.shape_cast %sub3A_26 : vector<2048x256xf32> to vector<128x16x256xf32>
      %reduce_min3A = arith.constant dense<0x7F800000> : vector<128x256xf32>
      %reduce_min3A_29 = vector.multi_reduction <minimumf>, %reshape3A, %reduce_min3A [1] : vector<128x16x256xf32> to vector<128x256xf32>
      %swap3A_30 = arith.constant 0 : index
      %swap3A_31 = arith.constant 0 : index
      %swap3A_32 = vector.load %arg9[%swap3A_30, %swap3A_31] : memref<128x256xf32, #tpu.memory_space<vmem>>, vector<128x256xf32>
      tpu.vector_store %arg9[%swap3A_30, %swap3A_31], %reduce_min3A_29 {strides = array<i32>} : memref<128x256xf32, #tpu.memory_space<vmem>>, vector<128x256xf32>,
    } else {
    }
    %eq3A_2 = arith.constant 1 : i32
    %eq3A_3 = arith.cmpi eq, %arg2, %eq3A_2 : i32
    %convert_element_type3A_4 = arith.extui %eq3A_3 : i1 to i32
    %cond3A_5 = arith.constant 0 : i32
    %cond3A_6 = arith.cmpi ne, %convert_element_type3A_4, %cond3A_5 : i32
    scf.if %cond3A_6 {
      %iota3A = tpu.iota {dimensions = array<i32: 0>} : vector<24x128xi32>
      %iota3A_12 = tpu.iota {dimensions = array<i32: 0>} : vector<256x128xi32>
      %get3A = arith.constant 0 : index
      %get3A_13 = arith.constant 0 : index
      %get3A_14 = vector.load %arg9[%get3A, %get3A_13] : memref<128x256xf32, #tpu.memory_space<vmem>>, vector<128x128xf32>
      %broadcast_in_dim3A = arith.constant 0.000000e+00 : f32
      %broadcast_in_dim3A_15 = vector.broadcast %broadcast_in_dim3A : f32 to vector<1x128xf32>
      %scan3A = arith.constant 0 : i32
      %scan3A_16 = arith.constant 24 : i32
      %scan3A_17 = arith.addi %scan3A, %scan3A_16 : i32
      %scan3A_18 = arith.constant 1 : i32
      %scan3A_19:2 = scf.for %scan3A_363 = %scan3A to %scan3A_17 step %scan3A_18 iter_args(%scan3A_364 = %get3A_14, %scan3A_365 = %broadcast_in_dim3A_15) -> (vector<128x128xf32>, vector<1x128xf32>)  : i32 {
        %reduce_min3A_366 = arith.constant dense<0x7F800000> : vector<128xf32>
        %reduce_min3A_367 = vector.multi_reduction <minimumf>, %scan3A_364, %reduce_min3A_366 [0] : vector<128x128xf32> to vector<128xf32>
        %broadcast_in_dim3A_368 = vector.shape_cast %reduce_min3A_367 : vector<128xf32> to vector<1x128xf32>
        %eq3A_369 = vector.broadcast %broadcast_in_dim3A_368 : vector<1x128xf32> to vector<128x128xf32>
        %eq3A_370 = arith.cmpf oeq, %scan3A_364, %eq3A_369 : vector<128x128xf32>
        %jit3A = arith.constant 3.000000e+38 : f32
        %broadcast_in_dim3A_371 = vector.broadcast %jit3A : f32 to vector<128x128xf32>
        %select_n3A = arith.select %eq3A_370, %broadcast_in_dim3A_371, %scan3A_364 : vector<128x128xi1>, vector<128x128xf32>
        scf.yield %select_n3A, %broadcast_in_dim3A_368 : vector<128x128xf32>, vector<1x128xf32>
      }
      %get3A_20 = arith.constant 0 : index
      %get3A_21 = arith.constant 0 : index
      %get3A_22 = vector.load %arg6[%get3A_20, %get3A_21] : memref<2048x256xf32, #tpu.memory_space<vmem>>, vector<256x128xf32>
      %broadcast_in_dim3A_23 = arith.constant 3.000000e+38 : f32
      %broadcast_in_dim3A_24 = vector.broadcast %broadcast_in_dim3A_23 : f32 to vector<24x128xf32>
      %broadcast_in_dim3A_25 = arith.constant 0 : i32
      %broadcast_in_dim3A_26 = vector.broadcast %broadcast_in_dim3A_25 : i32 to vector<24x128xi32>
      %scan3A_27 = arith.constant 0 : i32
      %scan3A_28 = arith.constant 10 : i32
      %scan3A_29 = arith.addi %scan3A_27, %scan3A_28 : i32
      %scan3A_30 = arith.constant 1 : i32
      %scan3A_31:3 = scf.for %scan3A_363 = %scan3A_27 to %scan3A_29 step %scan3A_30 iter_args(%scan3A_364 = %get3A_22, %scan3A_365 = %broadcast_in_dim3A_24, %scan3A_366 = %broadcast_in_dim3A_26) -> (vector<256x128xf32>, vector<24x128xf32>, vector<24x128xi32>)  : i32 {
        %reduce_min3A_367 = arith.constant dense<0x7F800000> : vector<128xf32>
        %reduce_min3A_368 = vector.multi_reduction <minimumf>, %scan3A_364, %reduce_min3A_367 [0] : vector<256x128xf32> to vector<128xf32>
        %broadcast_in_dim3A_369 = vector.shape_cast %reduce_min3A_368 : vector<128xf32> to vector<1x128xf32>
        %eq3A_370 = vector.broadcast %broadcast_in_dim3A_369 : vector<1x128xf32> to vector<256x128xf32>
        %eq3A_371 = arith.cmpf oeq, %scan3A_364, %eq3A_370 : vector<256x128xf32>
        %jit3A = arith.constant 1073741824 : i32
        %broadcast_in_dim3A_372 = vector.broadcast %jit3A : i32 to vector<256x128xi32>
        %select_n3A = arith.select %eq3A_371, %iota3A_12, %broadcast_in_dim3A_372 : vector<256x128xi1>, vector<256x128xi32>
        %reduce_min3A_373 = arith.constant dense<2147483647> : vector<128xi32>
        %reduce_min3A_374 = vector.multi_reduction <minsi>, %select_n3A, %reduce_min3A_373 [0] : vector<256x128xi32> to vector<128xi32>
        %broadcast_in_dim3A_375 = vector.shape_cast %reduce_min3A_374 : vector<128xi32> to vector<1x128xi32>
        %eq3A_376 = vector.broadcast %broadcast_in_dim3A_375 : vector<1x128xi32> to vector<256x128xi32>
        %eq3A_377 = arith.cmpi eq, %select_n3A, %eq3A_376 : vector<256x128xi32>
        %jit3A_378 = arith.constant 3.000000e+38 : f32
        %broadcast_in_dim3A_379 = vector.broadcast %jit3A_378 : f32 to vector<256x128xf32>
        %select_n3A_380 = arith.select %eq3A_377, %broadcast_in_dim3A_379, %scan3A_364 : vector<256x128xi1>, vector<256x128xf32>
        %eq3A_381 = vector.broadcast %scan3A_363 : i32 to vector<24x128xi32>
        %eq3A_382 = arith.cmpi eq, %iota3A, %eq3A_381 : vector<24x128xi32>
        %broadcast_in_dim3A_383 = vector.shape_cast %broadcast_in_dim3A_369 : vector<1x128xf32> to vector<1x128xf32>
        %broadcast_in_dim3A_384 = vector.broadcast %broadcast_in_dim3A_383 : vector<1x128xf32> to vector<24x128xf32>
        %select_n3A_385 = arith.select %eq3A_382, %broadcast_in_dim3A_384, %scan3A_365 : vector<24x128xi1>, vector<24x128xf32>
        %eq3A_386 = vector.broadcast %scan3A_363 : i32 to vector<24x128xi32>
        %eq3A_387 = arith.cmpi eq, %iota3A, %eq3A_386 : vector<24x128xi32>
        %broadcast_in_dim3A_388 = vector.shape_cast %broadcast_in_dim3A_375 : vector<1x128xi32> to vector<1x128xi32>
        %broadcast_in_dim3A_389 = vector.broadcast %broadcast_in_dim3A_388 : vector<1x128xi32> to vector<24x128xi32>
        %select_n3A_390 = arith.select %eq3A_387, %broadcast_in_dim3A_389, %scan3A_366 : vector<24x128xi1>, vector<24x128xi32>
        scf.yield %select_n3A_380, %select_n3A_385, %select_n3A_390 : vector<256x128xf32>, vector<24x128xf32>, vector<24x128xi32>
      }
      %scan3A_32 = arith.constant 10 : i32
      %swap3A = arith.constant 0 : index
      %swap3A_33 = arith.constant 0 : index
      %swap3A_34 = vector.load %arg7[%swap3A, %swap3A_33] : memref<192x128xf32, #tpu.memory_space<vmem>>, vector<24x128xf32>
      tpu.vector_store %arg7[%swap3A, %swap3A_33], %scan3A_31#1 {strides = array<i32>} : memref<192x128xf32, #tpu.memory_space<vmem>>, vector<24x128xf32>,
      %add3A = arith.constant 0 : i32
      %add3A_35 = vector.broadcast %add3A : i32 to vector<24x128xi32>
      %add3A_36 = arith.addi %scan3A_31#2, %add3A_35 : vector<24x128xi32>
      %swap3A_37 = arith.constant 0 : index
      %swap3A_38 = arith.constant 0 : index
      %swap3A_39 = vector.load %arg8[%swap3A_37, %swap3A_38] : memref<192x128xi32, #tpu.memory_space<vmem>>, vector<24x128xi32>
      tpu.vector_store %arg8[%swap3A_37, %swap3A_38], %add3A_36 {strides = array<i32>} : memref<192x128xi32, #tpu.memory_space<vmem>>, vector<24x128xi32>,
      %reduce_min3A = arith.constant dense<0x7F800000> : vector<128xf32>
      %reduce_min3A_40 = vector.multi_reduction <minimumf>, %scan3A_31#0, %reduce_min3A [0] : vector<256x128xf32> to vector<128xf32>
      %broadcast_in_dim3A_41 = vector.shape_cast %reduce_min3A_40 : vector<128xf32> to vector<1x128xf32>
      %le3A = arith.cmpf ole, %broadcast_in_dim3A_41, %scan3A_19#1 : vector<1x128xf32>
      %reduce_or3A = arith.constant 1.000000e+00 : f32
      %reduce_or3A_42 = arith.constant 0.000000e+00 : f32
      %reduce_or3A_43 = vector.broadcast %reduce_or3A : f32 to vector<1x128xf32>
      %reduce_or3A_44 = vector.broadcast %reduce_or3A_42 : f32 to vector<1x128xf32>
      %reduce_or3A_45 = arith.select %le3A, %reduce_or3A_43, %reduce_or3A_44 : vector<1x128xi1>, vector<1x128xf32>
      %reduce_or3A_46 = vector.shape_cast %reduce_or3A_45 : vector<1x128xf32> to vector<1x1x128xf32>
      %reduce_or3A_47 = arith.constant dense<0xFF800000> : vector<1xf32>
      %reduce_or3A_48 = vector.multi_reduction <maximumf>, %reduce_or3A_46, %reduce_or3A_47 [1, 2] : vector<1x1x128xf32> to vector<1xf32>
      %reduce_or3A_49 = vector.shape_cast %reduce_or3A_48 : vector<1xf32> to vector<1x1x1xf32>
      %reduce_or3A_50 = vector.extract %reduce_or3A_49[0, 0, 0] : f32 from vector<1x1x1xf32>
      %reduce_or3A_51 = arith.constant 0.000000e+00 : f32
      %reduce_or3A_52 = arith.cmpf ogt, %reduce_or3A_50, %reduce_or3A_51 : f32
      %convert_element_type3A_53 = arith.extui %reduce_or3A_52 : i1 to i32
      %cond3A_54 = arith.constant 0 : i32
      %cond3A_55 = arith.cmpi ne, %convert_element_type3A_53, %cond3A_54 : i32
      scf.if %cond3A_55 {
        %scan3A_363 = arith.constant 10 : i32
        %scan3A_364 = arith.constant 14 : i32
        %scan3A_365 = arith.addi %scan3A_363, %scan3A_364 : i32
        %scan3A_366 = arith.constant 1 : i32
        %scan3A_367:3 = scf.for %scan3A_378 = %scan3A_363 to %scan3A_365 step %scan3A_366 iter_args(%scan3A_379 = %scan3A_31#0, %scan3A_380 = %scan3A_31#1, %scan3A_381 = %scan3A_31#2) -> (vector<256x128xf32>, vector<24x128xf32>, vector<24x128xi32>)  : i32 {
          %reduce_min3A_382 = arith.constant dense<0x7F800000> : vector<128xf32>
          %reduce_min3A_383 = vector.multi_reduction <minimumf>, %scan3A_379, %reduce_min3A_382 [0] : vector<256x128xf32> to vector<128xf32>
          %broadcast_in_dim3A_384 = vector.shape_cast %reduce_min3A_383 : vector<128xf32> to vector<1x128xf32>
          %eq3A_385 = vector.broadcast %broadcast_in_dim3A_384 : vector<1x128xf32> to vector<256x128xf32>
          %eq3A_386 = arith.cmpf oeq, %scan3A_379, %eq3A_385 : vector<256x128xf32>
          %jit3A = arith.constant 1073741824 : i32
          %broadcast_in_dim3A_387 = vector.broadcast %jit3A : i32 to vector<256x128xi32>
          %select_n3A = arith.select %eq3A_386, %iota3A_12, %broadcast_in_dim3A_387 : vector<256x128xi1>, vector<256x128xi32>
          %reduce_min3A_388 = arith.constant dense<2147483647> : vector<128xi32>
          %reduce_min3A_389 = vector.multi_reduction <minsi>, %select_n3A, %reduce_min3A_388 [0] : vector<256x128xi32> to vector<128xi32>
          %broadcast_in_dim3A_390 = vector.shape_cast %reduce_min3A_389 : vector<128xi32> to vector<1x128xi32>
          %eq3A_391 = vector.broadcast %broadcast_in_dim3A_390 : vector<1x128xi32> to vector<256x128xi32>
          %eq3A_392 = arith.cmpi eq, %select_n3A, %eq3A_391 : vector<256x128xi32>
          %jit3A_393 = arith.constant 3.000000e+38 : f32
          %broadcast_in_dim3A_394 = vector.broadcast %jit3A_393 : f32 to vector<256x128xf32>
          %select_n3A_395 = arith.select %eq3A_392, %broadcast_in_dim3A_394, %scan3A_379 : vector<256x128xi1>, vector<256x128xf32>
          %eq3A_396 = vector.broadcast %scan3A_378 : i32 to vector<24x128xi32>
          %eq3A_397 = arith.cmpi eq, %iota3A, %eq3A_396 : vector<24x128xi32>
          %broadcast_in_dim3A_398 = vector.shape_cast %broadcast_in_dim3A_384 : vector<1x128xf32> to vector<1x128xf32>
          %broadcast_in_dim3A_399 = vector.broadcast %broadcast_in_dim3A_398 : vector<1x128xf32> to vector<24x128xf32>
          %select_n3A_400 = arith.select %eq3A_397, %broadcast_in_dim3A_399, %scan3A_380 : vector<24x128xi1>, vector<24x128xf32>
          %eq3A_401 = vector.broadcast %scan3A_378 : i32 to vector<24x128xi32>
          %eq3A_402 = arith.cmpi eq, %iota3A, %eq3A_401 : vector<24x128xi32>
          %broadcast_in_dim3A_403 = vector.shape_cast %broadcast_in_dim3A_390 : vector<1x128xi32> to vector<1x128xi32>
          %broadcast_in_dim3A_404 = vector.broadcast %broadcast_in_dim3A_403 : vector<1x128xi32> to vector<24x128xi32>
          %select_n3A_405 = arith.select %eq3A_402, %broadcast_in_dim3A_404, %scan3A_381 : vector<24x128xi1>, vector<24x128xi32>
          scf.yield %select_n3A_395, %select_n3A_400, %select_n3A_405 : vector<256x128xf32>, vector<24x128xf32>, vector<24x128xi32>
        }
        %scan3A_368 = arith.constant 14 : i32
        %swap3A_369 = arith.constant 0 : index
        %swap3A_370 = arith.constant 0 : index
        %swap3A_371 = vector.load %arg7[%swap3A_369, %swap3A_370] : memref<192x128xf32, #tpu.memory_space<vmem>>, vector<24x128xf32>
        tpu.vector_store %arg7[%swap3A_369, %swap3A_370], %scan3A_367#1 {strides = array<i32>} : memref<192x128xf32, #tpu.memory_space<vmem>>, vector<24x128xf32>,
        %add3A_372 = arith.constant 0 : i32
        %add3A_373 = vector.broadcast %add3A_372 : i32 to vector<24x128xi32>
        %add3A_374 = arith.addi %scan3A_367#2, %add3A_373 : vector<24x128xi32>
        %swap3A_375 = arith.constant 0 : index
        %swap3A_376 = arith.constant 0 : index
        %swap3A_377 = vector.load %arg8[%swap3A_375, %swap3A_376] : memref<192x128xi32, #tpu.memory_space<vmem>>, vector<24x128xi32>
        tpu.vector_store %arg8[%swap3A_375, %swap3A_376], %add3A_374 {strides = array<i32>} : memref<192x128xi32, #tpu.memory_space<vmem>>, vector<24x128xi32>,
      } else {
      }
      %get3A_56 = arith.constant 256 : index
      %get3A_57 = arith.constant 0 : index
      %get3A_58 = vector.load %arg6[%get3A_56, %get3A_57] : memref<2048x256xf32, #tpu.memory_space<vmem>>, vector<256x128xf32>
      %broadcast_in_dim3A_59 = arith.constant 3.000000e+38 : f32
      %broadcast_in_dim3A_60 = vector.broadcast %broadcast_in_dim3A_59 : f32 to vector<24x128xf32>
      %broadcast_in_dim3A_61 = arith.constant 0 : i32
      %broadcast_in_dim3A_62 = vector.broadcast %broadcast_in_dim3A_61 : i32 to vector<24x128xi32>
      %scan3A_63 = arith.constant 0 : i32
      %scan3A_64 = arith.constant 10 : i32
      %scan3A_65 = arith.addi %scan3A_63, %scan3A_64 : i32
      %scan3A_66 = arith.constant 1 : i32
      %scan3A_67:3 = scf.for %scan3A_363 = %scan3A_63 to %scan3A_65 step %scan3A_66 iter_args(%scan3A_364 = %get3A_58, %scan3A_365 = %broadcast_in_dim3A_60, %scan3A_366 = %broadcast_in_dim3A_62) -> (vector<256x128xf32>, vector<24x128xf32>, vector<24x128xi32>)  : i32 {
        %reduce_min3A_367 = arith.constant dense<0x7F800000> : vector<128xf32>
        %reduce_min3A_368 = vector.multi_reduction <minimumf>, %scan3A_364, %reduce_min3A_367 [0] : vector<256x128xf32> to vector<128xf32>
        %broadcast_in_dim3A_369 = vector.shape_cast %reduce_min3A_368 : vector<128xf32> to vector<1x128xf32>
        %eq3A_370 = vector.broadcast %broadcast_in_dim3A_369 : vector<1x128xf32> to vector<256x128xf32>
        %eq3A_371 = arith.cmpf oeq, %scan3A_364, %eq3A_370 : vector<256x128xf32>
        %jit3A = arith.constant 1073741824 : i32
        %broadcast_in_dim3A_372 = vector.broadcast %jit3A : i32 to vector<256x128xi32>
        %select_n3A = arith.select %eq3A_371, %iota3A_12, %broadcast_in_dim3A_372 : vector<256x128xi1>, vector<256x128xi32>
        %reduce_min3A_373 = arith.constant dense<2147483647> : vector<128xi32>
        %reduce_min3A_374 = vector.multi_reduction <minsi>, %select_n3A, %reduce_min3A_373 [0] : vector<256x128xi32> to vector<128xi32>
        %broadcast_in_dim3A_375 = vector.shape_cast %reduce_min3A_374 : vector<128xi32> to vector<1x128xi32>
        %eq3A_376 = vector.broadcast %broadcast_in_dim3A_375 : vector<1x128xi32> to vector<256x128xi32>
        %eq3A_377 = arith.cmpi eq, %select_n3A, %eq3A_376 : vector<256x128xi32>
        %jit3A_378 = arith.constant 3.000000e+38 : f32
        %broadcast_in_dim3A_379 = vector.broadcast %jit3A_378 : f32 to vector<256x128xf32>
        %select_n3A_380 = arith.select %eq3A_377, %broadcast_in_dim3A_379, %scan3A_364 : vector<256x128xi1>, vector<256x128xf32>
        %eq3A_381 = vector.broadcast %scan3A_363 : i32 to vector<24x128xi32>
        %eq3A_382 = arith.cmpi eq, %iota3A, %eq3A_381 : vector<24x128xi32>
        %broadcast_in_dim3A_383 = vector.shape_cast %broadcast_in_dim3A_369 : vector<1x128xf32> to vector<1x128xf32>
        %broadcast_in_dim3A_384 = vector.broadcast %broadcast_in_dim3A_383 : vector<1x128xf32> to vector<24x128xf32>
        %select_n3A_385 = arith.select %eq3A_382, %broadcast_in_dim3A_384, %scan3A_365 : vector<24x128xi1>, vector<24x128xf32>
        %eq3A_386 = vector.broadcast %scan3A_363 : i32 to vector<24x128xi32>
        %eq3A_387 = arith.cmpi eq, %iota3A, %eq3A_386 : vector<24x128xi32>
        %broadcast_in_dim3A_388 = vector.shape_cast %broadcast_in_dim3A_375 : vector<1x128xi32> to vector<1x128xi32>
        %broadcast_in_dim3A_389 = vector.broadcast %broadcast_in_dim3A_388 : vector<1x128xi32> to vector<24x128xi32>
        %select_n3A_390 = arith.select %eq3A_387, %broadcast_in_dim3A_389, %scan3A_366 : vector<24x128xi1>, vector<24x128xi32>
        scf.yield %select_n3A_380, %select_n3A_385, %select_n3A_390 : vector<256x128xf32>, vector<24x128xf32>, vector<24x128xi32>
      }
      %scan3A_68 = arith.constant 10 : i32
      %swap3A_69 = arith.constant 24 : index
      %swap3A_70 = arith.constant 0 : index
      %swap3A_71 = vector.load %arg7[%swap3A_69, %swap3A_70] : memref<192x128xf32, #tpu.memory_space<vmem>>, vector<24x128xf32>
      tpu.vector_store %arg7[%swap3A_69, %swap3A_70], %scan3A_67#1 {strides = array<i32>} : memref<192x128xf32, #tpu.memory_space<vmem>>, vector<24x128xf32>,
      %add3A_72 = arith.constant 256 : i32
      %add3A_73 = vector.broadcast %add3A_72 : i32 to vector<24x128xi32>
      %add3A_74 = arith.addi %scan3A_67#2, %add3A_73 : vector<24x128xi32>
      %swap3A_75 = arith.constant 24 : index
      %swap3A_76 = arith.constant 0 : index
      %swap3A_77 = vector.load %arg8[%swap3A_75, %swap3A_76] : memref<192x128xi32, #tpu.memory_space<vmem>>, vector<24x128xi32>
      tpu.vector_store %arg8[%swap3A_75, %swap3A_76], %add3A_74 {strides = array<i32>} : memref<192x128xi32, #tpu.memory_space<vmem>>, vector<24x128xi32>,
      %reduce_min3A_78 = arith.constant dense<0x7F800000> : vector<128xf32>
      %reduce_min3A_79 = vector.multi_reduction <minimumf>, %scan3A_67#0, %reduce_min3A_78 [0] : vector<256x128xf32> to vector<128xf32>
      %broadcast_in_dim3A_80 = vector.shape_cast %reduce_min3A_79 : vector<128xf32> to vector<1x128xf32>
      %le3A_81 = arith.cmpf ole, %broadcast_in_dim3A_80, %scan3A_19#1 : vector<1x128xf32>
      %reduce_or3A_82 = arith.constant 1.000000e+00 : f32
      %reduce_or3A_83 = arith.constant 0.000000e+00 : f32
      %reduce_or3A_84 = vector.broadcast %reduce_or3A_82 : f32 to vector<1x128xf32>
      %reduce_or3A_85 = vector.broadcast %reduce_or3A_83 : f32 to vector<1x128xf32>
      %reduce_or3A_86 = arith.select %le3A_81, %reduce_or3A_84, %reduce_or3A_85 : vector<1x128xi1>, vector<1x128xf32>
      %reduce_or3A_87 = vector.shape_cast %reduce_or3A_86 : vector<1x128xf32> to vector<1x1x128xf32>
      %reduce_or3A_88 = arith.constant dense<0xFF800000> : vector<1xf32>
      %reduce_or3A_89 = vector.multi_reduction <maximumf>, %reduce_or3A_87, %reduce_or3A_88 [1, 2] : vector<1x1x128xf32> to vector<1xf32>
      %reduce_or3A_90 = vector.shape_cast %reduce_or3A_89 : vector<1xf32> to vector<1x1x1xf32>
      %reduce_or3A_91 = vector.extract %reduce_or3A_90[0, 0, 0] : f32 from vector<1x1x1xf32>
      %reduce_or3A_92 = arith.constant 0.000000e+00 : f32
      %reduce_or3A_93 = arith.cmpf ogt, %reduce_or3A_91, %reduce_or3A_92 : f32
      %convert_element_type3A_94 = arith.extui %reduce_or3A_93 : i1 to i32
      %cond3A_95 = arith.constant 0 : i32
      %cond3A_96 = arith.cmpi ne, %convert_element_type3A_94, %cond3A_95 : i32
      scf.if %cond3A_96 {
        %scan3A_363 = arith.constant 10 : i32
        %scan3A_364 = arith.constant 14 : i32
        %scan3A_365 = arith.addi %scan3A_363, %scan3A_364 : i32
        %scan3A_366 = arith.constant 1 : i32
        %scan3A_367:3 = scf.for %scan3A_378 = %scan3A_363 to %scan3A_365 step %scan3A_366 iter_args(%scan3A_379 = %scan3A_67#0, %scan3A_380 = %scan3A_67#1, %scan3A_381 = %scan3A_67#2) -> (vector<256x128xf32>, vector<24x128xf32>, vector<24x128xi32>)  : i32 {
          %reduce_min3A_382 = arith.constant dense<0x7F800000> : vector<128xf32>
          %reduce_min3A_383 = vector.multi_reduction <minimumf>, %scan3A_379, %reduce_min3A_382 [0] : vector<256x128xf32> to vector<128xf32>
          %broadcast_in_dim3A_384 = vector.shape_cast %reduce_min3A_383 : vector<128xf32> to vector<1x128xf32>
          %eq3A_385 = vector.broadcast %broadcast_in_dim3A_384 : vector<1x128xf32> to vector<256x128xf32>
          %eq3A_386 = arith.cmpf oeq, %scan3A_379, %eq3A_385 : vector<256x128xf32>
          %jit3A = arith.constant 1073741824 : i32
          %broadcast_in_dim3A_387 = vector.broadcast %jit3A : i32 to vector<256x128xi32>
          %select_n3A = arith.select %eq3A_386, %iota3A_12, %broadcast_in_dim3A_387 : vector<256x128xi1>, vector<256x128xi32>
          %reduce_min3A_388 = arith.constant dense<2147483647> : vector<128xi32>
          %reduce_min3A_389 = vector.multi_reduction <minsi>, %select_n3A, %reduce_min3A_388 [0] : vector<256x128xi32> to vector<128xi32>
          %broadcast_in_dim3A_390 = vector.shape_cast %reduce_min3A_389 : vector<128xi32> to vector<1x128xi32>
          %eq3A_391 = vector.broadcast %broadcast_in_dim3A_390 : vector<1x128xi32> to vector<256x128xi32>
          %eq3A_392 = arith.cmpi eq, %select_n3A, %eq3A_391 : vector<256x128xi32>
          %jit3A_393 = arith.constant 3.000000e+38 : f32
          %broadcast_in_dim3A_394 = vector.broadcast %jit3A_393 : f32 to vector<256x128xf32>
          %select_n3A_395 = arith.select %eq3A_392, %broadcast_in_dim3A_394, %scan3A_379 : vector<256x128xi1>, vector<256x128xf32>
          %eq3A_396 = vector.broadcast %scan3A_378 : i32 to vector<24x128xi32>
          %eq3A_397 = arith.cmpi eq, %iota3A, %eq3A_396 : vector<24x128xi32>
          %broadcast_in_dim3A_398 = vector.shape_cast %broadcast_in_dim3A_384 : vector<1x128xf32> to vector<1x128xf32>
          %broadcast_in_dim3A_399 = vector.broadcast %broadcast_in_dim3A_398 : vector<1x128xf32> to vector<24x128xf32>
          %select_n3A_400 = arith.select %eq3A_397, %broadcast_in_dim3A_399, %scan3A_380 : vector<24x128xi1>, vector<24x128xf32>
          %eq3A_401 = vector.broadcast %scan3A_378 : i32 to vector<24x128xi32>
          %eq3A_402 = arith.cmpi eq, %iota3A, %eq3A_401 : vector<24x128xi32>
          %broadcast_in_dim3A_403 = vector.shape_cast %broadcast_in_dim3A_390 : vector<1x128xi32> to vector<1x128xi32>
          %broadcast_in_dim3A_404 = vector.broadcast %broadcast_in_dim3A_403 : vector<1x128xi32> to vector<24x128xi32>
          %select_n3A_405 = arith.select %eq3A_402, %broadcast_in_dim3A_404, %scan3A_381 : vector<24x128xi1>, vector<24x128xi32>
          scf.yield %select_n3A_395, %select_n3A_400, %select_n3A_405 : vector<256x128xf32>, vector<24x128xf32>, vector<24x128xi32>
        }
        %scan3A_368 = arith.constant 14 : i32
        %swap3A_369 = arith.constant 24 : index
        %swap3A_370 = arith.constant 0 : index
        %swap3A_371 = vector.load %arg7[%swap3A_369, %swap3A_370] : memref<192x128xf32, #tpu.memory_space<vmem>>, vector<24x128xf32>
        tpu.vector_store %arg7[%swap3A_369, %swap3A_370], %scan3A_367#1 {strides = array<i32>} : memref<192x128xf32, #tpu.memory_space<vmem>>, vector<24x128xf32>,
        %add3A_372 = arith.constant 256 : i32
        %add3A_373 = vector.broadcast %add3A_372 : i32 to vector<24x128xi32>
        %add3A_374 = arith.addi %scan3A_367#2, %add3A_373 : vector<24x128xi32>
        %swap3A_375 = arith.constant 24 : index
        %swap3A_376 = arith.constant 0 : index
        %swap3A_377 = vector.load %arg8[%swap3A_375, %swap3A_376] : memref<192x128xi32, #tpu.memory_space<vmem>>, vector<24x128xi32>
        tpu.vector_store %arg8[%swap3A_375, %swap3A_376], %add3A_374 {strides = array<i32>} : memref<192x128xi32, #tpu.memory_space<vmem>>, vector<24x128xi32>,
      } else {
      }
      %get3A_97 = arith.constant 512 : index
      %get3A_98 = arith.constant 0 : index
      %get3A_99 = vector.load %arg6[%get3A_97, %get3A_98] : memref<2048x256xf32, #tpu.memory_space<vmem>>, vector<256x128xf32>
      %broadcast_in_dim3A_100 = arith.constant 3.000000e+38 : f32
      %broadcast_in_dim3A_101 = vector.broadcast %broadcast_in_dim3A_100 : f32 to vector<24x128xf32>
      %broadcast_in_dim3A_102 = arith.constant 0 : i32
      %broadcast_in_dim3A_103 = vector.broadcast %broadcast_in_dim3A_102 : i32 to vector<24x128xi32>
      %scan3A_104 = arith.constant 0 : i32
      %scan3A_105 = arith.constant 10 : i32
      %scan3A_106 = arith.addi %scan3A_104, %scan3A_105 : i32
      %scan3A_107 = arith.constant 1 : i32
      %scan3A_108:3 = scf.for %scan3A_363 = %scan3A_104 to %scan3A_106 step %scan3A_107 iter_args(%scan3A_364 = %get3A_99, %scan3A_365 = %broadcast_in_dim3A_101, %scan3A_366 = %broadcast_in_dim3A_103) -> (vector<256x128xf32>, vector<24x128xf32>, vector<24x128xi32>)  : i32 {
        %reduce_min3A_367 = arith.constant dense<0x7F800000> : vector<128xf32>
        %reduce_min3A_368 = vector.multi_reduction <minimumf>, %scan3A_364, %reduce_min3A_367 [0] : vector<256x128xf32> to vector<128xf32>
        %broadcast_in_dim3A_369 = vector.shape_cast %reduce_min3A_368 : vector<128xf32> to vector<1x128xf32>
        %eq3A_370 = vector.broadcast %broadcast_in_dim3A_369 : vector<1x128xf32> to vector<256x128xf32>
        %eq3A_371 = arith.cmpf oeq, %scan3A_364, %eq3A_370 : vector<256x128xf32>
        %jit3A = arith.constant 1073741824 : i32
        %broadcast_in_dim3A_372 = vector.broadcast %jit3A : i32 to vector<256x128xi32>
        %select_n3A = arith.select %eq3A_371, %iota3A_12, %broadcast_in_dim3A_372 : vector<256x128xi1>, vector<256x128xi32>
        %reduce_min3A_373 = arith.constant dense<2147483647> : vector<128xi32>
        %reduce_min3A_374 = vector.multi_reduction <minsi>, %select_n3A, %reduce_min3A_373 [0] : vector<256x128xi32> to vector<128xi32>
        %broadcast_in_dim3A_375 = vector.shape_cast %reduce_min3A_374 : vector<128xi32> to vector<1x128xi32>
        %eq3A_376 = vector.broadcast %broadcast_in_dim3A_375 : vector<1x128xi32> to vector<256x128xi32>
        %eq3A_377 = arith.cmpi eq, %select_n3A, %eq3A_376 : vector<256x128xi32>
        %jit3A_378 = arith.constant 3.000000e+38 : f32
        %broadcast_in_dim3A_379 = vector.broadcast %jit3A_378 : f32 to vector<256x128xf32>
        %select_n3A_380 = arith.select %eq3A_377, %broadcast_in_dim3A_379, %scan3A_364 : vector<256x128xi1>, vector<256x128xf32>
        %eq3A_381 = vector.broadcast %scan3A_363 : i32 to vector<24x128xi32>
        %eq3A_382 = arith.cmpi eq, %iota3A, %eq3A_381 : vector<24x128xi32>
        %broadcast_in_dim3A_383 = vector.shape_cast %broadcast_in_dim3A_369 : vector<1x128xf32> to vector<1x128xf32>
        %broadcast_in_dim3A_384 = vector.broadcast %broadcast_in_dim3A_383 : vector<1x128xf32> to vector<24x128xf32>
        %select_n3A_385 = arith.select %eq3A_382, %broadcast_in_dim3A_384, %scan3A_365 : vector<24x128xi1>, vector<24x128xf32>
        %eq3A_386 = vector.broadcast %scan3A_363 : i32 to vector<24x128xi32>
        %eq3A_387 = arith.cmpi eq, %iota3A, %eq3A_386 : vector<24x128xi32>
        %broadcast_in_dim3A_388 = vector.shape_cast %broadcast_in_dim3A_375 : vector<1x128xi32> to vector<1x128xi32>
        %broadcast_in_dim3A_389 = vector.broadcast %broadcast_in_dim3A_388 : vector<1x128xi32> to vector<24x128xi32>
        %select_n3A_390 = arith.select %eq3A_387, %broadcast_in_dim3A_389, %scan3A_366 : vector<24x128xi1>, vector<24x128xi32>
        scf.yield %select_n3A_380, %select_n3A_385, %select_n3A_390 : vector<256x128xf32>, vector<24x128xf32>, vector<24x128xi32>
      }
      %scan3A_109 = arith.constant 10 : i32
      %swap3A_110 = arith.constant 48 : index
      %swap3A_111 = arith.constant 0 : index
      %swap3A_112 = vector.load %arg7[%swap3A_110, %swap3A_111] : memref<192x128xf32, #tpu.memory_space<vmem>>, vector<24x128xf32>
      tpu.vector_store %arg7[%swap3A_110, %swap3A_111], %scan3A_108#1 {strides = array<i32>} : memref<192x128xf32, #tpu.memory_space<vmem>>, vector<24x128xf32>,
      %add3A_113 = arith.constant 512 : i32
      %add3A_114 = vector.broadcast %add3A_113 : i32 to vector<24x128xi32>
      %add3A_115 = arith.addi %scan3A_108#2, %add3A_114 : vector<24x128xi32>
      %swap3A_116 = arith.constant 48 : index
      %swap3A_117 = arith.constant 0 : index
      %swap3A_118 = vector.load %arg8[%swap3A_116, %swap3A_117] : memref<192x128xi32, #tpu.memory_space<vmem>>, vector<24x128xi32>
      tpu.vector_store %arg8[%swap3A_116, %swap3A_117], %add3A_115 {strides = array<i32>} : memref<192x128xi32, #tpu.memory_space<vmem>>, vector<24x128xi32>,
      %reduce_min3A_119 = arith.constant dense<0x7F800000> : vector<128xf32>
      %reduce_min3A_120 = vector.multi_reduction <minimumf>, %scan3A_108#0, %reduce_min3A_119 [0] : vector<256x128xf32> to vector<128xf32>
      %broadcast_in_dim3A_121 = vector.shape_cast %reduce_min3A_120 : vector<128xf32> to vector<1x128xf32>
      %le3A_122 = arith.cmpf ole, %broadcast_in_dim3A_121, %scan3A_19#1 : vector<1x128xf32>
      %reduce_or3A_123 = arith.constant 1.000000e+00 : f32
      %reduce_or3A_124 = arith.constant 0.000000e+00 : f32
      %reduce_or3A_125 = vector.broadcast %reduce_or3A_123 : f32 to vector<1x128xf32>
      %reduce_or3A_126 = vector.broadcast %reduce_or3A_124 : f32 to vector<1x128xf32>
      %reduce_or3A_127 = arith.select %le3A_122, %reduce_or3A_125, %reduce_or3A_126 : vector<1x128xi1>, vector<1x128xf32>
      %reduce_or3A_128 = vector.shape_cast %reduce_or3A_127 : vector<1x128xf32> to vector<1x1x128xf32>
      %reduce_or3A_129 = arith.constant dense<0xFF800000> : vector<1xf32>
      %reduce_or3A_130 = vector.multi_reduction <maximumf>, %reduce_or3A_128, %reduce_or3A_129 [1, 2] : vector<1x1x128xf32> to vector<1xf32>
      %reduce_or3A_131 = vector.shape_cast %reduce_or3A_130 : vector<1xf32> to vector<1x1x1xf32>
      %reduce_or3A_132 = vector.extract %reduce_or3A_131[0, 0, 0] : f32 from vector<1x1x1xf32>
      %reduce_or3A_133 = arith.constant 0.000000e+00 : f32
      %reduce_or3A_134 = arith.cmpf ogt, %reduce_or3A_132, %reduce_or3A_133 : f32
      %convert_element_type3A_135 = arith.extui %reduce_or3A_134 : i1 to i32
      %cond3A_136 = arith.constant 0 : i32
      %cond3A_137 = arith.cmpi ne, %convert_element_type3A_135, %cond3A_136 : i32
      scf.if %cond3A_137 {
        %scan3A_363 = arith.constant 10 : i32
        %scan3A_364 = arith.constant 14 : i32
        %scan3A_365 = arith.addi %scan3A_363, %scan3A_364 : i32
        %scan3A_366 = arith.constant 1 : i32
        %scan3A_367:3 = scf.for %scan3A_378 = %scan3A_363 to %scan3A_365 step %scan3A_366 iter_args(%scan3A_379 = %scan3A_108#0, %scan3A_380 = %scan3A_108#1, %scan3A_381 = %scan3A_108#2) -> (vector<256x128xf32>, vector<24x128xf32>, vector<24x128xi32>)  : i32 {
          %reduce_min3A_382 = arith.constant dense<0x7F800000> : vector<128xf32>
          %reduce_min3A_383 = vector.multi_reduction <minimumf>, %scan3A_379, %reduce_min3A_382 [0] : vector<256x128xf32> to vector<128xf32>
          %broadcast_in_dim3A_384 = vector.shape_cast %reduce_min3A_383 : vector<128xf32> to vector<1x128xf32>
          %eq3A_385 = vector.broadcast %broadcast_in_dim3A_384 : vector<1x128xf32> to vector<256x128xf32>
          %eq3A_386 = arith.cmpf oeq, %scan3A_379, %eq3A_385 : vector<256x128xf32>
          %jit3A = arith.constant 1073741824 : i32
          %broadcast_in_dim3A_387 = vector.broadcast %jit3A : i32 to vector<256x128xi32>
          %select_n3A = arith.select %eq3A_386, %iota3A_12, %broadcast_in_dim3A_387 : vector<256x128xi1>, vector<256x128xi32>
          %reduce_min3A_388 = arith.constant dense<2147483647> : vector<128xi32>
          %reduce_min3A_389 = vector.multi_reduction <minsi>, %select_n3A, %reduce_min3A_388 [0] : vector<256x128xi32> to vector<128xi32>
          %broadcast_in_dim3A_390 = vector.shape_cast %reduce_min3A_389 : vector<128xi32> to vector<1x128xi32>
          %eq3A_391 = vector.broadcast %broadcast_in_dim3A_390 : vector<1x128xi32> to vector<256x128xi32>
          %eq3A_392 = arith.cmpi eq, %select_n3A, %eq3A_391 : vector<256x128xi32>
          %jit3A_393 = arith.constant 3.000000e+38 : f32
          %broadcast_in_dim3A_394 = vector.broadcast %jit3A_393 : f32 to vector<256x128xf32>
          %select_n3A_395 = arith.select %eq3A_392, %broadcast_in_dim3A_394, %scan3A_379 : vector<256x128xi1>, vector<256x128xf32>
          %eq3A_396 = vector.broadcast %scan3A_378 : i32 to vector<24x128xi32>
          %eq3A_397 = arith.cmpi eq, %iota3A, %eq3A_396 : vector<24x128xi32>
          %broadcast_in_dim3A_398 = vector.shape_cast %broadcast_in_dim3A_384 : vector<1x128xf32> to vector<1x128xf32>
          %broadcast_in_dim3A_399 = vector.broadcast %broadcast_in_dim3A_398 : vector<1x128xf32> to vector<24x128xf32>
          %select_n3A_400 = arith.select %eq3A_397, %broadcast_in_dim3A_399, %scan3A_380 : vector<24x128xi1>, vector<24x128xf32>
          %eq3A_401 = vector.broadcast %scan3A_378 : i32 to vector<24x128xi32>
          %eq3A_402 = arith.cmpi eq, %iota3A, %eq3A_401 : vector<24x128xi32>
          %broadcast_in_dim3A_403 = vector.shape_cast %broadcast_in_dim3A_390 : vector<1x128xi32> to vector<1x128xi32>
          %broadcast_in_dim3A_404 = vector.broadcast %broadcast_in_dim3A_403 : vector<1x128xi32> to vector<24x128xi32>
          %select_n3A_405 = arith.select %eq3A_402, %broadcast_in_dim3A_404, %scan3A_381 : vector<24x128xi1>, vector<24x128xi32>
          scf.yield %select_n3A_395, %select_n3A_400, %select_n3A_405 : vector<256x128xf32>, vector<24x128xf32>, vector<24x128xi32>
        }
        %scan3A_368 = arith.constant 14 : i32
        %swap3A_369 = arith.constant 48 : index
        %swap3A_370 = arith.constant 0 : index
        %swap3A_371 = vector.load %arg7[%swap3A_369, %swap3A_370] : memref<192x128xf32, #tpu.memory_space<vmem>>, vector<24x128xf32>
        tpu.vector_store %arg7[%swap3A_369, %swap3A_370], %scan3A_367#1 {strides = array<i32>} : memref<192x128xf32, #tpu.memory_space<vmem>>, vector<24x128xf32>,
        %add3A_372 = arith.constant 512 : i32
        %add3A_373 = vector.broadcast %add3A_372 : i32 to vector<24x128xi32>
        %add3A_374 = arith.addi %scan3A_367#2, %add3A_373 : vector<24x128xi32>
        %swap3A_375 = arith.constant 48 : index
        %swap3A_376 = arith.constant 0 : index
        %swap3A_377 = vector.load %arg8[%swap3A_375, %swap3A_376] : memref<192x128xi32, #tpu.memory_space<vmem>>, vector<24x128xi32>
        tpu.vector_store %arg8[%swap3A_375, %swap3A_376], %add3A_374 {strides = array<i32>} : memref<192x128xi32, #tpu.memory_space<vmem>>, vector<24x128xi32>,
      } else {
      }
      %get3A_138 = arith.constant 768 : index
      %get3A_139 = arith.constant 0 : index
      %get3A_140 = vector.load %arg6[%get3A_138, %get3A_139] : memref<2048x256xf32, #tpu.memory_space<vmem>>, vector<256x128xf32>
      %broadcast_in_dim3A_141 = arith.constant 3.000000e+38 : f32
      %broadcast_in_dim3A_142 = vector.broadcast %broadcast_in_dim3A_141 : f32 to vector<24x128xf32>
      %broadcast_in_dim3A_143 = arith.constant 0 : i32
      %broadcast_in_dim3A_144 = vector.broadcast %broadcast_in_dim3A_143 : i32 to vector<24x128xi32>
      %scan3A_145 = arith.constant 0 : i32
      %scan3A_146 = arith.constant 10 : i32
      %scan3A_147 = arith.addi %scan3A_145, %scan3A_146 : i32
      %scan3A_148 = arith.constant 1 : i32
      %scan3A_149:3 = scf.for %scan3A_363 = %scan3A_145 to %scan3A_147 step %scan3A_148 iter_args(%scan3A_364 = %get3A_140, %scan3A_365 = %broadcast_in_dim3A_142, %scan3A_366 = %broadcast_in_dim3A_144) -> (vector<256x128xf32>, vector<24x128xf32>, vector<24x128xi32>)  : i32 {
        %reduce_min3A_367 = arith.constant dense<0x7F800000> : vector<128xf32>
        %reduce_min3A_368 = vector.multi_reduction <minimumf>, %scan3A_364, %reduce_min3A_367 [0] : vector<256x128xf32> to vector<128xf32>
        %broadcast_in_dim3A_369 = vector.shape_cast %reduce_min3A_368 : vector<128xf32> to vector<1x128xf32>
        %eq3A_370 = vector.broadcast %broadcast_in_dim3A_369 : vector<1x128xf32> to vector<256x128xf32>
        %eq3A_371 = arith.cmpf oeq, %scan3A_364, %eq3A_370 : vector<256x128xf32>
        %jit3A = arith.constant 1073741824 : i32
        %broadcast_in_dim3A_372 = vector.broadcast %jit3A : i32 to vector<256x128xi32>
        %select_n3A = arith.select %eq3A_371, %iota3A_12, %broadcast_in_dim3A_372 : vector<256x128xi1>, vector<256x128xi32>
        %reduce_min3A_373 = arith.constant dense<2147483647> : vector<128xi32>
        %reduce_min3A_374 = vector.multi_reduction <minsi>, %select_n3A, %reduce_min3A_373 [0] : vector<256x128xi32> to vector<128xi32>
        %broadcast_in_dim3A_375 = vector.shape_cast %reduce_min3A_374 : vector<128xi32> to vector<1x128xi32>
        %eq3A_376 = vector.broadcast %broadcast_in_dim3A_375 : vector<1x128xi32> to vector<256x128xi32>
        %eq3A_377 = arith.cmpi eq, %select_n3A, %eq3A_376 : vector<256x128xi32>
        %jit3A_378 = arith.constant 3.000000e+38 : f32
        %broadcast_in_dim3A_379 = vector.broadcast %jit3A_378 : f32 to vector<256x128xf32>
        %select_n3A_380 = arith.select %eq3A_377, %broadcast_in_dim3A_379, %scan3A_364 : vector<256x128xi1>, vector<256x128xf32>
        %eq3A_381 = vector.broadcast %scan3A_363 : i32 to vector<24x128xi32>
        %eq3A_382 = arith.cmpi eq, %iota3A, %eq3A_381 : vector<24x128xi32>
        %broadcast_in_dim3A_383 = vector.shape_cast %broadcast_in_dim3A_369 : vector<1x128xf32> to vector<1x128xf32>
        %broadcast_in_dim3A_384 = vector.broadcast %broadcast_in_dim3A_383 : vector<1x128xf32> to vector<24x128xf32>
        %select_n3A_385 = arith.select %eq3A_382, %broadcast_in_dim3A_384, %scan3A_365 : vector<24x128xi1>, vector<24x128xf32>
        %eq3A_386 = vector.broadcast %scan3A_363 : i32 to vector<24x128xi32>
        %eq3A_387 = arith.cmpi eq, %iota3A, %eq3A_386 : vector<24x128xi32>
        %broadcast_in_dim3A_388 = vector.shape_cast %broadcast_in_dim3A_375 : vector<1x128xi32> to vector<1x128xi32>
        %broadcast_in_dim3A_389 = vector.broadcast %broadcast_in_dim3A_388 : vector<1x128xi32> to vector<24x128xi32>
        %select_n3A_390 = arith.select %eq3A_387, %broadcast_in_dim3A_389, %scan3A_366 : vector<24x128xi1>, vector<24x128xi32>
        scf.yield %select_n3A_380, %select_n3A_385, %select_n3A_390 : vector<256x128xf32>, vector<24x128xf32>, vector<24x128xi32>
      }
      %scan3A_150 = arith.constant 10 : i32
      %swap3A_151 = arith.constant 72 : index
      %swap3A_152 = arith.constant 0 : index
      %swap3A_153 = vector.load %arg7[%swap3A_151, %swap3A_152] : memref<192x128xf32, #tpu.memory_space<vmem>>, vector<24x128xf32>
      tpu.vector_store %arg7[%swap3A_151, %swap3A_152], %scan3A_149#1 {strides = array<i32>} : memref<192x128xf32, #tpu.memory_space<vmem>>, vector<24x128xf32>,
      %add3A_154 = arith.constant 768 : i32
      %add3A_155 = vector.broadcast %add3A_154 : i32 to vector<24x128xi32>
      %add3A_156 = arith.addi %scan3A_149#2, %add3A_155 : vector<24x128xi32>
      %swap3A_157 = arith.constant 72 : index
      %swap3A_158 = arith.constant 0 : index
      %swap3A_159 = vector.load %arg8[%swap3A_157, %swap3A_158] : memref<192x128xi32, #tpu.memory_space<vmem>>, vector<24x128xi32>
      tpu.vector_store %arg8[%swap3A_157, %swap3A_158], %add3A_156 {strides = array<i32>} : memref<192x128xi32, #tpu.memory_space<vmem>>, vector<24x128xi32>,
      %reduce_min3A_160 = arith.constant dense<0x7F800000> : vector<128xf32>
      %reduce_min3A_161 = vector.multi_reduction <minimumf>, %scan3A_149#0, %reduce_min3A_160 [0] : vector<256x128xf32> to vector<128xf32>
      %broadcast_in_dim3A_162 = vector.shape_cast %reduce_min3A_161 : vector<128xf32> to vector<1x128xf32>
      %le3A_163 = arith.cmpf ole, %broadcast_in_dim3A_162, %scan3A_19#1 : vector<1x128xf32>
      %reduce_or3A_164 = arith.constant 1.000000e+00 : f32
      %reduce_or3A_165 = arith.constant 0.000000e+00 : f32
      %reduce_or3A_166 = vector.broadcast %reduce_or3A_164 : f32 to vector<1x128xf32>
      %reduce_or3A_167 = vector.broadcast %reduce_or3A_165 : f32 to vector<1x128xf32>
      %reduce_or3A_168 = arith.select %le3A_163, %reduce_or3A_166, %reduce_or3A_167 : vector<1x128xi1>, vector<1x128xf32>
      %reduce_or3A_169 = vector.shape_cast %reduce_or3A_168 : vector<1x128xf32> to vector<1x1x128xf32>
      %reduce_or3A_170 = arith.constant dense<0xFF800000> : vector<1xf32>
      %reduce_or3A_171 = vector.multi_reduction <maximumf>, %reduce_or3A_169, %reduce_or3A_170 [1, 2] : vector<1x1x128xf32> to vector<1xf32>
      %reduce_or3A_172 = vector.shape_cast %reduce_or3A_171 : vector<1xf32> to vector<1x1x1xf32>
      %reduce_or3A_173 = vector.extract %reduce_or3A_172[0, 0, 0] : f32 from vector<1x1x1xf32>
      %reduce_or3A_174 = arith.constant 0.000000e+00 : f32
      %reduce_or3A_175 = arith.cmpf ogt, %reduce_or3A_173, %reduce_or3A_174 : f32
      %convert_element_type3A_176 = arith.extui %reduce_or3A_175 : i1 to i32
      %cond3A_177 = arith.constant 0 : i32
      %cond3A_178 = arith.cmpi ne, %convert_element_type3A_176, %cond3A_177 : i32
      scf.if %cond3A_178 {
        %scan3A_363 = arith.constant 10 : i32
        %scan3A_364 = arith.constant 14 : i32
        %scan3A_365 = arith.addi %scan3A_363, %scan3A_364 : i32
        %scan3A_366 = arith.constant 1 : i32
        %scan3A_367:3 = scf.for %scan3A_378 = %scan3A_363 to %scan3A_365 step %scan3A_366 iter_args(%scan3A_379 = %scan3A_149#0, %scan3A_380 = %scan3A_149#1, %scan3A_381 = %scan3A_149#2) -> (vector<256x128xf32>, vector<24x128xf32>, vector<24x128xi32>)  : i32 {
          %reduce_min3A_382 = arith.constant dense<0x7F800000> : vector<128xf32>
          %reduce_min3A_383 = vector.multi_reduction <minimumf>, %scan3A_379, %reduce_min3A_382 [0] : vector<256x128xf32> to vector<128xf32>
          %broadcast_in_dim3A_384 = vector.shape_cast %reduce_min3A_383 : vector<128xf32> to vector<1x128xf32>
          %eq3A_385 = vector.broadcast %broadcast_in_dim3A_384 : vector<1x128xf32> to vector<256x128xf32>
          %eq3A_386 = arith.cmpf oeq, %scan3A_379, %eq3A_385 : vector<256x128xf32>
          %jit3A = arith.constant 1073741824 : i32
          %broadcast_in_dim3A_387 = vector.broadcast %jit3A : i32 to vector<256x128xi32>
          %select_n3A = arith.select %eq3A_386, %iota3A_12, %broadcast_in_dim3A_387 : vector<256x128xi1>, vector<256x128xi32>
          %reduce_min3A_388 = arith.constant dense<2147483647> : vector<128xi32>
          %reduce_min3A_389 = vector.multi_reduction <minsi>, %select_n3A, %reduce_min3A_388 [0] : vector<256x128xi32> to vector<128xi32>
          %broadcast_in_dim3A_390 = vector.shape_cast %reduce_min3A_389 : vector<128xi32> to vector<1x128xi32>
          %eq3A_391 = vector.broadcast %broadcast_in_dim3A_390 : vector<1x128xi32> to vector<256x128xi32>
          %eq3A_392 = arith.cmpi eq, %select_n3A, %eq3A_391 : vector<256x128xi32>
          %jit3A_393 = arith.constant 3.000000e+38 : f32
          %broadcast_in_dim3A_394 = vector.broadcast %jit3A_393 : f32 to vector<256x128xf32>
          %select_n3A_395 = arith.select %eq3A_392, %broadcast_in_dim3A_394, %scan3A_379 : vector<256x128xi1>, vector<256x128xf32>
          %eq3A_396 = vector.broadcast %scan3A_378 : i32 to vector<24x128xi32>
          %eq3A_397 = arith.cmpi eq, %iota3A, %eq3A_396 : vector<24x128xi32>
          %broadcast_in_dim3A_398 = vector.shape_cast %broadcast_in_dim3A_384 : vector<1x128xf32> to vector<1x128xf32>
          %broadcast_in_dim3A_399 = vector.broadcast %broadcast_in_dim3A_398 : vector<1x128xf32> to vector<24x128xf32>
          %select_n3A_400 = arith.select %eq3A_397, %broadcast_in_dim3A_399, %scan3A_380 : vector<24x128xi1>, vector<24x128xf32>
          %eq3A_401 = vector.broadcast %scan3A_378 : i32 to vector<24x128xi32>
          %eq3A_402 = arith.cmpi eq, %iota3A, %eq3A_401 : vector<24x128xi32>
          %broadcast_in_dim3A_403 = vector.shape_cast %broadcast_in_dim3A_390 : vector<1x128xi32> to vector<1x128xi32>
          %broadcast_in_dim3A_404 = vector.broadcast %broadcast_in_dim3A_403 : vector<1x128xi32> to vector<24x128xi32>
          %select_n3A_405 = arith.select %eq3A_402, %broadcast_in_dim3A_404, %scan3A_381 : vector<24x128xi1>, vector<24x128xi32>
          scf.yield %select_n3A_395, %select_n3A_400, %select_n3A_405 : vector<256x128xf32>, vector<24x128xf32>, vector<24x128xi32>
        }
        %scan3A_368 = arith.constant 14 : i32
        %swap3A_369 = arith.constant 72 : index
        %swap3A_370 = arith.constant 0 : index
        %swap3A_371 = vector.load %arg7[%swap3A_369, %swap3A_370] : memref<192x128xf32, #tpu.memory_space<vmem>>, vector<24x128xf32>
        tpu.vector_store %arg7[%swap3A_369, %swap3A_370], %scan3A_367#1 {strides = array<i32>} : memref<192x128xf32, #tpu.memory_space<vmem>>, vector<24x128xf32>,
        %add3A_372 = arith.constant 768 : i32
        %add3A_373 = vector.broadcast %add3A_372 : i32 to vector<24x128xi32>
        %add3A_374 = arith.addi %scan3A_367#2, %add3A_373 : vector<24x128xi32>
        %swap3A_375 = arith.constant 72 : index
        %swap3A_376 = arith.constant 0 : index
        %swap3A_377 = vector.load %arg8[%swap3A_375, %swap3A_376] : memref<192x128xi32, #tpu.memory_space<vmem>>, vector<24x128xi32>
        tpu.vector_store %arg8[%swap3A_375, %swap3A_376], %add3A_374 {strides = array<i32>} : memref<192x128xi32, #tpu.memory_space<vmem>>, vector<24x128xi32>,
      } else {
      }
      %get3A_179 = arith.constant 1024 : index
      %get3A_180 = arith.constant 0 : index
      %get3A_181 = vector.load %arg6[%get3A_179, %get3A_180] : memref<2048x256xf32, #tpu.memory_space<vmem>>, vector<256x128xf32>
      %broadcast_in_dim3A_182 = arith.constant 3.000000e+38 : f32
      %broadcast_in_dim3A_183 = vector.broadcast %broadcast_in_dim3A_182 : f32 to vector<24x128xf32>
      %broadcast_in_dim3A_184 = arith.constant 0 : i32
      %broadcast_in_dim3A_185 = vector.broadcast %broadcast_in_dim3A_184 : i32 to vector<24x128xi32>
      %scan3A_186 = arith.constant 0 : i32
      %scan3A_187 = arith.constant 10 : i32
      %scan3A_188 = arith.addi %scan3A_186, %scan3A_187 : i32
      %scan3A_189 = arith.constant 1 : i32
      %scan3A_190:3 = scf.for %scan3A_363 = %scan3A_186 to %scan3A_188 step %scan3A_189 iter_args(%scan3A_364 = %get3A_181, %scan3A_365 = %broadcast_in_dim3A_183, %scan3A_366 = %broadcast_in_dim3A_185) -> (vector<256x128xf32>, vector<24x128xf32>, vector<24x128xi32>)  : i32 {
        %reduce_min3A_367 = arith.constant dense<0x7F800000> : vector<128xf32>
        %reduce_min3A_368 = vector.multi_reduction <minimumf>, %scan3A_364, %reduce_min3A_367 [0] : vector<256x128xf32> to vector<128xf32>
        %broadcast_in_dim3A_369 = vector.shape_cast %reduce_min3A_368 : vector<128xf32> to vector<1x128xf32>
        %eq3A_370 = vector.broadcast %broadcast_in_dim3A_369 : vector<1x128xf32> to vector<256x128xf32>
        %eq3A_371 = arith.cmpf oeq, %scan3A_364, %eq3A_370 : vector<256x128xf32>
        %jit3A = arith.constant 1073741824 : i32
        %broadcast_in_dim3A_372 = vector.broadcast %jit3A : i32 to vector<256x128xi32>
        %select_n3A = arith.select %eq3A_371, %iota3A_12, %broadcast_in_dim3A_372 : vector<256x128xi1>, vector<256x128xi32>
        %reduce_min3A_373 = arith.constant dense<2147483647> : vector<128xi32>
        %reduce_min3A_374 = vector.multi_reduction <minsi>, %select_n3A, %reduce_min3A_373 [0] : vector<256x128xi32> to vector<128xi32>
        %broadcast_in_dim3A_375 = vector.shape_cast %reduce_min3A_374 : vector<128xi32> to vector<1x128xi32>
        %eq3A_376 = vector.broadcast %broadcast_in_dim3A_375 : vector<1x128xi32> to vector<256x128xi32>
        %eq3A_377 = arith.cmpi eq, %select_n3A, %eq3A_376 : vector<256x128xi32>
        %jit3A_378 = arith.constant 3.000000e+38 : f32
        %broadcast_in_dim3A_379 = vector.broadcast %jit3A_378 : f32 to vector<256x128xf32>
        %select_n3A_380 = arith.select %eq3A_377, %broadcast_in_dim3A_379, %scan3A_364 : vector<256x128xi1>, vector<256x128xf32>
        %eq3A_381 = vector.broadcast %scan3A_363 : i32 to vector<24x128xi32>
        %eq3A_382 = arith.cmpi eq, %iota3A, %eq3A_381 : vector<24x128xi32>
        %broadcast_in_dim3A_383 = vector.shape_cast %broadcast_in_dim3A_369 : vector<1x128xf32> to vector<1x128xf32>
        %broadcast_in_dim3A_384 = vector.broadcast %broadcast_in_dim3A_383 : vector<1x128xf32> to vector<24x128xf32>
        %select_n3A_385 = arith.select %eq3A_382, %broadcast_in_dim3A_384, %scan3A_365 : vector<24x128xi1>, vector<24x128xf32>
        %eq3A_386 = vector.broadcast %scan3A_363 : i32 to vector<24x128xi32>
        %eq3A_387 = arith.cmpi eq, %iota3A, %eq3A_386 : vector<24x128xi32>
        %broadcast_in_dim3A_388 = vector.shape_cast %broadcast_in_dim3A_375 : vector<1x128xi32> to vector<1x128xi32>
        %broadcast_in_dim3A_389 = vector.broadcast %broadcast_in_dim3A_388 : vector<1x128xi32> to vector<24x128xi32>
        %select_n3A_390 = arith.select %eq3A_387, %broadcast_in_dim3A_389, %scan3A_366 : vector<24x128xi1>, vector<24x128xi32>
        scf.yield %select_n3A_380, %select_n3A_385, %select_n3A_390 : vector<256x128xf32>, vector<24x128xf32>, vector<24x128xi32>
      }
      %scan3A_191 = arith.constant 10 : i32
      %swap3A_192 = arith.constant 96 : index
      %swap3A_193 = arith.constant 0 : index
      %swap3A_194 = vector.load %arg7[%swap3A_192, %swap3A_193] : memref<192x128xf32, #tpu.memory_space<vmem>>, vector<24x128xf32>
      tpu.vector_store %arg7[%swap3A_192, %swap3A_193], %scan3A_190#1 {strides = array<i32>} : memref<192x128xf32, #tpu.memory_space<vmem>>, vector<24x128xf32>,
      %add3A_195 = arith.constant 1024 : i32
      %add3A_196 = vector.broadcast %add3A_195 : i32 to vector<24x128xi32>
      %add3A_197 = arith.addi %scan3A_190#2, %add3A_196 : vector<24x128xi32>
      %swap3A_198 = arith.constant 96 : index
      %swap3A_199 = arith.constant 0 : index
      %swap3A_200 = vector.load %arg8[%swap3A_198, %swap3A_199] : memref<192x128xi32, #tpu.memory_space<vmem>>, vector<24x128xi32>
      tpu.vector_store %arg8[%swap3A_198, %swap3A_199], %add3A_197 {strides = array<i32>} : memref<192x128xi32, #tpu.memory_space<vmem>>, vector<24x128xi32>,
      %reduce_min3A_201 = arith.constant dense<0x7F800000> : vector<128xf32>
      %reduce_min3A_202 = vector.multi_reduction <minimumf>, %scan3A_190#0, %reduce_min3A_201 [0] : vector<256x128xf32> to vector<128xf32>
      %broadcast_in_dim3A_203 = vector.shape_cast %reduce_min3A_202 : vector<128xf32> to vector<1x128xf32>
      %le3A_204 = arith.cmpf ole, %broadcast_in_dim3A_203, %scan3A_19#1 : vector<1x128xf32>
      %reduce_or3A_205 = arith.constant 1.000000e+00 : f32
      %reduce_or3A_206 = arith.constant 0.000000e+00 : f32
      %reduce_or3A_207 = vector.broadcast %reduce_or3A_205 : f32 to vector<1x128xf32>
      %reduce_or3A_208 = vector.broadcast %reduce_or3A_206 : f32 to vector<1x128xf32>
      %reduce_or3A_209 = arith.select %le3A_204, %reduce_or3A_207, %reduce_or3A_208 : vector<1x128xi1>, vector<1x128xf32>
      %reduce_or3A_210 = vector.shape_cast %reduce_or3A_209 : vector<1x128xf32> to vector<1x1x128xf32>
      %reduce_or3A_211 = arith.constant dense<0xFF800000> : vector<1xf32>
      %reduce_or3A_212 = vector.multi_reduction <maximumf>, %reduce_or3A_210, %reduce_or3A_211 [1, 2] : vector<1x1x128xf32> to vector<1xf32>
      %reduce_or3A_213 = vector.shape_cast %reduce_or3A_212 : vector<1xf32> to vector<1x1x1xf32>
      %reduce_or3A_214 = vector.extract %reduce_or3A_213[0, 0, 0] : f32 from vector<1x1x1xf32>
      %reduce_or3A_215 = arith.constant 0.000000e+00 : f32
      %reduce_or3A_216 = arith.cmpf ogt, %reduce_or3A_214, %reduce_or3A_215 : f32
      %convert_element_type3A_217 = arith.extui %reduce_or3A_216 : i1 to i32
      %cond3A_218 = arith.constant 0 : i32
      %cond3A_219 = arith.cmpi ne, %convert_element_type3A_217, %cond3A_218 : i32
      scf.if %cond3A_219 {
        %scan3A_363 = arith.constant 10 : i32
        %scan3A_364 = arith.constant 14 : i32
        %scan3A_365 = arith.addi %scan3A_363, %scan3A_364 : i32
        %scan3A_366 = arith.constant 1 : i32
        %scan3A_367:3 = scf.for %scan3A_378 = %scan3A_363 to %scan3A_365 step %scan3A_366 iter_args(%scan3A_379 = %scan3A_190#0, %scan3A_380 = %scan3A_190#1, %scan3A_381 = %scan3A_190#2) -> (vector<256x128xf32>, vector<24x128xf32>, vector<24x128xi32>)  : i32 {
          %reduce_min3A_382 = arith.constant dense<0x7F800000> : vector<128xf32>
          %reduce_min3A_383 = vector.multi_reduction <minimumf>, %scan3A_379, %reduce_min3A_382 [0] : vector<256x128xf32> to vector<128xf32>
          %broadcast_in_dim3A_384 = vector.shape_cast %reduce_min3A_383 : vector<128xf32> to vector<1x128xf32>
          %eq3A_385 = vector.broadcast %broadcast_in_dim3A_384 : vector<1x128xf32> to vector<256x128xf32>
          %eq3A_386 = arith.cmpf oeq, %scan3A_379, %eq3A_385 : vector<256x128xf32>
          %jit3A = arith.constant 1073741824 : i32
          %broadcast_in_dim3A_387 = vector.broadcast %jit3A : i32 to vector<256x128xi32>
          %select_n3A = arith.select %eq3A_386, %iota3A_12, %broadcast_in_dim3A_387 : vector<256x128xi1>, vector<256x128xi32>
          %reduce_min3A_388 = arith.constant dense<2147483647> : vector<128xi32>
          %reduce_min3A_389 = vector.multi_reduction <minsi>, %select_n3A, %reduce_min3A_388 [0] : vector<256x128xi32> to vector<128xi32>
          %broadcast_in_dim3A_390 = vector.shape_cast %reduce_min3A_389 : vector<128xi32> to vector<1x128xi32>
          %eq3A_391 = vector.broadcast %broadcast_in_dim3A_390 : vector<1x128xi32> to vector<256x128xi32>
          %eq3A_392 = arith.cmpi eq, %select_n3A, %eq3A_391 : vector<256x128xi32>
          %jit3A_393 = arith.constant 3.000000e+38 : f32
          %broadcast_in_dim3A_394 = vector.broadcast %jit3A_393 : f32 to vector<256x128xf32>
          %select_n3A_395 = arith.select %eq3A_392, %broadcast_in_dim3A_394, %scan3A_379 : vector<256x128xi1>, vector<256x128xf32>
          %eq3A_396 = vector.broadcast %scan3A_378 : i32 to vector<24x128xi32>
          %eq3A_397 = arith.cmpi eq, %iota3A, %eq3A_396 : vector<24x128xi32>
          %broadcast_in_dim3A_398 = vector.shape_cast %broadcast_in_dim3A_384 : vector<1x128xf32> to vector<1x128xf32>
          %broadcast_in_dim3A_399 = vector.broadcast %broadcast_in_dim3A_398 : vector<1x128xf32> to vector<24x128xf32>
          %select_n3A_400 = arith.select %eq3A_397, %broadcast_in_dim3A_399, %scan3A_380 : vector<24x128xi1>, vector<24x128xf32>
          %eq3A_401 = vector.broadcast %scan3A_378 : i32 to vector<24x128xi32>
          %eq3A_402 = arith.cmpi eq, %iota3A, %eq3A_401 : vector<24x128xi32>
          %broadcast_in_dim3A_403 = vector.shape_cast %broadcast_in_dim3A_390 : vector<1x128xi32> to vector<1x128xi32>
          %broadcast_in_dim3A_404 = vector.broadcast %broadcast_in_dim3A_403 : vector<1x128xi32> to vector<24x128xi32>
          %select_n3A_405 = arith.select %eq3A_402, %broadcast_in_dim3A_404, %scan3A_381 : vector<24x128xi1>, vector<24x128xi32>
          scf.yield %select_n3A_395, %select_n3A_400, %select_n3A_405 : vector<256x128xf32>, vector<24x128xf32>, vector<24x128xi32>
        }
        %scan3A_368 = arith.constant 14 : i32
        %swap3A_369 = arith.constant 96 : index
        %swap3A_370 = arith.constant 0 : index
        %swap3A_371 = vector.load %arg7[%swap3A_369, %swap3A_370] : memref<192x128xf32, #tpu.memory_space<vmem>>, vector<24x128xf32>
        tpu.vector_store %arg7[%swap3A_369, %swap3A_370], %scan3A_367#1 {strides = array<i32>} : memref<192x128xf32, #tpu.memory_space<vmem>>, vector<24x128xf32>,
        %add3A_372 = arith.constant 1024 : i32
        %add3A_373 = vector.broadcast %add3A_372 : i32 to vector<24x128xi32>
        %add3A_374 = arith.addi %scan3A_367#2, %add3A_373 : vector<24x128xi32>
        %swap3A_375 = arith.constant 96 : index
        %swap3A_376 = arith.constant 0 : index
        %swap3A_377 = vector.load %arg8[%swap3A_375, %swap3A_376] : memref<192x128xi32, #tpu.memory_space<vmem>>, vector<24x128xi32>
        tpu.vector_store %arg8[%swap3A_375, %swap3A_376], %add3A_374 {strides = array<i32>} : memref<192x128xi32, #tpu.memory_space<vmem>>, vector<24x128xi32>,
      } else {
      }
      %get3A_220 = arith.constant 1280 : index
      %get3A_221 = arith.constant 0 : index
      %get3A_222 = vector.load %arg6[%get3A_220, %get3A_221] : memref<2048x256xf32, #tpu.memory_space<vmem>>, vector<256x128xf32>
      %broadcast_in_dim3A_223 = arith.constant 3.000000e+38 : f32
      %broadcast_in_dim3A_224 = vector.broadcast %broadcast_in_dim3A_223 : f32 to vector<24x128xf32>
      %broadcast_in_dim3A_225 = arith.constant 0 : i32
      %broadcast_in_dim3A_226 = vector.broadcast %broadcast_in_dim3A_225 : i32 to vector<24x128xi32>
      %scan3A_227 = arith.constant 0 : i32
      %scan3A_228 = arith.constant 10 : i32
      %scan3A_229 = arith.addi %scan3A_227, %scan3A_228 : i32
      %scan3A_230 = arith.constant 1 : i32
      %scan3A_231:3 = scf.for %scan3A_363 = %scan3A_227 to %scan3A_229 step %scan3A_230 iter_args(%scan3A_364 = %get3A_222, %scan3A_365 = %broadcast_in_dim3A_224, %scan3A_366 = %broadcast_in_dim3A_226) -> (vector<256x128xf32>, vector<24x128xf32>, vector<24x128xi32>)  : i32 {
        %reduce_min3A_367 = arith.constant dense<0x7F800000> : vector<128xf32>
        %reduce_min3A_368 = vector.multi_reduction <minimumf>, %scan3A_364, %reduce_min3A_367 [0] : vector<256x128xf32> to vector<128xf32>
        %broadcast_in_dim3A_369 = vector.shape_cast %reduce_min3A_368 : vector<128xf32> to vector<1x128xf32>
        %eq3A_370 = vector.broadcast %broadcast_in_dim3A_369 : vector<1x128xf32> to vector<256x128xf32>
        %eq3A_371 = arith.cmpf oeq, %scan3A_364, %eq3A_370 : vector<256x128xf32>
        %jit3A = arith.constant 1073741824 : i32
        %broadcast_in_dim3A_372 = vector.broadcast %jit3A : i32 to vector<256x128xi32>
        %select_n3A = arith.select %eq3A_371, %iota3A_12, %broadcast_in_dim3A_372 : vector<256x128xi1>, vector<256x128xi32>
        %reduce_min3A_373 = arith.constant dense<2147483647> : vector<128xi32>
        %reduce_min3A_374 = vector.multi_reduction <minsi>, %select_n3A, %reduce_min3A_373 [0] : vector<256x128xi32> to vector<128xi32>
        %broadcast_in_dim3A_375 = vector.shape_cast %reduce_min3A_374 : vector<128xi32> to vector<1x128xi32>
        %eq3A_376 = vector.broadcast %broadcast_in_dim3A_375 : vector<1x128xi32> to vector<256x128xi32>
        %eq3A_377 = arith.cmpi eq, %select_n3A, %eq3A_376 : vector<256x128xi32>
        %jit3A_378 = arith.constant 3.000000e+38 : f32
        %broadcast_in_dim3A_379 = vector.broadcast %jit3A_378 : f32 to vector<256x128xf32>
        %select_n3A_380 = arith.select %eq3A_377, %broadcast_in_dim3A_379, %scan3A_364 : vector<256x128xi1>, vector<256x128xf32>
        %eq3A_381 = vector.broadcast %scan3A_363 : i32 to vector<24x128xi32>
        %eq3A_382 = arith.cmpi eq, %iota3A, %eq3A_381 : vector<24x128xi32>
        %broadcast_in_dim3A_383 = vector.shape_cast %broadcast_in_dim3A_369 : vector<1x128xf32> to vector<1x128xf32>
        %broadcast_in_dim3A_384 = vector.broadcast %broadcast_in_dim3A_383 : vector<1x128xf32> to vector<24x128xf32>
        %select_n3A_385 = arith.select %eq3A_382, %broadcast_in_dim3A_384, %scan3A_365 : vector<24x128xi1>, vector<24x128xf32>
        %eq3A_386 = vector.broadcast %scan3A_363 : i32 to vector<24x128xi32>
        %eq3A_387 = arith.cmpi eq, %iota3A, %eq3A_386 : vector<24x128xi32>
        %broadcast_in_dim3A_388 = vector.shape_cast %broadcast_in_dim3A_375 : vector<1x128xi32> to vector<1x128xi32>
        %broadcast_in_dim3A_389 = vector.broadcast %broadcast_in_dim3A_388 : vector<1x128xi32> to vector<24x128xi32>
        %select_n3A_390 = arith.select %eq3A_387, %broadcast_in_dim3A_389, %scan3A_366 : vector<24x128xi1>, vector<24x128xi32>
        scf.yield %select_n3A_380, %select_n3A_385, %select_n3A_390 : vector<256x128xf32>, vector<24x128xf32>, vector<24x128xi32>
      }
      %scan3A_232 = arith.constant 10 : i32
      %swap3A_233 = arith.constant 120 : index
      %swap3A_234 = arith.constant 0 : index
      %swap3A_235 = vector.load %arg7[%swap3A_233, %swap3A_234] : memref<192x128xf32, #tpu.memory_space<vmem>>, vector<24x128xf32>
      tpu.vector_store %arg7[%swap3A_233, %swap3A_234], %scan3A_231#1 {strides = array<i32>} : memref<192x128xf32, #tpu.memory_space<vmem>>, vector<24x128xf32>,
      %add3A_236 = arith.constant 1280 : i32
      %add3A_237 = vector.broadcast %add3A_236 : i32 to vector<24x128xi32>
      %add3A_238 = arith.addi %scan3A_231#2, %add3A_237 : vector<24x128xi32>
      %swap3A_239 = arith.constant 120 : index
      %swap3A_240 = arith.constant 0 : index
      %swap3A_241 = vector.load %arg8[%swap3A_239, %swap3A_240] : memref<192x128xi32, #tpu.memory_space<vmem>>, vector<24x128xi32>
      tpu.vector_store %arg8[%swap3A_239, %swap3A_240], %add3A_238 {strides = array<i32>} : memref<192x128xi32, #tpu.memory_space<vmem>>, vector<24x128xi32>,
      %reduce_min3A_242 = arith.constant dense<0x7F800000> : vector<128xf32>
      %reduce_min3A_243 = vector.multi_reduction <minimumf>, %scan3A_231#0, %reduce_min3A_242 [0] : vector<256x128xf32> to vector<128xf32>
      %broadcast_in_dim3A_244 = vector.shape_cast %reduce_min3A_243 : vector<128xf32> to vector<1x128xf32>
      %le3A_245 = arith.cmpf ole, %broadcast_in_dim3A_244, %scan3A_19#1 : vector<1x128xf32>
      %reduce_or3A_246 = arith.constant 1.000000e+00 : f32
      %reduce_or3A_247 = arith.constant 0.000000e+00 : f32
      %reduce_or3A_248 = vector.broadcast %reduce_or3A_246 : f32 to vector<1x128xf32>
      %reduce_or3A_249 = vector.broadcast %reduce_or3A_247 : f32 to vector<1x128xf32>
      %reduce_or3A_250 = arith.select %le3A_245, %reduce_or3A_248, %reduce_or3A_249 : vector<1x128xi1>, vector<1x128xf32>
      %reduce_or3A_251 = vector.shape_cast %reduce_or3A_250 : vector<1x128xf32> to vector<1x1x128xf32>
      %reduce_or3A_252 = arith.constant dense<0xFF800000> : vector<1xf32>
      %reduce_or3A_253 = vector.multi_reduction <maximumf>, %reduce_or3A_251, %reduce_or3A_252 [1, 2] : vector<1x1x128xf32> to vector<1xf32>
      %reduce_or3A_254 = vector.shape_cast %reduce_or3A_253 : vector<1xf32> to vector<1x1x1xf32>
      %reduce_or3A_255 = vector.extract %reduce_or3A_254[0, 0, 0] : f32 from vector<1x1x1xf32>
      %reduce_or3A_256 = arith.constant 0.000000e+00 : f32
      %reduce_or3A_257 = arith.cmpf ogt, %reduce_or3A_255, %reduce_or3A_256 : f32
      %convert_element_type3A_258 = arith.extui %reduce_or3A_257 : i1 to i32
      %cond3A_259 = arith.constant 0 : i32
      %cond3A_260 = arith.cmpi ne, %convert_element_type3A_258, %cond3A_259 : i32
      scf.if %cond3A_260 {
        %scan3A_363 = arith.constant 10 : i32
        %scan3A_364 = arith.constant 14 : i32
        %scan3A_365 = arith.addi %scan3A_363, %scan3A_364 : i32
        %scan3A_366 = arith.constant 1 : i32
        %scan3A_367:3 = scf.for %scan3A_378 = %scan3A_363 to %scan3A_365 step %scan3A_366 iter_args(%scan3A_379 = %scan3A_231#0, %scan3A_380 = %scan3A_231#1, %scan3A_381 = %scan3A_231#2) -> (vector<256x128xf32>, vector<24x128xf32>, vector<24x128xi32>)  : i32 {
          %reduce_min3A_382 = arith.constant dense<0x7F800000> : vector<128xf32>
          %reduce_min3A_383 = vector.multi_reduction <minimumf>, %scan3A_379, %reduce_min3A_382 [0] : vector<256x128xf32> to vector<128xf32>
          %broadcast_in_dim3A_384 = vector.shape_cast %reduce_min3A_383 : vector<128xf32> to vector<1x128xf32>
          %eq3A_385 = vector.broadcast %broadcast_in_dim3A_384 : vector<1x128xf32> to vector<256x128xf32>
          %eq3A_386 = arith.cmpf oeq, %scan3A_379, %eq3A_385 : vector<256x128xf32>
          %jit3A = arith.constant 1073741824 : i32
          %broadcast_in_dim3A_387 = vector.broadcast %jit3A : i32 to vector<256x128xi32>
          %select_n3A = arith.select %eq3A_386, %iota3A_12, %broadcast_in_dim3A_387 : vector<256x128xi1>, vector<256x128xi32>
          %reduce_min3A_388 = arith.constant dense<2147483647> : vector<128xi32>
          %reduce_min3A_389 = vector.multi_reduction <minsi>, %select_n3A, %reduce_min3A_388 [0] : vector<256x128xi32> to vector<128xi32>
          %broadcast_in_dim3A_390 = vector.shape_cast %reduce_min3A_389 : vector<128xi32> to vector<1x128xi32>
          %eq3A_391 = vector.broadcast %broadcast_in_dim3A_390 : vector<1x128xi32> to vector<256x128xi32>
          %eq3A_392 = arith.cmpi eq, %select_n3A, %eq3A_391 : vector<256x128xi32>
          %jit3A_393 = arith.constant 3.000000e+38 : f32
          %broadcast_in_dim3A_394 = vector.broadcast %jit3A_393 : f32 to vector<256x128xf32>
          %select_n3A_395 = arith.select %eq3A_392, %broadcast_in_dim3A_394, %scan3A_379 : vector<256x128xi1>, vector<256x128xf32>
          %eq3A_396 = vector.broadcast %scan3A_378 : i32 to vector<24x128xi32>
          %eq3A_397 = arith.cmpi eq, %iota3A, %eq3A_396 : vector<24x128xi32>
          %broadcast_in_dim3A_398 = vector.shape_cast %broadcast_in_dim3A_384 : vector<1x128xf32> to vector<1x128xf32>
          %broadcast_in_dim3A_399 = vector.broadcast %broadcast_in_dim3A_398 : vector<1x128xf32> to vector<24x128xf32>
          %select_n3A_400 = arith.select %eq3A_397, %broadcast_in_dim3A_399, %scan3A_380 : vector<24x128xi1>, vector<24x128xf32>
          %eq3A_401 = vector.broadcast %scan3A_378 : i32 to vector<24x128xi32>
          %eq3A_402 = arith.cmpi eq, %iota3A, %eq3A_401 : vector<24x128xi32>
          %broadcast_in_dim3A_403 = vector.shape_cast %broadcast_in_dim3A_390 : vector<1x128xi32> to vector<1x128xi32>
          %broadcast_in_dim3A_404 = vector.broadcast %broadcast_in_dim3A_403 : vector<1x128xi32> to vector<24x128xi32>
          %select_n3A_405 = arith.select %eq3A_402, %broadcast_in_dim3A_404, %scan3A_381 : vector<24x128xi1>, vector<24x128xi32>
          scf.yield %select_n3A_395, %select_n3A_400, %select_n3A_405 : vector<256x128xf32>, vector<24x128xf32>, vector<24x128xi32>
        }
        %scan3A_368 = arith.constant 14 : i32
        %swap3A_369 = arith.constant 120 : index
        %swap3A_370 = arith.constant 0 : index
        %swap3A_371 = vector.load %arg7[%swap3A_369, %swap3A_370] : memref<192x128xf32, #tpu.memory_space<vmem>>, vector<24x128xf32>
        tpu.vector_store %arg7[%swap3A_369, %swap3A_370], %scan3A_367#1 {strides = array<i32>} : memref<192x128xf32, #tpu.memory_space<vmem>>, vector<24x128xf32>,
        %add3A_372 = arith.constant 1280 : i32
        %add3A_373 = vector.broadcast %add3A_372 : i32 to vector<24x128xi32>
        %add3A_374 = arith.addi %scan3A_367#2, %add3A_373 : vector<24x128xi32>
        %swap3A_375 = arith.constant 120 : index
        %swap3A_376 = arith.constant 0 : index
        %swap3A_377 = vector.load %arg8[%swap3A_375, %swap3A_376] : memref<192x128xi32, #tpu.memory_space<vmem>>, vector<24x128xi32>
        tpu.vector_store %arg8[%swap3A_375, %swap3A_376], %add3A_374 {strides = array<i32>} : memref<192x128xi32, #tpu.memory_space<vmem>>, vector<24x128xi32>,
      } else {
      }
      %get3A_261 = arith.constant 1536 : index
      %get3A_262 = arith.constant 0 : index
      %get3A_263 = vector.load %arg6[%get3A_261, %get3A_262] : memref<2048x256xf32, #tpu.memory_space<vmem>>, vector<256x128xf32>
      %broadcast_in_dim3A_264 = arith.constant 3.000000e+38 : f32
      %broadcast_in_dim3A_265 = vector.broadcast %broadcast_in_dim3A_264 : f32 to vector<24x128xf32>
      %broadcast_in_dim3A_266 = arith.constant 0 : i32
      %broadcast_in_dim3A_267 = vector.broadcast %broadcast_in_dim3A_266 : i32 to vector<24x128xi32>
      %scan3A_268 = arith.constant 0 : i32
      %scan3A_269 = arith.constant 10 : i32
      %scan3A_270 = arith.addi %scan3A_268, %scan3A_269 : i32
      %scan3A_271 = arith.constant 1 : i32
      %scan3A_272:3 = scf.for %scan3A_363 = %scan3A_268 to %scan3A_270 step %scan3A_271 iter_args(%scan3A_364 = %get3A_263, %scan3A_365 = %broadcast_in_dim3A_265, %scan3A_366 = %broadcast_in_dim3A_267) -> (vector<256x128xf32>, vector<24x128xf32>, vector<24x128xi32>)  : i32 {
        %reduce_min3A_367 = arith.constant dense<0x7F800000> : vector<128xf32>
        %reduce_min3A_368 = vector.multi_reduction <minimumf>, %scan3A_364, %reduce_min3A_367 [0] : vector<256x128xf32> to vector<128xf32>
        %broadcast_in_dim3A_369 = vector.shape_cast %reduce_min3A_368 : vector<128xf32> to vector<1x128xf32>
        %eq3A_370 = vector.broadcast %broadcast_in_dim3A_369 : vector<1x128xf32> to vector<256x128xf32>
        %eq3A_371 = arith.cmpf oeq, %scan3A_364, %eq3A_370 : vector<256x128xf32>
        %jit3A = arith.constant 1073741824 : i32
        %broadcast_in_dim3A_372 = vector.broadcast %jit3A : i32 to vector<256x128xi32>
        %select_n3A = arith.select %eq3A_371, %iota3A_12, %broadcast_in_dim3A_372 : vector<256x128xi1>, vector<256x128xi32>
        %reduce_min3A_373 = arith.constant dense<2147483647> : vector<128xi32>
        %reduce_min3A_374 = vector.multi_reduction <minsi>, %select_n3A, %reduce_min3A_373 [0] : vector<256x128xi32> to vector<128xi32>
        %broadcast_in_dim3A_375 = vector.shape_cast %reduce_min3A_374 : vector<128xi32> to vector<1x128xi32>
        %eq3A_376 = vector.broadcast %broadcast_in_dim3A_375 : vector<1x128xi32> to vector<256x128xi32>
        %eq3A_377 = arith.cmpi eq, %select_n3A, %eq3A_376 : vector<256x128xi32>
        %jit3A_378 = arith.constant 3.000000e+38 : f32
        %broadcast_in_dim3A_379 = vector.broadcast %jit3A_378 : f32 to vector<256x128xf32>
        %select_n3A_380 = arith.select %eq3A_377, %broadcast_in_dim3A_379, %scan3A_364 : vector<256x128xi1>, vector<256x128xf32>
        %eq3A_381 = vector.broadcast %scan3A_363 : i32 to vector<24x128xi32>
        %eq3A_382 = arith.cmpi eq, %iota3A, %eq3A_381 : vector<24x128xi32>
        %broadcast_in_dim3A_383 = vector.shape_cast %broadcast_in_dim3A_369 : vector<1x128xf32> to vector<1x128xf32>
        %broadcast_in_dim3A_384 = vector.broadcast %broadcast_in_dim3A_383 : vector<1x128xf32> to vector<24x128xf32>
        %select_n3A_385 = arith.select %eq3A_382, %broadcast_in_dim3A_384, %scan3A_365 : vector<24x128xi1>, vector<24x128xf32>
        %eq3A_386 = vector.broadcast %scan3A_363 : i32 to vector<24x128xi32>
        %eq3A_387 = arith.cmpi eq, %iota3A, %eq3A_386 : vector<24x128xi32>
        %broadcast_in_dim3A_388 = vector.shape_cast %broadcast_in_dim3A_375 : vector<1x128xi32> to vector<1x128xi32>
        %broadcast_in_dim3A_389 = vector.broadcast %broadcast_in_dim3A_388 : vector<1x128xi32> to vector<24x128xi32>
        %select_n3A_390 = arith.select %eq3A_387, %broadcast_in_dim3A_389, %scan3A_366 : vector<24x128xi1>, vector<24x128xi32>
        scf.yield %select_n3A_380, %select_n3A_385, %select_n3A_390 : vector<256x128xf32>, vector<24x128xf32>, vector<24x128xi32>
      }
      %scan3A_273 = arith.constant 10 : i32
      %swap3A_274 = arith.constant 144 : index
      %swap3A_275 = arith.constant 0 : index
      %swap3A_276 = vector.load %arg7[%swap3A_274, %swap3A_275] : memref<192x128xf32, #tpu.memory_space<vmem>>, vector<24x128xf32>
      tpu.vector_store %arg7[%swap3A_274, %swap3A_275], %scan3A_272#1 {strides = array<i32>} : memref<192x128xf32, #tpu.memory_space<vmem>>, vector<24x128xf32>,
      %add3A_277 = arith.constant 1536 : i32
      %add3A_278 = vector.broadcast %add3A_277 : i32 to vector<24x128xi32>
      %add3A_279 = arith.addi %scan3A_272#2, %add3A_278 : vector<24x128xi32>
      %swap3A_280 = arith.constant 144 : index
      %swap3A_281 = arith.constant 0 : index
      %swap3A_282 = vector.load %arg8[%swap3A_280, %swap3A_281] : memref<192x128xi32, #tpu.memory_space<vmem>>, vector<24x128xi32>
      tpu.vector_store %arg8[%swap3A_280, %swap3A_281], %add3A_279 {strides = array<i32>} : memref<192x128xi32, #tpu.memory_space<vmem>>, vector<24x128xi32>,
      %reduce_min3A_283 = arith.constant dense<0x7F800000> : vector<128xf32>
      %reduce_min3A_284 = vector.multi_reduction <minimumf>, %scan3A_272#0, %reduce_min3A_283 [0] : vector<256x128xf32> to vector<128xf32>
      %broadcast_in_dim3A_285 = vector.shape_cast %reduce_min3A_284 : vector<128xf32> to vector<1x128xf32>
      %le3A_286 = arith.cmpf ole, %broadcast_in_dim3A_285, %scan3A_19#1 : vector<1x128xf32>
      %reduce_or3A_287 = arith.constant 1.000000e+00 : f32
      %reduce_or3A_288 = arith.constant 0.000000e+00 : f32
      %reduce_or3A_289 = vector.broadcast %reduce_or3A_287 : f32 to vector<1x128xf32>
      %reduce_or3A_290 = vector.broadcast %reduce_or3A_288 : f32 to vector<1x128xf32>
      %reduce_or3A_291 = arith.select %le3A_286, %reduce_or3A_289, %reduce_or3A_290 : vector<1x128xi1>, vector<1x128xf32>
      %reduce_or3A_292 = vector.shape_cast %reduce_or3A_291 : vector<1x128xf32> to vector<1x1x128xf32>
      %reduce_or3A_293 = arith.constant dense<0xFF800000> : vector<1xf32>
      %reduce_or3A_294 = vector.multi_reduction <maximumf>, %reduce_or3A_292, %reduce_or3A_293 [1, 2] : vector<1x1x128xf32> to vector<1xf32>
      %reduce_or3A_295 = vector.shape_cast %reduce_or3A_294 : vector<1xf32> to vector<1x1x1xf32>
      %reduce_or3A_296 = vector.extract %reduce_or3A_295[0, 0, 0] : f32 from vector<1x1x1xf32>
      %reduce_or3A_297 = arith.constant 0.000000e+00 : f32
      %reduce_or3A_298 = arith.cmpf ogt, %reduce_or3A_296, %reduce_or3A_297 : f32
      %convert_element_type3A_299 = arith.extui %reduce_or3A_298 : i1 to i32
      %cond3A_300 = arith.constant 0 : i32
      %cond3A_301 = arith.cmpi ne, %convert_element_type3A_299, %cond3A_300 : i32
      scf.if %cond3A_301 {
        %scan3A_363 = arith.constant 10 : i32
        %scan3A_364 = arith.constant 14 : i32
        %scan3A_365 = arith.addi %scan3A_363, %scan3A_364 : i32
        %scan3A_366 = arith.constant 1 : i32
        %scan3A_367:3 = scf.for %scan3A_378 = %scan3A_363 to %scan3A_365 step %scan3A_366 iter_args(%scan3A_379 = %scan3A_272#0, %scan3A_380 = %scan3A_272#1, %scan3A_381 = %scan3A_272#2) -> (vector<256x128xf32>, vector<24x128xf32>, vector<24x128xi32>)  : i32 {
          %reduce_min3A_382 = arith.constant dense<0x7F800000> : vector<128xf32>
          %reduce_min3A_383 = vector.multi_reduction <minimumf>, %scan3A_379, %reduce_min3A_382 [0] : vector<256x128xf32> to vector<128xf32>
          %broadcast_in_dim3A_384 = vector.shape_cast %reduce_min3A_383 : vector<128xf32> to vector<1x128xf32>
          %eq3A_385 = vector.broadcast %broadcast_in_dim3A_384 : vector<1x128xf32> to vector<256x128xf32>
          %eq3A_386 = arith.cmpf oeq, %scan3A_379, %eq3A_385 : vector<256x128xf32>
          %jit3A = arith.constant 1073741824 : i32
          %broadcast_in_dim3A_387 = vector.broadcast %jit3A : i32 to vector<256x128xi32>
          %select_n3A = arith.select %eq3A_386, %iota3A_12, %broadcast_in_dim3A_387 : vector<256x128xi1>, vector<256x128xi32>
          %reduce_min3A_388 = arith.constant dense<2147483647> : vector<128xi32>
          %reduce_min3A_389 = vector.multi_reduction <minsi>, %select_n3A, %reduce_min3A_388 [0] : vector<256x128xi32> to vector<128xi32>
          %broadcast_in_dim3A_390 = vector.shape_cast %reduce_min3A_389 : vector<128xi32> to vector<1x128xi32>
          %eq3A_391 = vector.broadcast %broadcast_in_dim3A_390 : vector<1x128xi32> to vector<256x128xi32>
          %eq3A_392 = arith.cmpi eq, %select_n3A, %eq3A_391 : vector<256x128xi32>
          %jit3A_393 = arith.constant 3.000000e+38 : f32
          %broadcast_in_dim3A_394 = vector.broadcast %jit3A_393 : f32 to vector<256x128xf32>
          %select_n3A_395 = arith.select %eq3A_392, %broadcast_in_dim3A_394, %scan3A_379 : vector<256x128xi1>, vector<256x128xf32>
          %eq3A_396 = vector.broadcast %scan3A_378 : i32 to vector<24x128xi32>
          %eq3A_397 = arith.cmpi eq, %iota3A, %eq3A_396 : vector<24x128xi32>
          %broadcast_in_dim3A_398 = vector.shape_cast %broadcast_in_dim3A_384 : vector<1x128xf32> to vector<1x128xf32>
          %broadcast_in_dim3A_399 = vector.broadcast %broadcast_in_dim3A_398 : vector<1x128xf32> to vector<24x128xf32>
          %select_n3A_400 = arith.select %eq3A_397, %broadcast_in_dim3A_399, %scan3A_380 : vector<24x128xi1>, vector<24x128xf32>
          %eq3A_401 = vector.broadcast %scan3A_378 : i32 to vector<24x128xi32>
          %eq3A_402 = arith.cmpi eq, %iota3A, %eq3A_401 : vector<24x128xi32>
          %broadcast_in_dim3A_403 = vector.shape_cast %broadcast_in_dim3A_390 : vector<1x128xi32> to vector<1x128xi32>
          %broadcast_in_dim3A_404 = vector.broadcast %broadcast_in_dim3A_403 : vector<1x128xi32> to vector<24x128xi32>
          %select_n3A_405 = arith.select %eq3A_402, %broadcast_in_dim3A_404, %scan3A_381 : vector<24x128xi1>, vector<24x128xi32>
          scf.yield %select_n3A_395, %select_n3A_400, %select_n3A_405 : vector<256x128xf32>, vector<24x128xf32>, vector<24x128xi32>
        }
        %scan3A_368 = arith.constant 14 : i32
        %swap3A_369 = arith.constant 144 : index
        %swap3A_370 = arith.constant 0 : index
        %swap3A_371 = vector.load %arg7[%swap3A_369, %swap3A_370] : memref<192x128xf32, #tpu.memory_space<vmem>>, vector<24x128xf32>
        tpu.vector_store %arg7[%swap3A_369, %swap3A_370], %scan3A_367#1 {strides = array<i32>} : memref<192x128xf32, #tpu.memory_space<vmem>>, vector<24x128xf32>,
        %add3A_372 = arith.constant 1536 : i32
        %add3A_373 = vector.broadcast %add3A_372 : i32 to vector<24x128xi32>
        %add3A_374 = arith.addi %scan3A_367#2, %add3A_373 : vector<24x128xi32>
        %swap3A_375 = arith.constant 144 : index
        %swap3A_376 = arith.constant 0 : index
        %swap3A_377 = vector.load %arg8[%swap3A_375, %swap3A_376] : memref<192x128xi32, #tpu.memory_space<vmem>>, vector<24x128xi32>
        tpu.vector_store %arg8[%swap3A_375, %swap3A_376], %add3A_374 {strides = array<i32>} : memref<192x128xi32, #tpu.memory_space<vmem>>, vector<24x128xi32>,
      } else {
      }
      %get3A_302 = arith.constant 1792 : index
      %get3A_303 = arith.constant 0 : index
      %get3A_304 = vector.load %arg6[%get3A_302, %get3A_303] : memref<2048x256xf32, #tpu.memory_space<vmem>>, vector<256x128xf32>
      %broadcast_in_dim3A_305 = arith.constant 3.000000e+38 : f32
      %broadcast_in_dim3A_306 = vector.broadcast %broadcast_in_dim3A_305 : f32 to vector<24x128xf32>
      %broadcast_in_dim3A_307 = arith.constant 0 : i32
      %broadcast_in_dim3A_308 = vector.broadcast %broadcast_in_dim3A_307 : i32 to vector<24x128xi32>
      %scan3A_309 = arith.constant 0 : i32
      %scan3A_310 = arith.constant 10 : i32
      %scan3A_311 = arith.addi %scan3A_309, %scan3A_310 : i32
      %scan3A_312 = arith.constant 1 : i32
      %scan3A_313:3 = scf.for %scan3A_363 = %scan3A_309 to %scan3A_311 step %scan3A_312 iter_args(%scan3A_364 = %get3A_304, %scan3A_365 = %broadcast_in_dim3A_306, %scan3A_366 = %broadcast_in_dim3A_308) -> (vector<256x128xf32>, vector<24x128xf32>, vector<24x128xi32>)  : i32 {
        %reduce_min3A_367 = arith.constant dense<0x7F800000> : vector<128xf32>
        %reduce_min3A_368 = vector.multi_reduction <minimumf>, %scan3A_364, %reduce_min3A_367 [0] : vector<256x128xf32> to vector<128xf32>
        %broadcast_in_dim3A_369 = vector.shape_cast %reduce_min3A_368 : vector<128xf32> to vector<1x128xf32>
        %eq3A_370 = vector.broadcast %broadcast_in_dim3A_369 : vector<1x128xf32> to vector<256x128xf32>
        %eq3A_371 = arith.cmpf oeq, %scan3A_364, %eq3A_370 : vector<256x128xf32>
        %jit3A = arith.constant 1073741824 : i32
        %broadcast_in_dim3A_372 = vector.broadcast %jit3A : i32 to vector<256x128xi32>
        %select_n3A = arith.select %eq3A_371, %iota3A_12, %broadcast_in_dim3A_372 : vector<256x128xi1>, vector<256x128xi32>
        %reduce_min3A_373 = arith.constant dense<2147483647> : vector<128xi32>
        %reduce_min3A_374 = vector.multi_reduction <minsi>, %select_n3A, %reduce_min3A_373 [0] : vector<256x128xi32> to vector<128xi32>
        %broadcast_in_dim3A_375 = vector.shape_cast %reduce_min3A_374 : vector<128xi32> to vector<1x128xi32>
        %eq3A_376 = vector.broadcast %broadcast_in_dim3A_375 : vector<1x128xi32> to vector<256x128xi32>
        %eq3A_377 = arith.cmpi eq, %select_n3A, %eq3A_376 : vector<256x128xi32>
        %jit3A_378 = arith.constant 3.000000e+38 : f32
        %broadcast_in_dim3A_379 = vector.broadcast %jit3A_378 : f32 to vector<256x128xf32>
        %select_n3A_380 = arith.select %eq3A_377, %broadcast_in_dim3A_379, %scan3A_364 : vector<256x128xi1>, vector<256x128xf32>
        %eq3A_381 = vector.broadcast %scan3A_363 : i32 to vector<24x128xi32>
        %eq3A_382 = arith.cmpi eq, %iota3A, %eq3A_381 : vector<24x128xi32>
        %broadcast_in_dim3A_383 = vector.shape_cast %broadcast_in_dim3A_369 : vector<1x128xf32> to vector<1x128xf32>
        %broadcast_in_dim3A_384 = vector.broadcast %broadcast_in_dim3A_383 : vector<1x128xf32> to vector<24x128xf32>
        %select_n3A_385 = arith.select %eq3A_382, %broadcast_in_dim3A_384, %scan3A_365 : vector<24x128xi1>, vector<24x128xf32>
        %eq3A_386 = vector.broadcast %scan3A_363 : i32 to vector<24x128xi32>
        %eq3A_387 = arith.cmpi eq, %iota3A, %eq3A_386 : vector<24x128xi32>
        %broadcast_in_dim3A_388 = vector.shape_cast %broadcast_in_dim3A_375 : vector<1x128xi32> to vector<1x128xi32>
        %broadcast_in_dim3A_389 = vector.broadcast %broadcast_in_dim3A_388 : vector<1x128xi32> to vector<24x128xi32>
        %select_n3A_390 = arith.select %eq3A_387, %broadcast_in_dim3A_389, %scan3A_366 : vector<24x128xi1>, vector<24x128xi32>
        scf.yield %select_n3A_380, %select_n3A_385, %select_n3A_390 : vector<256x128xf32>, vector<24x128xf32>, vector<24x128xi32>
      }
      %scan3A_314 = arith.constant 10 : i32
      %swap3A_315 = arith.constant 168 : index
      %swap3A_316 = arith.constant 0 : index
      %swap3A_317 = vector.load %arg7[%swap3A_315, %swap3A_316] : memref<192x128xf32, #tpu.memory_space<vmem>>, vector<24x128xf32>
      tpu.vector_store %arg7[%swap3A_315, %swap3A_316], %scan3A_313#1 {strides = array<i32>} : memref<192x128xf32, #tpu.memory_space<vmem>>, vector<24x128xf32>,
      %add3A_318 = arith.constant 1792 : i32
      %add3A_319 = vector.broadcast %add3A_318 : i32 to vector<24x128xi32>
      %add3A_320 = arith.addi %scan3A_313#2, %add3A_319 : vector<24x128xi32>
      %swap3A_321 = arith.constant 168 : index
      %swap3A_322 = arith.constant 0 : index
      %swap3A_323 = vector.load %arg8[%swap3A_321, %swap3A_322] : memref<192x128xi32, #tpu.memory_space<vmem>>, vector<24x128xi32>
      tpu.vector_store %arg8[%swap3A_321, %swap3A_322], %add3A_320 {strides = array<i32>} : memref<192x128xi32, #tpu.memory_space<vmem>>, vector<24x128xi32>,
      %reduce_min3A_324 = arith.constant dense<0x7F800000> : vector<128xf32>
      %reduce_min3A_325 = vector.multi_reduction <minimumf>, %scan3A_313#0, %reduce_min3A_324 [0] : vector<256x128xf32> to vector<128xf32>
      %broadcast_in_dim3A_326 = vector.shape_cast %reduce_min3A_325 : vector<128xf32> to vector<1x128xf32>
      %le3A_327 = arith.cmpf ole, %broadcast_in_dim3A_326, %scan3A_19#1 : vector<1x128xf32>
      %reduce_or3A_328 = arith.constant 1.000000e+00 : f32
      %reduce_or3A_329 = arith.constant 0.000000e+00 : f32
      %reduce_or3A_330 = vector.broadcast %reduce_or3A_328 : f32 to vector<1x128xf32>
      %reduce_or3A_331 = vector.broadcast %reduce_or3A_329 : f32 to vector<1x128xf32>
      %reduce_or3A_332 = arith.select %le3A_327, %reduce_or3A_330, %reduce_or3A_331 : vector<1x128xi1>, vector<1x128xf32>
      %reduce_or3A_333 = vector.shape_cast %reduce_or3A_332 : vector<1x128xf32> to vector<1x1x128xf32>
      %reduce_or3A_334 = arith.constant dense<0xFF800000> : vector<1xf32>
      %reduce_or3A_335 = vector.multi_reduction <maximumf>, %reduce_or3A_333, %reduce_or3A_334 [1, 2] : vector<1x1x128xf32> to vector<1xf32>
      %reduce_or3A_336 = vector.shape_cast %reduce_or3A_335 : vector<1xf32> to vector<1x1x1xf32>
      %reduce_or3A_337 = vector.extract %reduce_or3A_336[0, 0, 0] : f32 from vector<1x1x1xf32>
      %reduce_or3A_338 = arith.constant 0.000000e+00 : f32
      %reduce_or3A_339 = arith.cmpf ogt, %reduce_or3A_337, %reduce_or3A_338 : f32
      %convert_element_type3A_340 = arith.extui %reduce_or3A_339 : i1 to i32
      %cond3A_341 = arith.constant 0 : i32
      %cond3A_342 = arith.cmpi ne, %convert_element_type3A_340, %cond3A_341 : i32
      scf.if %cond3A_342 {
        %scan3A_363 = arith.constant 10 : i32
        %scan3A_364 = arith.constant 14 : i32
        %scan3A_365 = arith.addi %scan3A_363, %scan3A_364 : i32
        %scan3A_366 = arith.constant 1 : i32
        %scan3A_367:3 = scf.for %scan3A_378 = %scan3A_363 to %scan3A_365 step %scan3A_366 iter_args(%scan3A_379 = %scan3A_313#0, %scan3A_380 = %scan3A_313#1, %scan3A_381 = %scan3A_313#2) -> (vector<256x128xf32>, vector<24x128xf32>, vector<24x128xi32>)  : i32 {
          %reduce_min3A_382 = arith.constant dense<0x7F800000> : vector<128xf32>
          %reduce_min3A_383 = vector.multi_reduction <minimumf>, %scan3A_379, %reduce_min3A_382 [0] : vector<256x128xf32> to vector<128xf32>
          %broadcast_in_dim3A_384 = vector.shape_cast %reduce_min3A_383 : vector<128xf32> to vector<1x128xf32>
          %eq3A_385 = vector.broadcast %broadcast_in_dim3A_384 : vector<1x128xf32> to vector<256x128xf32>
          %eq3A_386 = arith.cmpf oeq, %scan3A_379, %eq3A_385 : vector<256x128xf32>
          %jit3A = arith.constant 1073741824 : i32
          %broadcast_in_dim3A_387 = vector.broadcast %jit3A : i32 to vector<256x128xi32>
          %select_n3A = arith.select %eq3A_386, %iota3A_12, %broadcast_in_dim3A_387 : vector<256x128xi1>, vector<256x128xi32>
          %reduce_min3A_388 = arith.constant dense<2147483647> : vector<128xi32>
          %reduce_min3A_389 = vector.multi_reduction <minsi>, %select_n3A, %reduce_min3A_388 [0] : vector<256x128xi32> to vector<128xi32>
          %broadcast_in_dim3A_390 = vector.shape_cast %reduce_min3A_389 : vector<128xi32> to vector<1x128xi32>
          %eq3A_391 = vector.broadcast %broadcast_in_dim3A_390 : vector<1x128xi32> to vector<256x128xi32>
          %eq3A_392 = arith.cmpi eq, %select_n3A, %eq3A_391 : vector<256x128xi32>
          %jit3A_393 = arith.constant 3.000000e+38 : f32
          %broadcast_in_dim3A_394 = vector.broadcast %jit3A_393 : f32 to vector<256x128xf32>
          %select_n3A_395 = arith.select %eq3A_392, %broadcast_in_dim3A_394, %scan3A_379 : vector<256x128xi1>, vector<256x128xf32>
          %eq3A_396 = vector.broadcast %scan3A_378 : i32 to vector<24x128xi32>
          %eq3A_397 = arith.cmpi eq, %iota3A, %eq3A_396 : vector<24x128xi32>
          %broadcast_in_dim3A_398 = vector.shape_cast %broadcast_in_dim3A_384 : vector<1x128xf32> to vector<1x128xf32>
          %broadcast_in_dim3A_399 = vector.broadcast %broadcast_in_dim3A_398 : vector<1x128xf32> to vector<24x128xf32>
          %select_n3A_400 = arith.select %eq3A_397, %broadcast_in_dim3A_399, %scan3A_380 : vector<24x128xi1>, vector<24x128xf32>
          %eq3A_401 = vector.broadcast %scan3A_378 : i32 to vector<24x128xi32>
          %eq3A_402 = arith.cmpi eq, %iota3A, %eq3A_401 : vector<24x128xi32>
          %broadcast_in_dim3A_403 = vector.shape_cast %broadcast_in_dim3A_390 : vector<1x128xi32> to vector<1x128xi32>
          %broadcast_in_dim3A_404 = vector.broadcast %broadcast_in_dim3A_403 : vector<1x128xi32> to vector<24x128xi32>
          %select_n3A_405 = arith.select %eq3A_402, %broadcast_in_dim3A_404, %scan3A_381 : vector<24x128xi1>, vector<24x128xi32>
          scf.yield %select_n3A_395, %select_n3A_400, %select_n3A_405 : vector<256x128xf32>, vector<24x128xf32>, vector<24x128xi32>
        }
        %scan3A_368 = arith.constant 14 : i32
        %swap3A_369 = arith.constant 168 : index
        %swap3A_370 = arith.constant 0 : index
        %swap3A_371 = vector.load %arg7[%swap3A_369, %swap3A_370] : memref<192x128xf32, #tpu.memory_space<vmem>>, vector<24x128xf32>
        tpu.vector_store %arg7[%swap3A_369, %swap3A_370], %scan3A_367#1 {strides = array<i32>} : memref<192x128xf32, #tpu.memory_space<vmem>>, vector<24x128xf32>,
        %add3A_372 = arith.constant 1792 : i32
        %add3A_373 = vector.broadcast %add3A_372 : i32 to vector<24x128xi32>
        %add3A_374 = arith.addi %scan3A_367#2, %add3A_373 : vector<24x128xi32>
        %swap3A_375 = arith.constant 168 : index
        %swap3A_376 = arith.constant 0 : index
        %swap3A_377 = vector.load %arg8[%swap3A_375, %swap3A_376] : memref<192x128xi32, #tpu.memory_space<vmem>>, vector<24x128xi32>
        tpu.vector_store %arg8[%swap3A_375, %swap3A_376], %add3A_374 {strides = array<i32>} : memref<192x128xi32, #tpu.memory_space<vmem>>, vector<24x128xi32>,
      } else {
      }
      %get3A_343 = arith.constant 0 : index
      %get3A_344 = arith.constant 0 : index
      %get3A_345 = vector.load %arg7[%get3A_343, %get3A_344] : memref<192x128xf32, #tpu.memory_space<vmem>>, vector<192x128xf32>
      %get3A_346 = arith.constant 0 : index
      %get3A_347 = arith.constant 0 : index
      %get3A_348 = vector.load %arg8[%get3A_346, %get3A_347] : memref<192x128xi32, #tpu.memory_space<vmem>>, vector<192x128xi32>
      %broadcast_in_dim3A_349 = arith.constant 0 : i32
      %broadcast_in_dim3A_350 = vector.broadcast %broadcast_in_dim3A_349 : i32 to vector<24x128xi32>
      %scan3A_351 = arith.constant 0 : i32
      %scan3A_352 = arith.constant 24 : i32
      %scan3A_353 = arith.addi %scan3A_351, %scan3A_352 : i32
      %scan3A_354 = arith.constant 1 : i32
      %scan3A_355:2 = scf.for %scan3A_363 = %scan3A_351 to %scan3A_353 step %scan3A_354 iter_args(%scan3A_364 = %get3A_345, %scan3A_365 = %broadcast_in_dim3A_350) -> (vector<192x128xf32>, vector<24x128xi32>)  : i32 {
        %reduce_min3A_366 = arith.constant dense<0x7F800000> : vector<128xf32>
        %reduce_min3A_367 = vector.multi_reduction <minimumf>, %scan3A_364, %reduce_min3A_366 [0] : vector<192x128xf32> to vector<128xf32>
        %broadcast_in_dim3A_368 = vector.shape_cast %reduce_min3A_367 : vector<128xf32> to vector<1x128xf32>
        %eq3A_369 = vector.broadcast %broadcast_in_dim3A_368 : vector<1x128xf32> to vector<192x128xf32>
        %eq3A_370 = arith.cmpf oeq, %scan3A_364, %eq3A_369 : vector<192x128xf32>
        %jit3A = arith.constant 1073741824 : i32
        %broadcast_in_dim3A_371 = vector.broadcast %jit3A : i32 to vector<192x128xi32>
        %select_n3A = arith.select %eq3A_370, %get3A_348, %broadcast_in_dim3A_371 : vector<192x128xi1>, vector<192x128xi32>
        %reduce_min3A_372 = arith.constant dense<2147483647> : vector<128xi32>
        %reduce_min3A_373 = vector.multi_reduction <minsi>, %select_n3A, %reduce_min3A_372 [0] : vector<192x128xi32> to vector<128xi32>
        %broadcast_in_dim3A_374 = vector.shape_cast %reduce_min3A_373 : vector<128xi32> to vector<1x128xi32>
        %eq3A_375 = vector.broadcast %broadcast_in_dim3A_374 : vector<1x128xi32> to vector<192x128xi32>
        %eq3A_376 = arith.cmpi eq, %select_n3A, %eq3A_375 : vector<192x128xi32>
        %jit3A_377 = arith.constant 3.000000e+38 : f32
        %broadcast_in_dim3A_378 = vector.broadcast %jit3A_377 : f32 to vector<192x128xf32>
        %select_n3A_379 = arith.select %eq3A_376, %broadcast_in_dim3A_378, %scan3A_364 : vector<192x128xi1>, vector<192x128xf32>
        %eq3A_380 = vector.broadcast %scan3A_363 : i32 to vector<24x128xi32>
        %eq3A_381 = arith.cmpi eq, %iota3A, %eq3A_380 : vector<24x128xi32>
        %broadcast_in_dim3A_382 = vector.shape_cast %broadcast_in_dim3A_374 : vector<1x128xi32> to vector<1x128xi32>
        %broadcast_in_dim3A_383 = vector.broadcast %broadcast_in_dim3A_382 : vector<1x128xi32> to vector<24x128xi32>
        %select_n3A_384 = arith.select %eq3A_381, %broadcast_in_dim3A_383, %scan3A_365 : vector<24x128xi1>, vector<24x128xi32>
        scf.yield %select_n3A_379, %select_n3A_384 : vector<192x128xf32>, vector<24x128xi32>
      }
      %scan3A_356 = arith.constant 24 : i32
      %mul3A = arith.constant 2048 : i32
      %mul3A_357 = arith.muli %arg0, %mul3A : i32
      %add3A_358 = vector.broadcast %mul3A_357 : i32 to vector<24x128xi32>
      %add3A_359 = arith.addi %scan3A_355#1, %add3A_358 : vector<24x128xi32>
      %swap3A_360 = arith.constant 0 : index
      %swap3A_361 = arith.constant 0 : index
      %swap3A_362 = vector.load %arg5[%swap3A_360, %swap3A_361] : memref<24x128xi32, #tpu.memory_space<vmem>>, vector<24x128xi32>
      tpu.vector_store %arg5[%swap3A_360, %swap3A_361], %add3A_359 {strides = array<i32>} : memref<24x128xi32, #tpu.memory_space<vmem>>, vector<24x128xi32>,
    } else {
    }
    %eq3A_7 = arith.constant 2 : i32
    %eq3A_8 = arith.cmpi eq, %arg2, %eq3A_7 : i32
    %convert_element_type3A_9 = arith.extui %eq3A_8 : i1 to i32
    %cond3A_10 = arith.constant 0 : i32
    %cond3A_11 = arith.cmpi ne, %convert_element_type3A_9, %cond3A_10 : i32
    scf.if %cond3A_11 {
      %iota3A = tpu.iota {dimensions = array<i32: 0>} : vector<24x128xi32>
      %iota3A_12 = tpu.iota {dimensions = array<i32: 0>} : vector<256x128xi32>
      %get3A = arith.constant 0 : index
      %get3A_13 = arith.constant 128 : index
      %get3A_14 = vector.load %arg9[%get3A, %get3A_13] : memref<128x256xf32, #tpu.memory_space<vmem>>, vector<128x128xf32>
      %broadcast_in_dim3A = arith.constant 0.000000e+00 : f32
      %broadcast_in_dim3A_15 = vector.broadcast %broadcast_in_dim3A : f32 to vector<1x128xf32>
      %scan3A = arith.constant 0 : i32
      %scan3A_16 = arith.constant 24 : i32
      %scan3A_17 = arith.addi %scan3A, %scan3A_16 : i32
      %scan3A_18 = arith.constant 1 : i32
      %scan3A_19:2 = scf.for %scan3A_363 = %scan3A to %scan3A_17 step %scan3A_18 iter_args(%scan3A_364 = %get3A_14, %scan3A_365 = %broadcast_in_dim3A_15) -> (vector<128x128xf32>, vector<1x128xf32>)  : i32 {
        %reduce_min3A_366 = arith.constant dense<0x7F800000> : vector<128xf32>
        %reduce_min3A_367 = vector.multi_reduction <minimumf>, %scan3A_364, %reduce_min3A_366 [0] : vector<128x128xf32> to vector<128xf32>
        %broadcast_in_dim3A_368 = vector.shape_cast %reduce_min3A_367 : vector<128xf32> to vector<1x128xf32>
        %eq3A_369 = vector.broadcast %broadcast_in_dim3A_368 : vector<1x128xf32> to vector<128x128xf32>
        %eq3A_370 = arith.cmpf oeq, %scan3A_364, %eq3A_369 : vector<128x128xf32>
        %jit3A = arith.constant 3.000000e+38 : f32
        %broadcast_in_dim3A_371 = vector.broadcast %jit3A : f32 to vector<128x128xf32>
        %select_n3A = arith.select %eq3A_370, %broadcast_in_dim3A_371, %scan3A_364 : vector<128x128xi1>, vector<128x128xf32>
        scf.yield %select_n3A, %broadcast_in_dim3A_368 : vector<128x128xf32>, vector<1x128xf32>
      }
      %get3A_20 = arith.constant 0 : index
      %get3A_21 = arith.constant 128 : index
      %get3A_22 = vector.load %arg6[%get3A_20, %get3A_21] : memref<2048x256xf32, #tpu.memory_space<vmem>>, vector<256x128xf32>
      %broadcast_in_dim3A_23 = arith.constant 3.000000e+38 : f32
      %broadcast_in_dim3A_24 = vector.broadcast %broadcast_in_dim3A_23 : f32 to vector<24x128xf32>
      %broadcast_in_dim3A_25 = arith.constant 0 : i32
      %broadcast_in_dim3A_26 = vector.broadcast %broadcast_in_dim3A_25 : i32 to vector<24x128xi32>
      %scan3A_27 = arith.constant 0 : i32
      %scan3A_28 = arith.constant 10 : i32
      %scan3A_29 = arith.addi %scan3A_27, %scan3A_28 : i32
      %scan3A_30 = arith.constant 1 : i32
      %scan3A_31:3 = scf.for %scan3A_363 = %scan3A_27 to %scan3A_29 step %scan3A_30 iter_args(%scan3A_364 = %get3A_22, %scan3A_365 = %broadcast_in_dim3A_24, %scan3A_366 = %broadcast_in_dim3A_26) -> (vector<256x128xf32>, vector<24x128xf32>, vector<24x128xi32>)  : i32 {
        %reduce_min3A_367 = arith.constant dense<0x7F800000> : vector<128xf32>
        %reduce_min3A_368 = vector.multi_reduction <minimumf>, %scan3A_364, %reduce_min3A_367 [0] : vector<256x128xf32> to vector<128xf32>
        %broadcast_in_dim3A_369 = vector.shape_cast %reduce_min3A_368 : vector<128xf32> to vector<1x128xf32>
        %eq3A_370 = vector.broadcast %broadcast_in_dim3A_369 : vector<1x128xf32> to vector<256x128xf32>
        %eq3A_371 = arith.cmpf oeq, %scan3A_364, %eq3A_370 : vector<256x128xf32>
        %jit3A = arith.constant 1073741824 : i32
        %broadcast_in_dim3A_372 = vector.broadcast %jit3A : i32 to vector<256x128xi32>
        %select_n3A = arith.select %eq3A_371, %iota3A_12, %broadcast_in_dim3A_372 : vector<256x128xi1>, vector<256x128xi32>
        %reduce_min3A_373 = arith.constant dense<2147483647> : vector<128xi32>
        %reduce_min3A_374 = vector.multi_reduction <minsi>, %select_n3A, %reduce_min3A_373 [0] : vector<256x128xi32> to vector<128xi32>
        %broadcast_in_dim3A_375 = vector.shape_cast %reduce_min3A_374 : vector<128xi32> to vector<1x128xi32>
        %eq3A_376 = vector.broadcast %broadcast_in_dim3A_375 : vector<1x128xi32> to vector<256x128xi32>
        %eq3A_377 = arith.cmpi eq, %select_n3A, %eq3A_376 : vector<256x128xi32>
        %jit3A_378 = arith.constant 3.000000e+38 : f32
        %broadcast_in_dim3A_379 = vector.broadcast %jit3A_378 : f32 to vector<256x128xf32>
        %select_n3A_380 = arith.select %eq3A_377, %broadcast_in_dim3A_379, %scan3A_364 : vector<256x128xi1>, vector<256x128xf32>
        %eq3A_381 = vector.broadcast %scan3A_363 : i32 to vector<24x128xi32>
        %eq3A_382 = arith.cmpi eq, %iota3A, %eq3A_381 : vector<24x128xi32>
        %broadcast_in_dim3A_383 = vector.shape_cast %broadcast_in_dim3A_369 : vector<1x128xf32> to vector<1x128xf32>
        %broadcast_in_dim3A_384 = vector.broadcast %broadcast_in_dim3A_383 : vector<1x128xf32> to vector<24x128xf32>
        %select_n3A_385 = arith.select %eq3A_382, %broadcast_in_dim3A_384, %scan3A_365 : vector<24x128xi1>, vector<24x128xf32>
        %eq3A_386 = vector.broadcast %scan3A_363 : i32 to vector<24x128xi32>
        %eq3A_387 = arith.cmpi eq, %iota3A, %eq3A_386 : vector<24x128xi32>
        %broadcast_in_dim3A_388 = vector.shape_cast %broadcast_in_dim3A_375 : vector<1x128xi32> to vector<1x128xi32>
        %broadcast_in_dim3A_389 = vector.broadcast %broadcast_in_dim3A_388 : vector<1x128xi32> to vector<24x128xi32>
        %select_n3A_390 = arith.select %eq3A_387, %broadcast_in_dim3A_389, %scan3A_366 : vector<24x128xi1>, vector<24x128xi32>
        scf.yield %select_n3A_380, %select_n3A_385, %select_n3A_390 : vector<256x128xf32>, vector<24x128xf32>, vector<24x128xi32>
      }
      %scan3A_32 = arith.constant 10 : i32
      %swap3A = arith.constant 0 : index
      %swap3A_33 = arith.constant 0 : index
      %swap3A_34 = vector.load %arg7[%swap3A, %swap3A_33] : memref<192x128xf32, #tpu.memory_space<vmem>>, vector<24x128xf32>
      tpu.vector_store %arg7[%swap3A, %swap3A_33], %scan3A_31#1 {strides = array<i32>} : memref<192x128xf32, #tpu.memory_space<vmem>>, vector<24x128xf32>,
      %add3A = arith.constant 0 : i32
      %add3A_35 = vector.broadcast %add3A : i32 to vector<24x128xi32>
      %add3A_36 = arith.addi %scan3A_31#2, %add3A_35 : vector<24x128xi32>
      %swap3A_37 = arith.constant 0 : index
      %swap3A_38 = arith.constant 0 : index
      %swap3A_39 = vector.load %arg8[%swap3A_37, %swap3A_38] : memref<192x128xi32, #tpu.memory_space<vmem>>, vector<24x128xi32>
      tpu.vector_store %arg8[%swap3A_37, %swap3A_38], %add3A_36 {strides = array<i32>} : memref<192x128xi32, #tpu.memory_space<vmem>>, vector<24x128xi32>,
      %reduce_min3A = arith.constant dense<0x7F800000> : vector<128xf32>
      %reduce_min3A_40 = vector.multi_reduction <minimumf>, %scan3A_31#0, %reduce_min3A [0] : vector<256x128xf32> to vector<128xf32>
      %broadcast_in_dim3A_41 = vector.shape_cast %reduce_min3A_40 : vector<128xf32> to vector<1x128xf32>
      %le3A = arith.cmpf ole, %broadcast_in_dim3A_41, %scan3A_19#1 : vector<1x128xf32>
      %reduce_or3A = arith.constant 1.000000e+00 : f32
      %reduce_or3A_42 = arith.constant 0.000000e+00 : f32
      %reduce_or3A_43 = vector.broadcast %reduce_or3A : f32 to vector<1x128xf32>
      %reduce_or3A_44 = vector.broadcast %reduce_or3A_42 : f32 to vector<1x128xf32>
      %reduce_or3A_45 = arith.select %le3A, %reduce_or3A_43, %reduce_or3A_44 : vector<1x128xi1>, vector<1x128xf32>
      %reduce_or3A_46 = vector.shape_cast %reduce_or3A_45 : vector<1x128xf32> to vector<1x1x128xf32>
      %reduce_or3A_47 = arith.constant dense<0xFF800000> : vector<1xf32>
      %reduce_or3A_48 = vector.multi_reduction <maximumf>, %reduce_or3A_46, %reduce_or3A_47 [1, 2] : vector<1x1x128xf32> to vector<1xf32>
      %reduce_or3A_49 = vector.shape_cast %reduce_or3A_48 : vector<1xf32> to vector<1x1x1xf32>
      %reduce_or3A_50 = vector.extract %reduce_or3A_49[0, 0, 0] : f32 from vector<1x1x1xf32>
      %reduce_or3A_51 = arith.constant 0.000000e+00 : f32
      %reduce_or3A_52 = arith.cmpf ogt, %reduce_or3A_50, %reduce_or3A_51 : f32
      %convert_element_type3A_53 = arith.extui %reduce_or3A_52 : i1 to i32
      %cond3A_54 = arith.constant 0 : i32
      %cond3A_55 = arith.cmpi ne, %convert_element_type3A_53, %cond3A_54 : i32
      scf.if %cond3A_55 {
        %scan3A_363 = arith.constant 10 : i32
        %scan3A_364 = arith.constant 14 : i32
        %scan3A_365 = arith.addi %scan3A_363, %scan3A_364 : i32
        %scan3A_366 = arith.constant 1 : i32
        %scan3A_367:3 = scf.for %scan3A_378 = %scan3A_363 to %scan3A_365 step %scan3A_366 iter_args(%scan3A_379 = %scan3A_31#0, %scan3A_380 = %scan3A_31#1, %scan3A_381 = %scan3A_31#2) -> (vector<256x128xf32>, vector<24x128xf32>, vector<24x128xi32>)  : i32 {
          %reduce_min3A_382 = arith.constant dense<0x7F800000> : vector<128xf32>
          %reduce_min3A_383 = vector.multi_reduction <minimumf>, %scan3A_379, %reduce_min3A_382 [0] : vector<256x128xf32> to vector<128xf32>
          %broadcast_in_dim3A_384 = vector.shape_cast %reduce_min3A_383 : vector<128xf32> to vector<1x128xf32>
          %eq3A_385 = vector.broadcast %broadcast_in_dim3A_384 : vector<1x128xf32> to vector<256x128xf32>
          %eq3A_386 = arith.cmpf oeq, %scan3A_379, %eq3A_385 : vector<256x128xf32>
          %jit3A = arith.constant 1073741824 : i32
          %broadcast_in_dim3A_387 = vector.broadcast %jit3A : i32 to vector<256x128xi32>
          %select_n3A = arith.select %eq3A_386, %iota3A_12, %broadcast_in_dim3A_387 : vector<256x128xi1>, vector<256x128xi32>
          %reduce_min3A_388 = arith.constant dense<2147483647> : vector<128xi32>
          %reduce_min3A_389 = vector.multi_reduction <minsi>, %select_n3A, %reduce_min3A_388 [0] : vector<256x128xi32> to vector<128xi32>
          %broadcast_in_dim3A_390 = vector.shape_cast %reduce_min3A_389 : vector<128xi32> to vector<1x128xi32>
          %eq3A_391 = vector.broadcast %broadcast_in_dim3A_390 : vector<1x128xi32> to vector<256x128xi32>
          %eq3A_392 = arith.cmpi eq, %select_n3A, %eq3A_391 : vector<256x128xi32>
          %jit3A_393 = arith.constant 3.000000e+38 : f32
          %broadcast_in_dim3A_394 = vector.broadcast %jit3A_393 : f32 to vector<256x128xf32>
          %select_n3A_395 = arith.select %eq3A_392, %broadcast_in_dim3A_394, %scan3A_379 : vector<256x128xi1>, vector<256x128xf32>
          %eq3A_396 = vector.broadcast %scan3A_378 : i32 to vector<24x128xi32>
          %eq3A_397 = arith.cmpi eq, %iota3A, %eq3A_396 : vector<24x128xi32>
          %broadcast_in_dim3A_398 = vector.shape_cast %broadcast_in_dim3A_384 : vector<1x128xf32> to vector<1x128xf32>
          %broadcast_in_dim3A_399 = vector.broadcast %broadcast_in_dim3A_398 : vector<1x128xf32> to vector<24x128xf32>
          %select_n3A_400 = arith.select %eq3A_397, %broadcast_in_dim3A_399, %scan3A_380 : vector<24x128xi1>, vector<24x128xf32>
          %eq3A_401 = vector.broadcast %scan3A_378 : i32 to vector<24x128xi32>
          %eq3A_402 = arith.cmpi eq, %iota3A, %eq3A_401 : vector<24x128xi32>
          %broadcast_in_dim3A_403 = vector.shape_cast %broadcast_in_dim3A_390 : vector<1x128xi32> to vector<1x128xi32>
          %broadcast_in_dim3A_404 = vector.broadcast %broadcast_in_dim3A_403 : vector<1x128xi32> to vector<24x128xi32>
          %select_n3A_405 = arith.select %eq3A_402, %broadcast_in_dim3A_404, %scan3A_381 : vector<24x128xi1>, vector<24x128xi32>
          scf.yield %select_n3A_395, %select_n3A_400, %select_n3A_405 : vector<256x128xf32>, vector<24x128xf32>, vector<24x128xi32>
        }
        %scan3A_368 = arith.constant 14 : i32
        %swap3A_369 = arith.constant 0 : index
        %swap3A_370 = arith.constant 0 : index
        %swap3A_371 = vector.load %arg7[%swap3A_369, %swap3A_370] : memref<192x128xf32, #tpu.memory_space<vmem>>, vector<24x128xf32>
        tpu.vector_store %arg7[%swap3A_369, %swap3A_370], %scan3A_367#1 {strides = array<i32>} : memref<192x128xf32, #tpu.memory_space<vmem>>, vector<24x128xf32>,
        %add3A_372 = arith.constant 0 : i32
        %add3A_373 = vector.broadcast %add3A_372 : i32 to vector<24x128xi32>
        %add3A_374 = arith.addi %scan3A_367#2, %add3A_373 : vector<24x128xi32>
        %swap3A_375 = arith.constant 0 : index
        %swap3A_376 = arith.constant 0 : index
        %swap3A_377 = vector.load %arg8[%swap3A_375, %swap3A_376] : memref<192x128xi32, #tpu.memory_space<vmem>>, vector<24x128xi32>
        tpu.vector_store %arg8[%swap3A_375, %swap3A_376], %add3A_374 {strides = array<i32>} : memref<192x128xi32, #tpu.memory_space<vmem>>, vector<24x128xi32>,
      } else {
      }
      %get3A_56 = arith.constant 256 : index
      %get3A_57 = arith.constant 128 : index
      %get3A_58 = vector.load %arg6[%get3A_56, %get3A_57] : memref<2048x256xf32, #tpu.memory_space<vmem>>, vector<256x128xf32>
      %broadcast_in_dim3A_59 = arith.constant 3.000000e+38 : f32
      %broadcast_in_dim3A_60 = vector.broadcast %broadcast_in_dim3A_59 : f32 to vector<24x128xf32>
      %broadcast_in_dim3A_61 = arith.constant 0 : i32
      %broadcast_in_dim3A_62 = vector.broadcast %broadcast_in_dim3A_61 : i32 to vector<24x128xi32>
      %scan3A_63 = arith.constant 0 : i32
      %scan3A_64 = arith.constant 10 : i32
      %scan3A_65 = arith.addi %scan3A_63, %scan3A_64 : i32
      %scan3A_66 = arith.constant 1 : i32
      %scan3A_67:3 = scf.for %scan3A_363 = %scan3A_63 to %scan3A_65 step %scan3A_66 iter_args(%scan3A_364 = %get3A_58, %scan3A_365 = %broadcast_in_dim3A_60, %scan3A_366 = %broadcast_in_dim3A_62) -> (vector<256x128xf32>, vector<24x128xf32>, vector<24x128xi32>)  : i32 {
        %reduce_min3A_367 = arith.constant dense<0x7F800000> : vector<128xf32>
        %reduce_min3A_368 = vector.multi_reduction <minimumf>, %scan3A_364, %reduce_min3A_367 [0] : vector<256x128xf32> to vector<128xf32>
        %broadcast_in_dim3A_369 = vector.shape_cast %reduce_min3A_368 : vector<128xf32> to vector<1x128xf32>
        %eq3A_370 = vector.broadcast %broadcast_in_dim3A_369 : vector<1x128xf32> to vector<256x128xf32>
        %eq3A_371 = arith.cmpf oeq, %scan3A_364, %eq3A_370 : vector<256x128xf32>
        %jit3A = arith.constant 1073741824 : i32
        %broadcast_in_dim3A_372 = vector.broadcast %jit3A : i32 to vector<256x128xi32>
        %select_n3A = arith.select %eq3A_371, %iota3A_12, %broadcast_in_dim3A_372 : vector<256x128xi1>, vector<256x128xi32>
        %reduce_min3A_373 = arith.constant dense<2147483647> : vector<128xi32>
        %reduce_min3A_374 = vector.multi_reduction <minsi>, %select_n3A, %reduce_min3A_373 [0] : vector<256x128xi32> to vector<128xi32>
        %broadcast_in_dim3A_375 = vector.shape_cast %reduce_min3A_374 : vector<128xi32> to vector<1x128xi32>
        %eq3A_376 = vector.broadcast %broadcast_in_dim3A_375 : vector<1x128xi32> to vector<256x128xi32>
        %eq3A_377 = arith.cmpi eq, %select_n3A, %eq3A_376 : vector<256x128xi32>
        %jit3A_378 = arith.constant 3.000000e+38 : f32
        %broadcast_in_dim3A_379 = vector.broadcast %jit3A_378 : f32 to vector<256x128xf32>
        %select_n3A_380 = arith.select %eq3A_377, %broadcast_in_dim3A_379, %scan3A_364 : vector<256x128xi1>, vector<256x128xf32>
        %eq3A_381 = vector.broadcast %scan3A_363 : i32 to vector<24x128xi32>
        %eq3A_382 = arith.cmpi eq, %iota3A, %eq3A_381 : vector<24x128xi32>
        %broadcast_in_dim3A_383 = vector.shape_cast %broadcast_in_dim3A_369 : vector<1x128xf32> to vector<1x128xf32>
        %broadcast_in_dim3A_384 = vector.broadcast %broadcast_in_dim3A_383 : vector<1x128xf32> to vector<24x128xf32>
        %select_n3A_385 = arith.select %eq3A_382, %broadcast_in_dim3A_384, %scan3A_365 : vector<24x128xi1>, vector<24x128xf32>
        %eq3A_386 = vector.broadcast %scan3A_363 : i32 to vector<24x128xi32>
        %eq3A_387 = arith.cmpi eq, %iota3A, %eq3A_386 : vector<24x128xi32>
        %broadcast_in_dim3A_388 = vector.shape_cast %broadcast_in_dim3A_375 : vector<1x128xi32> to vector<1x128xi32>
        %broadcast_in_dim3A_389 = vector.broadcast %broadcast_in_dim3A_388 : vector<1x128xi32> to vector<24x128xi32>
        %select_n3A_390 = arith.select %eq3A_387, %broadcast_in_dim3A_389, %scan3A_366 : vector<24x128xi1>, vector<24x128xi32>
        scf.yield %select_n3A_380, %select_n3A_385, %select_n3A_390 : vector<256x128xf32>, vector<24x128xf32>, vector<24x128xi32>
      }
      %scan3A_68 = arith.constant 10 : i32
      %swap3A_69 = arith.constant 24 : index
      %swap3A_70 = arith.constant 0 : index
      %swap3A_71 = vector.load %arg7[%swap3A_69, %swap3A_70] : memref<192x128xf32, #tpu.memory_space<vmem>>, vector<24x128xf32>
      tpu.vector_store %arg7[%swap3A_69, %swap3A_70], %scan3A_67#1 {strides = array<i32>} : memref<192x128xf32, #tpu.memory_space<vmem>>, vector<24x128xf32>,
      %add3A_72 = arith.constant 256 : i32
      %add3A_73 = vector.broadcast %add3A_72 : i32 to vector<24x128xi32>
      %add3A_74 = arith.addi %scan3A_67#2, %add3A_73 : vector<24x128xi32>
      %swap3A_75 = arith.constant 24 : index
      %swap3A_76 = arith.constant 0 : index
      %swap3A_77 = vector.load %arg8[%swap3A_75, %swap3A_76] : memref<192x128xi32, #tpu.memory_space<vmem>>, vector<24x128xi32>
      tpu.vector_store %arg8[%swap3A_75, %swap3A_76], %add3A_74 {strides = array<i32>} : memref<192x128xi32, #tpu.memory_space<vmem>>, vector<24x128xi32>,
      %reduce_min3A_78 = arith.constant dense<0x7F800000> : vector<128xf32>
      %reduce_min3A_79 = vector.multi_reduction <minimumf>, %scan3A_67#0, %reduce_min3A_78 [0] : vector<256x128xf32> to vector<128xf32>
      %broadcast_in_dim3A_80 = vector.shape_cast %reduce_min3A_79 : vector<128xf32> to vector<1x128xf32>
      %le3A_81 = arith.cmpf ole, %broadcast_in_dim3A_80, %scan3A_19#1 : vector<1x128xf32>
      %reduce_or3A_82 = arith.constant 1.000000e+00 : f32
      %reduce_or3A_83 = arith.constant 0.000000e+00 : f32
      %reduce_or3A_84 = vector.broadcast %reduce_or3A_82 : f32 to vector<1x128xf32>
      %reduce_or3A_85 = vector.broadcast %reduce_or3A_83 : f32 to vector<1x128xf32>
      %reduce_or3A_86 = arith.select %le3A_81, %reduce_or3A_84, %reduce_or3A_85 : vector<1x128xi1>, vector<1x128xf32>
      %reduce_or3A_87 = vector.shape_cast %reduce_or3A_86 : vector<1x128xf32> to vector<1x1x128xf32>
      %reduce_or3A_88 = arith.constant dense<0xFF800000> : vector<1xf32>
      %reduce_or3A_89 = vector.multi_reduction <maximumf>, %reduce_or3A_87, %reduce_or3A_88 [1, 2] : vector<1x1x128xf32> to vector<1xf32>
      %reduce_or3A_90 = vector.shape_cast %reduce_or3A_89 : vector<1xf32> to vector<1x1x1xf32>
      %reduce_or3A_91 = vector.extract %reduce_or3A_90[0, 0, 0] : f32 from vector<1x1x1xf32>
      %reduce_or3A_92 = arith.constant 0.000000e+00 : f32
      %reduce_or3A_93 = arith.cmpf ogt, %reduce_or3A_91, %reduce_or3A_92 : f32
      %convert_element_type3A_94 = arith.extui %reduce_or3A_93 : i1 to i32
      %cond3A_95 = arith.constant 0 : i32
      %cond3A_96 = arith.cmpi ne, %convert_element_type3A_94, %cond3A_95 : i32
      scf.if %cond3A_96 {
        %scan3A_363 = arith.constant 10 : i32
        %scan3A_364 = arith.constant 14 : i32
        %scan3A_365 = arith.addi %scan3A_363, %scan3A_364 : i32
        %scan3A_366 = arith.constant 1 : i32
        %scan3A_367:3 = scf.for %scan3A_378 = %scan3A_363 to %scan3A_365 step %scan3A_366 iter_args(%scan3A_379 = %scan3A_67#0, %scan3A_380 = %scan3A_67#1, %scan3A_381 = %scan3A_67#2) -> (vector<256x128xf32>, vector<24x128xf32>, vector<24x128xi32>)  : i32 {
          %reduce_min3A_382 = arith.constant dense<0x7F800000> : vector<128xf32>
          %reduce_min3A_383 = vector.multi_reduction <minimumf>, %scan3A_379, %reduce_min3A_382 [0] : vector<256x128xf32> to vector<128xf32>
          %broadcast_in_dim3A_384 = vector.shape_cast %reduce_min3A_383 : vector<128xf32> to vector<1x128xf32>
          %eq3A_385 = vector.broadcast %broadcast_in_dim3A_384 : vector<1x128xf32> to vector<256x128xf32>
          %eq3A_386 = arith.cmpf oeq, %scan3A_379, %eq3A_385 : vector<256x128xf32>
          %jit3A = arith.constant 1073741824 : i32
          %broadcast_in_dim3A_387 = vector.broadcast %jit3A : i32 to vector<256x128xi32>
          %select_n3A = arith.select %eq3A_386, %iota3A_12, %broadcast_in_dim3A_387 : vector<256x128xi1>, vector<256x128xi32>
          %reduce_min3A_388 = arith.constant dense<2147483647> : vector<128xi32>
          %reduce_min3A_389 = vector.multi_reduction <minsi>, %select_n3A, %reduce_min3A_388 [0] : vector<256x128xi32> to vector<128xi32>
          %broadcast_in_dim3A_390 = vector.shape_cast %reduce_min3A_389 : vector<128xi32> to vector<1x128xi32>
          %eq3A_391 = vector.broadcast %broadcast_in_dim3A_390 : vector<1x128xi32> to vector<256x128xi32>
          %eq3A_392 = arith.cmpi eq, %select_n3A, %eq3A_391 : vector<256x128xi32>
          %jit3A_393 = arith.constant 3.000000e+38 : f32
          %broadcast_in_dim3A_394 = vector.broadcast %jit3A_393 : f32 to vector<256x128xf32>
          %select_n3A_395 = arith.select %eq3A_392, %broadcast_in_dim3A_394, %scan3A_379 : vector<256x128xi1>, vector<256x128xf32>
          %eq3A_396 = vector.broadcast %scan3A_378 : i32 to vector<24x128xi32>
          %eq3A_397 = arith.cmpi eq, %iota3A, %eq3A_396 : vector<24x128xi32>
          %broadcast_in_dim3A_398 = vector.shape_cast %broadcast_in_dim3A_384 : vector<1x128xf32> to vector<1x128xf32>
          %broadcast_in_dim3A_399 = vector.broadcast %broadcast_in_dim3A_398 : vector<1x128xf32> to vector<24x128xf32>
          %select_n3A_400 = arith.select %eq3A_397, %broadcast_in_dim3A_399, %scan3A_380 : vector<24x128xi1>, vector<24x128xf32>
          %eq3A_401 = vector.broadcast %scan3A_378 : i32 to vector<24x128xi32>
          %eq3A_402 = arith.cmpi eq, %iota3A, %eq3A_401 : vector<24x128xi32>
          %broadcast_in_dim3A_403 = vector.shape_cast %broadcast_in_dim3A_390 : vector<1x128xi32> to vector<1x128xi32>
          %broadcast_in_dim3A_404 = vector.broadcast %broadcast_in_dim3A_403 : vector<1x128xi32> to vector<24x128xi32>
          %select_n3A_405 = arith.select %eq3A_402, %broadcast_in_dim3A_404, %scan3A_381 : vector<24x128xi1>, vector<24x128xi32>
          scf.yield %select_n3A_395, %select_n3A_400, %select_n3A_405 : vector<256x128xf32>, vector<24x128xf32>, vector<24x128xi32>
        }
        %scan3A_368 = arith.constant 14 : i32
        %swap3A_369 = arith.constant 24 : index
        %swap3A_370 = arith.constant 0 : index
        %swap3A_371 = vector.load %arg7[%swap3A_369, %swap3A_370] : memref<192x128xf32, #tpu.memory_space<vmem>>, vector<24x128xf32>
        tpu.vector_store %arg7[%swap3A_369, %swap3A_370], %scan3A_367#1 {strides = array<i32>} : memref<192x128xf32, #tpu.memory_space<vmem>>, vector<24x128xf32>,
        %add3A_372 = arith.constant 256 : i32
        %add3A_373 = vector.broadcast %add3A_372 : i32 to vector<24x128xi32>
        %add3A_374 = arith.addi %scan3A_367#2, %add3A_373 : vector<24x128xi32>
        %swap3A_375 = arith.constant 24 : index
        %swap3A_376 = arith.constant 0 : index
        %swap3A_377 = vector.load %arg8[%swap3A_375, %swap3A_376] : memref<192x128xi32, #tpu.memory_space<vmem>>, vector<24x128xi32>
        tpu.vector_store %arg8[%swap3A_375, %swap3A_376], %add3A_374 {strides = array<i32>} : memref<192x128xi32, #tpu.memory_space<vmem>>, vector<24x128xi32>,
      } else {
      }
      %get3A_97 = arith.constant 512 : index
      %get3A_98 = arith.constant 128 : index
      %get3A_99 = vector.load %arg6[%get3A_97, %get3A_98] : memref<2048x256xf32, #tpu.memory_space<vmem>>, vector<256x128xf32>
      %broadcast_in_dim3A_100 = arith.constant 3.000000e+38 : f32
      %broadcast_in_dim3A_101 = vector.broadcast %broadcast_in_dim3A_100 : f32 to vector<24x128xf32>
      %broadcast_in_dim3A_102 = arith.constant 0 : i32
      %broadcast_in_dim3A_103 = vector.broadcast %broadcast_in_dim3A_102 : i32 to vector<24x128xi32>
      %scan3A_104 = arith.constant 0 : i32
      %scan3A_105 = arith.constant 10 : i32
      %scan3A_106 = arith.addi %scan3A_104, %scan3A_105 : i32
      %scan3A_107 = arith.constant 1 : i32
      %scan3A_108:3 = scf.for %scan3A_363 = %scan3A_104 to %scan3A_106 step %scan3A_107 iter_args(%scan3A_364 = %get3A_99, %scan3A_365 = %broadcast_in_dim3A_101, %scan3A_366 = %broadcast_in_dim3A_103) -> (vector<256x128xf32>, vector<24x128xf32>, vector<24x128xi32>)  : i32 {
        %reduce_min3A_367 = arith.constant dense<0x7F800000> : vector<128xf32>
        %reduce_min3A_368 = vector.multi_reduction <minimumf>, %scan3A_364, %reduce_min3A_367 [0] : vector<256x128xf32> to vector<128xf32>
        %broadcast_in_dim3A_369 = vector.shape_cast %reduce_min3A_368 : vector<128xf32> to vector<1x128xf32>
        %eq3A_370 = vector.broadcast %broadcast_in_dim3A_369 : vector<1x128xf32> to vector<256x128xf32>
        %eq3A_371 = arith.cmpf oeq, %scan3A_364, %eq3A_370 : vector<256x128xf32>
        %jit3A = arith.constant 1073741824 : i32
        %broadcast_in_dim3A_372 = vector.broadcast %jit3A : i32 to vector<256x128xi32>
        %select_n3A = arith.select %eq3A_371, %iota3A_12, %broadcast_in_dim3A_372 : vector<256x128xi1>, vector<256x128xi32>
        %reduce_min3A_373 = arith.constant dense<2147483647> : vector<128xi32>
        %reduce_min3A_374 = vector.multi_reduction <minsi>, %select_n3A, %reduce_min3A_373 [0] : vector<256x128xi32> to vector<128xi32>
        %broadcast_in_dim3A_375 = vector.shape_cast %reduce_min3A_374 : vector<128xi32> to vector<1x128xi32>
        %eq3A_376 = vector.broadcast %broadcast_in_dim3A_375 : vector<1x128xi32> to vector<256x128xi32>
        %eq3A_377 = arith.cmpi eq, %select_n3A, %eq3A_376 : vector<256x128xi32>
        %jit3A_378 = arith.constant 3.000000e+38 : f32
        %broadcast_in_dim3A_379 = vector.broadcast %jit3A_378 : f32 to vector<256x128xf32>
        %select_n3A_380 = arith.select %eq3A_377, %broadcast_in_dim3A_379, %scan3A_364 : vector<256x128xi1>, vector<256x128xf32>
        %eq3A_381 = vector.broadcast %scan3A_363 : i32 to vector<24x128xi32>
        %eq3A_382 = arith.cmpi eq, %iota3A, %eq3A_381 : vector<24x128xi32>
        %broadcast_in_dim3A_383 = vector.shape_cast %broadcast_in_dim3A_369 : vector<1x128xf32> to vector<1x128xf32>
        %broadcast_in_dim3A_384 = vector.broadcast %broadcast_in_dim3A_383 : vector<1x128xf32> to vector<24x128xf32>
        %select_n3A_385 = arith.select %eq3A_382, %broadcast_in_dim3A_384, %scan3A_365 : vector<24x128xi1>, vector<24x128xf32>
        %eq3A_386 = vector.broadcast %scan3A_363 : i32 to vector<24x128xi32>
        %eq3A_387 = arith.cmpi eq, %iota3A, %eq3A_386 : vector<24x128xi32>
        %broadcast_in_dim3A_388 = vector.shape_cast %broadcast_in_dim3A_375 : vector<1x128xi32> to vector<1x128xi32>
        %broadcast_in_dim3A_389 = vector.broadcast %broadcast_in_dim3A_388 : vector<1x128xi32> to vector<24x128xi32>
        %select_n3A_390 = arith.select %eq3A_387, %broadcast_in_dim3A_389, %scan3A_366 : vector<24x128xi1>, vector<24x128xi32>
        scf.yield %select_n3A_380, %select_n3A_385, %select_n3A_390 : vector<256x128xf32>, vector<24x128xf32>, vector<24x128xi32>
      }
      %scan3A_109 = arith.constant 10 : i32
      %swap3A_110 = arith.constant 48 : index
      %swap3A_111 = arith.constant 0 : index
      %swap3A_112 = vector.load %arg7[%swap3A_110, %swap3A_111] : memref<192x128xf32, #tpu.memory_space<vmem>>, vector<24x128xf32>
      tpu.vector_store %arg7[%swap3A_110, %swap3A_111], %scan3A_108#1 {strides = array<i32>} : memref<192x128xf32, #tpu.memory_space<vmem>>, vector<24x128xf32>,
      %add3A_113 = arith.constant 512 : i32
      %add3A_114 = vector.broadcast %add3A_113 : i32 to vector<24x128xi32>
      %add3A_115 = arith.addi %scan3A_108#2, %add3A_114 : vector<24x128xi32>
      %swap3A_116 = arith.constant 48 : index
      %swap3A_117 = arith.constant 0 : index
      %swap3A_118 = vector.load %arg8[%swap3A_116, %swap3A_117] : memref<192x128xi32, #tpu.memory_space<vmem>>, vector<24x128xi32>
      tpu.vector_store %arg8[%swap3A_116, %swap3A_117], %add3A_115 {strides = array<i32>} : memref<192x128xi32, #tpu.memory_space<vmem>>, vector<24x128xi32>,
      %reduce_min3A_119 = arith.constant dense<0x7F800000> : vector<128xf32>
      %reduce_min3A_120 = vector.multi_reduction <minimumf>, %scan3A_108#0, %reduce_min3A_119 [0] : vector<256x128xf32> to vector<128xf32>
      %broadcast_in_dim3A_121 = vector.shape_cast %reduce_min3A_120 : vector<128xf32> to vector<1x128xf32>
      %le3A_122 = arith.cmpf ole, %broadcast_in_dim3A_121, %scan3A_19#1 : vector<1x128xf32>
      %reduce_or3A_123 = arith.constant 1.000000e+00 : f32
      %reduce_or3A_124 = arith.constant 0.000000e+00 : f32
      %reduce_or3A_125 = vector.broadcast %reduce_or3A_123 : f32 to vector<1x128xf32>
      %reduce_or3A_126 = vector.broadcast %reduce_or3A_124 : f32 to vector<1x128xf32>
      %reduce_or3A_127 = arith.select %le3A_122, %reduce_or3A_125, %reduce_or3A_126 : vector<1x128xi1>, vector<1x128xf32>
      %reduce_or3A_128 = vector.shape_cast %reduce_or3A_127 : vector<1x128xf32> to vector<1x1x128xf32>
      %reduce_or3A_129 = arith.constant dense<0xFF800000> : vector<1xf32>
      %reduce_or3A_130 = vector.multi_reduction <maximumf>, %reduce_or3A_128, %reduce_or3A_129 [1, 2] : vector<1x1x128xf32> to vector<1xf32>
      %reduce_or3A_131 = vector.shape_cast %reduce_or3A_130 : vector<1xf32> to vector<1x1x1xf32>
      %reduce_or3A_132 = vector.extract %reduce_or3A_131[0, 0, 0] : f32 from vector<1x1x1xf32>
      %reduce_or3A_133 = arith.constant 0.000000e+00 : f32
      %reduce_or3A_134 = arith.cmpf ogt, %reduce_or3A_132, %reduce_or3A_133 : f32
      %convert_element_type3A_135 = arith.extui %reduce_or3A_134 : i1 to i32
      %cond3A_136 = arith.constant 0 : i32
      %cond3A_137 = arith.cmpi ne, %convert_element_type3A_135, %cond3A_136 : i32
      scf.if %cond3A_137 {
        %scan3A_363 = arith.constant 10 : i32
        %scan3A_364 = arith.constant 14 : i32
        %scan3A_365 = arith.addi %scan3A_363, %scan3A_364 : i32
        %scan3A_366 = arith.constant 1 : i32
        %scan3A_367:3 = scf.for %scan3A_378 = %scan3A_363 to %scan3A_365 step %scan3A_366 iter_args(%scan3A_379 = %scan3A_108#0, %scan3A_380 = %scan3A_108#1, %scan3A_381 = %scan3A_108#2) -> (vector<256x128xf32>, vector<24x128xf32>, vector<24x128xi32>)  : i32 {
          %reduce_min3A_382 = arith.constant dense<0x7F800000> : vector<128xf32>
          %reduce_min3A_383 = vector.multi_reduction <minimumf>, %scan3A_379, %reduce_min3A_382 [0] : vector<256x128xf32> to vector<128xf32>
          %broadcast_in_dim3A_384 = vector.shape_cast %reduce_min3A_383 : vector<128xf32> to vector<1x128xf32>
          %eq3A_385 = vector.broadcast %broadcast_in_dim3A_384 : vector<1x128xf32> to vector<256x128xf32>
          %eq3A_386 = arith.cmpf oeq, %scan3A_379, %eq3A_385 : vector<256x128xf32>
          %jit3A = arith.constant 1073741824 : i32
          %broadcast_in_dim3A_387 = vector.broadcast %jit3A : i32 to vector<256x128xi32>
          %select_n3A = arith.select %eq3A_386, %iota3A_12, %broadcast_in_dim3A_387 : vector<256x128xi1>, vector<256x128xi32>
          %reduce_min3A_388 = arith.constant dense<2147483647> : vector<128xi32>
          %reduce_min3A_389 = vector.multi_reduction <minsi>, %select_n3A, %reduce_min3A_388 [0] : vector<256x128xi32> to vector<128xi32>
          %broadcast_in_dim3A_390 = vector.shape_cast %reduce_min3A_389 : vector<128xi32> to vector<1x128xi32>
          %eq3A_391 = vector.broadcast %broadcast_in_dim3A_390 : vector<1x128xi32> to vector<256x128xi32>
          %eq3A_392 = arith.cmpi eq, %select_n3A, %eq3A_391 : vector<256x128xi32>
          %jit3A_393 = arith.constant 3.000000e+38 : f32
          %broadcast_in_dim3A_394 = vector.broadcast %jit3A_393 : f32 to vector<256x128xf32>
          %select_n3A_395 = arith.select %eq3A_392, %broadcast_in_dim3A_394, %scan3A_379 : vector<256x128xi1>, vector<256x128xf32>
          %eq3A_396 = vector.broadcast %scan3A_378 : i32 to vector<24x128xi32>
          %eq3A_397 = arith.cmpi eq, %iota3A, %eq3A_396 : vector<24x128xi32>
          %broadcast_in_dim3A_398 = vector.shape_cast %broadcast_in_dim3A_384 : vector<1x128xf32> to vector<1x128xf32>
          %broadcast_in_dim3A_399 = vector.broadcast %broadcast_in_dim3A_398 : vector<1x128xf32> to vector<24x128xf32>
          %select_n3A_400 = arith.select %eq3A_397, %broadcast_in_dim3A_399, %scan3A_380 : vector<24x128xi1>, vector<24x128xf32>
          %eq3A_401 = vector.broadcast %scan3A_378 : i32 to vector<24x128xi32>
          %eq3A_402 = arith.cmpi eq, %iota3A, %eq3A_401 : vector<24x128xi32>
          %broadcast_in_dim3A_403 = vector.shape_cast %broadcast_in_dim3A_390 : vector<1x128xi32> to vector<1x128xi32>
          %broadcast_in_dim3A_404 = vector.broadcast %broadcast_in_dim3A_403 : vector<1x128xi32> to vector<24x128xi32>
          %select_n3A_405 = arith.select %eq3A_402, %broadcast_in_dim3A_404, %scan3A_381 : vector<24x128xi1>, vector<24x128xi32>
          scf.yield %select_n3A_395, %select_n3A_400, %select_n3A_405 : vector<256x128xf32>, vector<24x128xf32>, vector<24x128xi32>
        }
        %scan3A_368 = arith.constant 14 : i32
        %swap3A_369 = arith.constant 48 : index
        %swap3A_370 = arith.constant 0 : index
        %swap3A_371 = vector.load %arg7[%swap3A_369, %swap3A_370] : memref<192x128xf32, #tpu.memory_space<vmem>>, vector<24x128xf32>
        tpu.vector_store %arg7[%swap3A_369, %swap3A_370], %scan3A_367#1 {strides = array<i32>} : memref<192x128xf32, #tpu.memory_space<vmem>>, vector<24x128xf32>,
        %add3A_372 = arith.constant 512 : i32
        %add3A_373 = vector.broadcast %add3A_372 : i32 to vector<24x128xi32>
        %add3A_374 = arith.addi %scan3A_367#2, %add3A_373 : vector<24x128xi32>
        %swap3A_375 = arith.constant 48 : index
        %swap3A_376 = arith.constant 0 : index
        %swap3A_377 = vector.load %arg8[%swap3A_375, %swap3A_376] : memref<192x128xi32, #tpu.memory_space<vmem>>, vector<24x128xi32>
        tpu.vector_store %arg8[%swap3A_375, %swap3A_376], %add3A_374 {strides = array<i32>} : memref<192x128xi32, #tpu.memory_space<vmem>>, vector<24x128xi32>,
      } else {
      }
      %get3A_138 = arith.constant 768 : index
      %get3A_139 = arith.constant 128 : index
      %get3A_140 = vector.load %arg6[%get3A_138, %get3A_139] : memref<2048x256xf32, #tpu.memory_space<vmem>>, vector<256x128xf32>
      %broadcast_in_dim3A_141 = arith.constant 3.000000e+38 : f32
      %broadcast_in_dim3A_142 = vector.broadcast %broadcast_in_dim3A_141 : f32 to vector<24x128xf32>
      %broadcast_in_dim3A_143 = arith.constant 0 : i32
      %broadcast_in_dim3A_144 = vector.broadcast %broadcast_in_dim3A_143 : i32 to vector<24x128xi32>
      %scan3A_145 = arith.constant 0 : i32
      %scan3A_146 = arith.constant 10 : i32
      %scan3A_147 = arith.addi %scan3A_145, %scan3A_146 : i32
      %scan3A_148 = arith.constant 1 : i32
      %scan3A_149:3 = scf.for %scan3A_363 = %scan3A_145 to %scan3A_147 step %scan3A_148 iter_args(%scan3A_364 = %get3A_140, %scan3A_365 = %broadcast_in_dim3A_142, %scan3A_366 = %broadcast_in_dim3A_144) -> (vector<256x128xf32>, vector<24x128xf32>, vector<24x128xi32>)  : i32 {
        %reduce_min3A_367 = arith.constant dense<0x7F800000> : vector<128xf32>
        %reduce_min3A_368 = vector.multi_reduction <minimumf>, %scan3A_364, %reduce_min3A_367 [0] : vector<256x128xf32> to vector<128xf32>
        %broadcast_in_dim3A_369 = vector.shape_cast %reduce_min3A_368 : vector<128xf32> to vector<1x128xf32>
        %eq3A_370 = vector.broadcast %broadcast_in_dim3A_369 : vector<1x128xf32> to vector<256x128xf32>
        %eq3A_371 = arith.cmpf oeq, %scan3A_364, %eq3A_370 : vector<256x128xf32>
        %jit3A = arith.constant 1073741824 : i32
        %broadcast_in_dim3A_372 = vector.broadcast %jit3A : i32 to vector<256x128xi32>
        %select_n3A = arith.select %eq3A_371, %iota3A_12, %broadcast_in_dim3A_372 : vector<256x128xi1>, vector<256x128xi32>
        %reduce_min3A_373 = arith.constant dense<2147483647> : vector<128xi32>
        %reduce_min3A_374 = vector.multi_reduction <minsi>, %select_n3A, %reduce_min3A_373 [0] : vector<256x128xi32> to vector<128xi32>
        %broadcast_in_dim3A_375 = vector.shape_cast %reduce_min3A_374 : vector<128xi32> to vector<1x128xi32>
        %eq3A_376 = vector.broadcast %broadcast_in_dim3A_375 : vector<1x128xi32> to vector<256x128xi32>
        %eq3A_377 = arith.cmpi eq, %select_n3A, %eq3A_376 : vector<256x128xi32>
        %jit3A_378 = arith.constant 3.000000e+38 : f32
        %broadcast_in_dim3A_379 = vector.broadcast %jit3A_378 : f32 to vector<256x128xf32>
        %select_n3A_380 = arith.select %eq3A_377, %broadcast_in_dim3A_379, %scan3A_364 : vector<256x128xi1>, vector<256x128xf32>
        %eq3A_381 = vector.broadcast %scan3A_363 : i32 to vector<24x128xi32>
        %eq3A_382 = arith.cmpi eq, %iota3A, %eq3A_381 : vector<24x128xi32>
        %broadcast_in_dim3A_383 = vector.shape_cast %broadcast_in_dim3A_369 : vector<1x128xf32> to vector<1x128xf32>
        %broadcast_in_dim3A_384 = vector.broadcast %broadcast_in_dim3A_383 : vector<1x128xf32> to vector<24x128xf32>
        %select_n3A_385 = arith.select %eq3A_382, %broadcast_in_dim3A_384, %scan3A_365 : vector<24x128xi1>, vector<24x128xf32>
        %eq3A_386 = vector.broadcast %scan3A_363 : i32 to vector<24x128xi32>
        %eq3A_387 = arith.cmpi eq, %iota3A, %eq3A_386 : vector<24x128xi32>
        %broadcast_in_dim3A_388 = vector.shape_cast %broadcast_in_dim3A_375 : vector<1x128xi32> to vector<1x128xi32>
        %broadcast_in_dim3A_389 = vector.broadcast %broadcast_in_dim3A_388 : vector<1x128xi32> to vector<24x128xi32>
        %select_n3A_390 = arith.select %eq3A_387, %broadcast_in_dim3A_389, %scan3A_366 : vector<24x128xi1>, vector<24x128xi32>
        scf.yield %select_n3A_380, %select_n3A_385, %select_n3A_390 : vector<256x128xf32>, vector<24x128xf32>, vector<24x128xi32>
      }
      %scan3A_150 = arith.constant 10 : i32
      %swap3A_151 = arith.constant 72 : index
      %swap3A_152 = arith.constant 0 : index
      %swap3A_153 = vector.load %arg7[%swap3A_151, %swap3A_152] : memref<192x128xf32, #tpu.memory_space<vmem>>, vector<24x128xf32>
      tpu.vector_store %arg7[%swap3A_151, %swap3A_152], %scan3A_149#1 {strides = array<i32>} : memref<192x128xf32, #tpu.memory_space<vmem>>, vector<24x128xf32>,
      %add3A_154 = arith.constant 768 : i32
      %add3A_155 = vector.broadcast %add3A_154 : i32 to vector<24x128xi32>
      %add3A_156 = arith.addi %scan3A_149#2, %add3A_155 : vector<24x128xi32>
      %swap3A_157 = arith.constant 72 : index
      %swap3A_158 = arith.constant 0 : index
      %swap3A_159 = vector.load %arg8[%swap3A_157, %swap3A_158] : memref<192x128xi32, #tpu.memory_space<vmem>>, vector<24x128xi32>
      tpu.vector_store %arg8[%swap3A_157, %swap3A_158], %add3A_156 {strides = array<i32>} : memref<192x128xi32, #tpu.memory_space<vmem>>, vector<24x128xi32>,
      %reduce_min3A_160 = arith.constant dense<0x7F800000> : vector<128xf32>
      %reduce_min3A_161 = vector.multi_reduction <minimumf>, %scan3A_149#0, %reduce_min3A_160 [0] : vector<256x128xf32> to vector<128xf32>
      %broadcast_in_dim3A_162 = vector.shape_cast %reduce_min3A_161 : vector<128xf32> to vector<1x128xf32>
      %le3A_163 = arith.cmpf ole, %broadcast_in_dim3A_162, %scan3A_19#1 : vector<1x128xf32>
      %reduce_or3A_164 = arith.constant 1.000000e+00 : f32
      %reduce_or3A_165 = arith.constant 0.000000e+00 : f32
      %reduce_or3A_166 = vector.broadcast %reduce_or3A_164 : f32 to vector<1x128xf32>
      %reduce_or3A_167 = vector.broadcast %reduce_or3A_165 : f32 to vector<1x128xf32>
      %reduce_or3A_168 = arith.select %le3A_163, %reduce_or3A_166, %reduce_or3A_167 : vector<1x128xi1>, vector<1x128xf32>
      %reduce_or3A_169 = vector.shape_cast %reduce_or3A_168 : vector<1x128xf32> to vector<1x1x128xf32>
      %reduce_or3A_170 = arith.constant dense<0xFF800000> : vector<1xf32>
      %reduce_or3A_171 = vector.multi_reduction <maximumf>, %reduce_or3A_169, %reduce_or3A_170 [1, 2] : vector<1x1x128xf32> to vector<1xf32>
      %reduce_or3A_172 = vector.shape_cast %reduce_or3A_171 : vector<1xf32> to vector<1x1x1xf32>
      %reduce_or3A_173 = vector.extract %reduce_or3A_172[0, 0, 0] : f32 from vector<1x1x1xf32>
      %reduce_or3A_174 = arith.constant 0.000000e+00 : f32
      %reduce_or3A_175 = arith.cmpf ogt, %reduce_or3A_173, %reduce_or3A_174 : f32
      %convert_element_type3A_176 = arith.extui %reduce_or3A_175 : i1 to i32
      %cond3A_177 = arith.constant 0 : i32
      %cond3A_178 = arith.cmpi ne, %convert_element_type3A_176, %cond3A_177 : i32
      scf.if %cond3A_178 {
        %scan3A_363 = arith.constant 10 : i32
        %scan3A_364 = arith.constant 14 : i32
        %scan3A_365 = arith.addi %scan3A_363, %scan3A_364 : i32
        %scan3A_366 = arith.constant 1 : i32
        %scan3A_367:3 = scf.for %scan3A_378 = %scan3A_363 to %scan3A_365 step %scan3A_366 iter_args(%scan3A_379 = %scan3A_149#0, %scan3A_380 = %scan3A_149#1, %scan3A_381 = %scan3A_149#2) -> (vector<256x128xf32>, vector<24x128xf32>, vector<24x128xi32>)  : i32 {
          %reduce_min3A_382 = arith.constant dense<0x7F800000> : vector<128xf32>
          %reduce_min3A_383 = vector.multi_reduction <minimumf>, %scan3A_379, %reduce_min3A_382 [0] : vector<256x128xf32> to vector<128xf32>
          %broadcast_in_dim3A_384 = vector.shape_cast %reduce_min3A_383 : vector<128xf32> to vector<1x128xf32>
          %eq3A_385 = vector.broadcast %broadcast_in_dim3A_384 : vector<1x128xf32> to vector<256x128xf32>
          %eq3A_386 = arith.cmpf oeq, %scan3A_379, %eq3A_385 : vector<256x128xf32>
          %jit3A = arith.constant 1073741824 : i32
          %broadcast_in_dim3A_387 = vector.broadcast %jit3A : i32 to vector<256x128xi32>
          %select_n3A = arith.select %eq3A_386, %iota3A_12, %broadcast_in_dim3A_387 : vector<256x128xi1>, vector<256x128xi32>
          %reduce_min3A_388 = arith.constant dense<2147483647> : vector<128xi32>
          %reduce_min3A_389 = vector.multi_reduction <minsi>, %select_n3A, %reduce_min3A_388 [0] : vector<256x128xi32> to vector<128xi32>
          %broadcast_in_dim3A_390 = vector.shape_cast %reduce_min3A_389 : vector<128xi32> to vector<1x128xi32>
          %eq3A_391 = vector.broadcast %broadcast_in_dim3A_390 : vector<1x128xi32> to vector<256x128xi32>
          %eq3A_392 = arith.cmpi eq, %select_n3A, %eq3A_391 : vector<256x128xi32>
          %jit3A_393 = arith.constant 3.000000e+38 : f32
          %broadcast_in_dim3A_394 = vector.broadcast %jit3A_393 : f32 to vector<256x128xf32>
          %select_n3A_395 = arith.select %eq3A_392, %broadcast_in_dim3A_394, %scan3A_379 : vector<256x128xi1>, vector<256x128xf32>
          %eq3A_396 = vector.broadcast %scan3A_378 : i32 to vector<24x128xi32>
          %eq3A_397 = arith.cmpi eq, %iota3A, %eq3A_396 : vector<24x128xi32>
          %broadcast_in_dim3A_398 = vector.shape_cast %broadcast_in_dim3A_384 : vector<1x128xf32> to vector<1x128xf32>
          %broadcast_in_dim3A_399 = vector.broadcast %broadcast_in_dim3A_398 : vector<1x128xf32> to vector<24x128xf32>
          %select_n3A_400 = arith.select %eq3A_397, %broadcast_in_dim3A_399, %scan3A_380 : vector<24x128xi1>, vector<24x128xf32>
          %eq3A_401 = vector.broadcast %scan3A_378 : i32 to vector<24x128xi32>
          %eq3A_402 = arith.cmpi eq, %iota3A, %eq3A_401 : vector<24x128xi32>
          %broadcast_in_dim3A_403 = vector.shape_cast %broadcast_in_dim3A_390 : vector<1x128xi32> to vector<1x128xi32>
          %broadcast_in_dim3A_404 = vector.broadcast %broadcast_in_dim3A_403 : vector<1x128xi32> to vector<24x128xi32>
          %select_n3A_405 = arith.select %eq3A_402, %broadcast_in_dim3A_404, %scan3A_381 : vector<24x128xi1>, vector<24x128xi32>
          scf.yield %select_n3A_395, %select_n3A_400, %select_n3A_405 : vector<256x128xf32>, vector<24x128xf32>, vector<24x128xi32>
        }
        %scan3A_368 = arith.constant 14 : i32
        %swap3A_369 = arith.constant 72 : index
        %swap3A_370 = arith.constant 0 : index
        %swap3A_371 = vector.load %arg7[%swap3A_369, %swap3A_370] : memref<192x128xf32, #tpu.memory_space<vmem>>, vector<24x128xf32>
        tpu.vector_store %arg7[%swap3A_369, %swap3A_370], %scan3A_367#1 {strides = array<i32>} : memref<192x128xf32, #tpu.memory_space<vmem>>, vector<24x128xf32>,
        %add3A_372 = arith.constant 768 : i32
        %add3A_373 = vector.broadcast %add3A_372 : i32 to vector<24x128xi32>
        %add3A_374 = arith.addi %scan3A_367#2, %add3A_373 : vector<24x128xi32>
        %swap3A_375 = arith.constant 72 : index
        %swap3A_376 = arith.constant 0 : index
        %swap3A_377 = vector.load %arg8[%swap3A_375, %swap3A_376] : memref<192x128xi32, #tpu.memory_space<vmem>>, vector<24x128xi32>
        tpu.vector_store %arg8[%swap3A_375, %swap3A_376], %add3A_374 {strides = array<i32>} : memref<192x128xi32, #tpu.memory_space<vmem>>, vector<24x128xi32>,
      } else {
      }
      %get3A_179 = arith.constant 1024 : index
      %get3A_180 = arith.constant 128 : index
      %get3A_181 = vector.load %arg6[%get3A_179, %get3A_180] : memref<2048x256xf32, #tpu.memory_space<vmem>>, vector<256x128xf32>
      %broadcast_in_dim3A_182 = arith.constant 3.000000e+38 : f32
      %broadcast_in_dim3A_183 = vector.broadcast %broadcast_in_dim3A_182 : f32 to vector<24x128xf32>
      %broadcast_in_dim3A_184 = arith.constant 0 : i32
      %broadcast_in_dim3A_185 = vector.broadcast %broadcast_in_dim3A_184 : i32 to vector<24x128xi32>
      %scan3A_186 = arith.constant 0 : i32
      %scan3A_187 = arith.constant 10 : i32
      %scan3A_188 = arith.addi %scan3A_186, %scan3A_187 : i32
      %scan3A_189 = arith.constant 1 : i32
      %scan3A_190:3 = scf.for %scan3A_363 = %scan3A_186 to %scan3A_188 step %scan3A_189 iter_args(%scan3A_364 = %get3A_181, %scan3A_365 = %broadcast_in_dim3A_183, %scan3A_366 = %broadcast_in_dim3A_185) -> (vector<256x128xf32>, vector<24x128xf32>, vector<24x128xi32>)  : i32 {
        %reduce_min3A_367 = arith.constant dense<0x7F800000> : vector<128xf32>
        %reduce_min3A_368 = vector.multi_reduction <minimumf>, %scan3A_364, %reduce_min3A_367 [0] : vector<256x128xf32> to vector<128xf32>
        %broadcast_in_dim3A_369 = vector.shape_cast %reduce_min3A_368 : vector<128xf32> to vector<1x128xf32>
        %eq3A_370 = vector.broadcast %broadcast_in_dim3A_369 : vector<1x128xf32> to vector<256x128xf32>
        %eq3A_371 = arith.cmpf oeq, %scan3A_364, %eq3A_370 : vector<256x128xf32>
        %jit3A = arith.constant 1073741824 : i32
        %broadcast_in_dim3A_372 = vector.broadcast %jit3A : i32 to vector<256x128xi32>
        %select_n3A = arith.select %eq3A_371, %iota3A_12, %broadcast_in_dim3A_372 : vector<256x128xi1>, vector<256x128xi32>
        %reduce_min3A_373 = arith.constant dense<2147483647> : vector<128xi32>
        %reduce_min3A_374 = vector.multi_reduction <minsi>, %select_n3A, %reduce_min3A_373 [0] : vector<256x128xi32> to vector<128xi32>
        %broadcast_in_dim3A_375 = vector.shape_cast %reduce_min3A_374 : vector<128xi32> to vector<1x128xi32>
        %eq3A_376 = vector.broadcast %broadcast_in_dim3A_375 : vector<1x128xi32> to vector<256x128xi32>
        %eq3A_377 = arith.cmpi eq, %select_n3A, %eq3A_376 : vector<256x128xi32>
        %jit3A_378 = arith.constant 3.000000e+38 : f32
        %broadcast_in_dim3A_379 = vector.broadcast %jit3A_378 : f32 to vector<256x128xf32>
        %select_n3A_380 = arith.select %eq3A_377, %broadcast_in_dim3A_379, %scan3A_364 : vector<256x128xi1>, vector<256x128xf32>
        %eq3A_381 = vector.broadcast %scan3A_363 : i32 to vector<24x128xi32>
        %eq3A_382 = arith.cmpi eq, %iota3A, %eq3A_381 : vector<24x128xi32>
        %broadcast_in_dim3A_383 = vector.shape_cast %broadcast_in_dim3A_369 : vector<1x128xf32> to vector<1x128xf32>
        %broadcast_in_dim3A_384 = vector.broadcast %broadcast_in_dim3A_383 : vector<1x128xf32> to vector<24x128xf32>
        %select_n3A_385 = arith.select %eq3A_382, %broadcast_in_dim3A_384, %scan3A_365 : vector<24x128xi1>, vector<24x128xf32>
        %eq3A_386 = vector.broadcast %scan3A_363 : i32 to vector<24x128xi32>
        %eq3A_387 = arith.cmpi eq, %iota3A, %eq3A_386 : vector<24x128xi32>
        %broadcast_in_dim3A_388 = vector.shape_cast %broadcast_in_dim3A_375 : vector<1x128xi32> to vector<1x128xi32>
        %broadcast_in_dim3A_389 = vector.broadcast %broadcast_in_dim3A_388 : vector<1x128xi32> to vector<24x128xi32>
        %select_n3A_390 = arith.select %eq3A_387, %broadcast_in_dim3A_389, %scan3A_366 : vector<24x128xi1>, vector<24x128xi32>
        scf.yield %select_n3A_380, %select_n3A_385, %select_n3A_390 : vector<256x128xf32>, vector<24x128xf32>, vector<24x128xi32>
      }
      %scan3A_191 = arith.constant 10 : i32
      %swap3A_192 = arith.constant 96 : index
      %swap3A_193 = arith.constant 0 : index
      %swap3A_194 = vector.load %arg7[%swap3A_192, %swap3A_193] : memref<192x128xf32, #tpu.memory_space<vmem>>, vector<24x128xf32>
      tpu.vector_store %arg7[%swap3A_192, %swap3A_193], %scan3A_190#1 {strides = array<i32>} : memref<192x128xf32, #tpu.memory_space<vmem>>, vector<24x128xf32>,
      %add3A_195 = arith.constant 1024 : i32
      %add3A_196 = vector.broadcast %add3A_195 : i32 to vector<24x128xi32>
      %add3A_197 = arith.addi %scan3A_190#2, %add3A_196 : vector<24x128xi32>
      %swap3A_198 = arith.constant 96 : index
      %swap3A_199 = arith.constant 0 : index
      %swap3A_200 = vector.load %arg8[%swap3A_198, %swap3A_199] : memref<192x128xi32, #tpu.memory_space<vmem>>, vector<24x128xi32>
      tpu.vector_store %arg8[%swap3A_198, %swap3A_199], %add3A_197 {strides = array<i32>} : memref<192x128xi32, #tpu.memory_space<vmem>>, vector<24x128xi32>,
      %reduce_min3A_201 = arith.constant dense<0x7F800000> : vector<128xf32>
      %reduce_min3A_202 = vector.multi_reduction <minimumf>, %scan3A_190#0, %reduce_min3A_201 [0] : vector<256x128xf32> to vector<128xf32>
      %broadcast_in_dim3A_203 = vector.shape_cast %reduce_min3A_202 : vector<128xf32> to vector<1x128xf32>
      %le3A_204 = arith.cmpf ole, %broadcast_in_dim3A_203, %scan3A_19#1 : vector<1x128xf32>
      %reduce_or3A_205 = arith.constant 1.000000e+00 : f32
      %reduce_or3A_206 = arith.constant 0.000000e+00 : f32
      %reduce_or3A_207 = vector.broadcast %reduce_or3A_205 : f32 to vector<1x128xf32>
      %reduce_or3A_208 = vector.broadcast %reduce_or3A_206 : f32 to vector<1x128xf32>
      %reduce_or3A_209 = arith.select %le3A_204, %reduce_or3A_207, %reduce_or3A_208 : vector<1x128xi1>, vector<1x128xf32>
      %reduce_or3A_210 = vector.shape_cast %reduce_or3A_209 : vector<1x128xf32> to vector<1x1x128xf32>
      %reduce_or3A_211 = arith.constant dense<0xFF800000> : vector<1xf32>
      %reduce_or3A_212 = vector.multi_reduction <maximumf>, %reduce_or3A_210, %reduce_or3A_211 [1, 2] : vector<1x1x128xf32> to vector<1xf32>
      %reduce_or3A_213 = vector.shape_cast %reduce_or3A_212 : vector<1xf32> to vector<1x1x1xf32>
      %reduce_or3A_214 = vector.extract %reduce_or3A_213[0, 0, 0] : f32 from vector<1x1x1xf32>
      %reduce_or3A_215 = arith.constant 0.000000e+00 : f32
      %reduce_or3A_216 = arith.cmpf ogt, %reduce_or3A_214, %reduce_or3A_215 : f32
      %convert_element_type3A_217 = arith.extui %reduce_or3A_216 : i1 to i32
      %cond3A_218 = arith.constant 0 : i32
      %cond3A_219 = arith.cmpi ne, %convert_element_type3A_217, %cond3A_218 : i32
      scf.if %cond3A_219 {
        %scan3A_363 = arith.constant 10 : i32
        %scan3A_364 = arith.constant 14 : i32
        %scan3A_365 = arith.addi %scan3A_363, %scan3A_364 : i32
        %scan3A_366 = arith.constant 1 : i32
        %scan3A_367:3 = scf.for %scan3A_378 = %scan3A_363 to %scan3A_365 step %scan3A_366 iter_args(%scan3A_379 = %scan3A_190#0, %scan3A_380 = %scan3A_190#1, %scan3A_381 = %scan3A_190#2) -> (vector<256x128xf32>, vector<24x128xf32>, vector<24x128xi32>)  : i32 {
          %reduce_min3A_382 = arith.constant dense<0x7F800000> : vector<128xf32>
          %reduce_min3A_383 = vector.multi_reduction <minimumf>, %scan3A_379, %reduce_min3A_382 [0] : vector<256x128xf32> to vector<128xf32>
          %broadcast_in_dim3A_384 = vector.shape_cast %reduce_min3A_383 : vector<128xf32> to vector<1x128xf32>
          %eq3A_385 = vector.broadcast %broadcast_in_dim3A_384 : vector<1x128xf32> to vector<256x128xf32>
          %eq3A_386 = arith.cmpf oeq, %scan3A_379, %eq3A_385 : vector<256x128xf32>
          %jit3A = arith.constant 1073741824 : i32
          %broadcast_in_dim3A_387 = vector.broadcast %jit3A : i32 to vector<256x128xi32>
          %select_n3A = arith.select %eq3A_386, %iota3A_12, %broadcast_in_dim3A_387 : vector<256x128xi1>, vector<256x128xi32>
          %reduce_min3A_388 = arith.constant dense<2147483647> : vector<128xi32>
          %reduce_min3A_389 = vector.multi_reduction <minsi>, %select_n3A, %reduce_min3A_388 [0] : vector<256x128xi32> to vector<128xi32>
          %broadcast_in_dim3A_390 = vector.shape_cast %reduce_min3A_389 : vector<128xi32> to vector<1x128xi32>
          %eq3A_391 = vector.broadcast %broadcast_in_dim3A_390 : vector<1x128xi32> to vector<256x128xi32>
          %eq3A_392 = arith.cmpi eq, %select_n3A, %eq3A_391 : vector<256x128xi32>
          %jit3A_393 = arith.constant 3.000000e+38 : f32
          %broadcast_in_dim3A_394 = vector.broadcast %jit3A_393 : f32 to vector<256x128xf32>
          %select_n3A_395 = arith.select %eq3A_392, %broadcast_in_dim3A_394, %scan3A_379 : vector<256x128xi1>, vector<256x128xf32>
          %eq3A_396 = vector.broadcast %scan3A_378 : i32 to vector<24x128xi32>
          %eq3A_397 = arith.cmpi eq, %iota3A, %eq3A_396 : vector<24x128xi32>
          %broadcast_in_dim3A_398 = vector.shape_cast %broadcast_in_dim3A_384 : vector<1x128xf32> to vector<1x128xf32>
          %broadcast_in_dim3A_399 = vector.broadcast %broadcast_in_dim3A_398 : vector<1x128xf32> to vector<24x128xf32>
          %select_n3A_400 = arith.select %eq3A_397, %broadcast_in_dim3A_399, %scan3A_380 : vector<24x128xi1>, vector<24x128xf32>
          %eq3A_401 = vector.broadcast %scan3A_378 : i32 to vector<24x128xi32>
          %eq3A_402 = arith.cmpi eq, %iota3A, %eq3A_401 : vector<24x128xi32>
          %broadcast_in_dim3A_403 = vector.shape_cast %broadcast_in_dim3A_390 : vector<1x128xi32> to vector<1x128xi32>
          %broadcast_in_dim3A_404 = vector.broadcast %broadcast_in_dim3A_403 : vector<1x128xi32> to vector<24x128xi32>
          %select_n3A_405 = arith.select %eq3A_402, %broadcast_in_dim3A_404, %scan3A_381 : vector<24x128xi1>, vector<24x128xi32>
          scf.yield %select_n3A_395, %select_n3A_400, %select_n3A_405 : vector<256x128xf32>, vector<24x128xf32>, vector<24x128xi32>
        }
        %scan3A_368 = arith.constant 14 : i32
        %swap3A_369 = arith.constant 96 : index
        %swap3A_370 = arith.constant 0 : index
        %swap3A_371 = vector.load %arg7[%swap3A_369, %swap3A_370] : memref<192x128xf32, #tpu.memory_space<vmem>>, vector<24x128xf32>
        tpu.vector_store %arg7[%swap3A_369, %swap3A_370], %scan3A_367#1 {strides = array<i32>} : memref<192x128xf32, #tpu.memory_space<vmem>>, vector<24x128xf32>,
        %add3A_372 = arith.constant 1024 : i32
        %add3A_373 = vector.broadcast %add3A_372 : i32 to vector<24x128xi32>
        %add3A_374 = arith.addi %scan3A_367#2, %add3A_373 : vector<24x128xi32>
        %swap3A_375 = arith.constant 96 : index
        %swap3A_376 = arith.constant 0 : index
        %swap3A_377 = vector.load %arg8[%swap3A_375, %swap3A_376] : memref<192x128xi32, #tpu.memory_space<vmem>>, vector<24x128xi32>
        tpu.vector_store %arg8[%swap3A_375, %swap3A_376], %add3A_374 {strides = array<i32>} : memref<192x128xi32, #tpu.memory_space<vmem>>, vector<24x128xi32>,
      } else {
      }
      %get3A_220 = arith.constant 1280 : index
      %get3A_221 = arith.constant 128 : index
      %get3A_222 = vector.load %arg6[%get3A_220, %get3A_221] : memref<2048x256xf32, #tpu.memory_space<vmem>>, vector<256x128xf32>
      %broadcast_in_dim3A_223 = arith.constant 3.000000e+38 : f32
      %broadcast_in_dim3A_224 = vector.broadcast %broadcast_in_dim3A_223 : f32 to vector<24x128xf32>
      %broadcast_in_dim3A_225 = arith.constant 0 : i32
      %broadcast_in_dim3A_226 = vector.broadcast %broadcast_in_dim3A_225 : i32 to vector<24x128xi32>
      %scan3A_227 = arith.constant 0 : i32
      %scan3A_228 = arith.constant 10 : i32
      %scan3A_229 = arith.addi %scan3A_227, %scan3A_228 : i32
      %scan3A_230 = arith.constant 1 : i32
      %scan3A_231:3 = scf.for %scan3A_363 = %scan3A_227 to %scan3A_229 step %scan3A_230 iter_args(%scan3A_364 = %get3A_222, %scan3A_365 = %broadcast_in_dim3A_224, %scan3A_366 = %broadcast_in_dim3A_226) -> (vector<256x128xf32>, vector<24x128xf32>, vector<24x128xi32>)  : i32 {
        %reduce_min3A_367 = arith.constant dense<0x7F800000> : vector<128xf32>
        %reduce_min3A_368 = vector.multi_reduction <minimumf>, %scan3A_364, %reduce_min3A_367 [0] : vector<256x128xf32> to vector<128xf32>
        %broadcast_in_dim3A_369 = vector.shape_cast %reduce_min3A_368 : vector<128xf32> to vector<1x128xf32>
        %eq3A_370 = vector.broadcast %broadcast_in_dim3A_369 : vector<1x128xf32> to vector<256x128xf32>
        %eq3A_371 = arith.cmpf oeq, %scan3A_364, %eq3A_370 : vector<256x128xf32>
        %jit3A = arith.constant 1073741824 : i32
        %broadcast_in_dim3A_372 = vector.broadcast %jit3A : i32 to vector<256x128xi32>
        %select_n3A = arith.select %eq3A_371, %iota3A_12, %broadcast_in_dim3A_372 : vector<256x128xi1>, vector<256x128xi32>
        %reduce_min3A_373 = arith.constant dense<2147483647> : vector<128xi32>
        %reduce_min3A_374 = vector.multi_reduction <minsi>, %select_n3A, %reduce_min3A_373 [0] : vector<256x128xi32> to vector<128xi32>
        %broadcast_in_dim3A_375 = vector.shape_cast %reduce_min3A_374 : vector<128xi32> to vector<1x128xi32>
        %eq3A_376 = vector.broadcast %broadcast_in_dim3A_375 : vector<1x128xi32> to vector<256x128xi32>
        %eq3A_377 = arith.cmpi eq, %select_n3A, %eq3A_376 : vector<256x128xi32>
        %jit3A_378 = arith.constant 3.000000e+38 : f32
        %broadcast_in_dim3A_379 = vector.broadcast %jit3A_378 : f32 to vector<256x128xf32>
        %select_n3A_380 = arith.select %eq3A_377, %broadcast_in_dim3A_379, %scan3A_364 : vector<256x128xi1>, vector<256x128xf32>
        %eq3A_381 = vector.broadcast %scan3A_363 : i32 to vector<24x128xi32>
        %eq3A_382 = arith.cmpi eq, %iota3A, %eq3A_381 : vector<24x128xi32>
        %broadcast_in_dim3A_383 = vector.shape_cast %broadcast_in_dim3A_369 : vector<1x128xf32> to vector<1x128xf32>
        %broadcast_in_dim3A_384 = vector.broadcast %broadcast_in_dim3A_383 : vector<1x128xf32> to vector<24x128xf32>
        %select_n3A_385 = arith.select %eq3A_382, %broadcast_in_dim3A_384, %scan3A_365 : vector<24x128xi1>, vector<24x128xf32>
        %eq3A_386 = vector.broadcast %scan3A_363 : i32 to vector<24x128xi32>
        %eq3A_387 = arith.cmpi eq, %iota3A, %eq3A_386 : vector<24x128xi32>
        %broadcast_in_dim3A_388 = vector.shape_cast %broadcast_in_dim3A_375 : vector<1x128xi32> to vector<1x128xi32>
        %broadcast_in_dim3A_389 = vector.broadcast %broadcast_in_dim3A_388 : vector<1x128xi32> to vector<24x128xi32>
        %select_n3A_390 = arith.select %eq3A_387, %broadcast_in_dim3A_389, %scan3A_366 : vector<24x128xi1>, vector<24x128xi32>
        scf.yield %select_n3A_380, %select_n3A_385, %select_n3A_390 : vector<256x128xf32>, vector<24x128xf32>, vector<24x128xi32>
      }
      %scan3A_232 = arith.constant 10 : i32
      %swap3A_233 = arith.constant 120 : index
      %swap3A_234 = arith.constant 0 : index
      %swap3A_235 = vector.load %arg7[%swap3A_233, %swap3A_234] : memref<192x128xf32, #tpu.memory_space<vmem>>, vector<24x128xf32>
      tpu.vector_store %arg7[%swap3A_233, %swap3A_234], %scan3A_231#1 {strides = array<i32>} : memref<192x128xf32, #tpu.memory_space<vmem>>, vector<24x128xf32>,
      %add3A_236 = arith.constant 1280 : i32
      %add3A_237 = vector.broadcast %add3A_236 : i32 to vector<24x128xi32>
      %add3A_238 = arith.addi %scan3A_231#2, %add3A_237 : vector<24x128xi32>
      %swap3A_239 = arith.constant 120 : index
      %swap3A_240 = arith.constant 0 : index
      %swap3A_241 = vector.load %arg8[%swap3A_239, %swap3A_240] : memref<192x128xi32, #tpu.memory_space<vmem>>, vector<24x128xi32>
      tpu.vector_store %arg8[%swap3A_239, %swap3A_240], %add3A_238 {strides = array<i32>} : memref<192x128xi32, #tpu.memory_space<vmem>>, vector<24x128xi32>,
      %reduce_min3A_242 = arith.constant dense<0x7F800000> : vector<128xf32>
      %reduce_min3A_243 = vector.multi_reduction <minimumf>, %scan3A_231#0, %reduce_min3A_242 [0] : vector<256x128xf32> to vector<128xf32>
      %broadcast_in_dim3A_244 = vector.shape_cast %reduce_min3A_243 : vector<128xf32> to vector<1x128xf32>
      %le3A_245 = arith.cmpf ole, %broadcast_in_dim3A_244, %scan3A_19#1 : vector<1x128xf32>
      %reduce_or3A_246 = arith.constant 1.000000e+00 : f32
      %reduce_or3A_247 = arith.constant 0.000000e+00 : f32
      %reduce_or3A_248 = vector.broadcast %reduce_or3A_246 : f32 to vector<1x128xf32>
      %reduce_or3A_249 = vector.broadcast %reduce_or3A_247 : f32 to vector<1x128xf32>
      %reduce_or3A_250 = arith.select %le3A_245, %reduce_or3A_248, %reduce_or3A_249 : vector<1x128xi1>, vector<1x128xf32>
      %reduce_or3A_251 = vector.shape_cast %reduce_or3A_250 : vector<1x128xf32> to vector<1x1x128xf32>
      %reduce_or3A_252 = arith.constant dense<0xFF800000> : vector<1xf32>
      %reduce_or3A_253 = vector.multi_reduction <maximumf>, %reduce_or3A_251, %reduce_or3A_252 [1, 2] : vector<1x1x128xf32> to vector<1xf32>
      %reduce_or3A_254 = vector.shape_cast %reduce_or3A_253 : vector<1xf32> to vector<1x1x1xf32>
      %reduce_or3A_255 = vector.extract %reduce_or3A_254[0, 0, 0] : f32 from vector<1x1x1xf32>
      %reduce_or3A_256 = arith.constant 0.000000e+00 : f32
      %reduce_or3A_257 = arith.cmpf ogt, %reduce_or3A_255, %reduce_or3A_256 : f32
      %convert_element_type3A_258 = arith.extui %reduce_or3A_257 : i1 to i32
      %cond3A_259 = arith.constant 0 : i32
      %cond3A_260 = arith.cmpi ne, %convert_element_type3A_258, %cond3A_259 : i32
      scf.if %cond3A_260 {
        %scan3A_363 = arith.constant 10 : i32
        %scan3A_364 = arith.constant 14 : i32
        %scan3A_365 = arith.addi %scan3A_363, %scan3A_364 : i32
        %scan3A_366 = arith.constant 1 : i32
        %scan3A_367:3 = scf.for %scan3A_378 = %scan3A_363 to %scan3A_365 step %scan3A_366 iter_args(%scan3A_379 = %scan3A_231#0, %scan3A_380 = %scan3A_231#1, %scan3A_381 = %scan3A_231#2) -> (vector<256x128xf32>, vector<24x128xf32>, vector<24x128xi32>)  : i32 {
          %reduce_min3A_382 = arith.constant dense<0x7F800000> : vector<128xf32>
          %reduce_min3A_383 = vector.multi_reduction <minimumf>, %scan3A_379, %reduce_min3A_382 [0] : vector<256x128xf32> to vector<128xf32>
          %broadcast_in_dim3A_384 = vector.shape_cast %reduce_min3A_383 : vector<128xf32> to vector<1x128xf32>
          %eq3A_385 = vector.broadcast %broadcast_in_dim3A_384 : vector<1x128xf32> to vector<256x128xf32>
          %eq3A_386 = arith.cmpf oeq, %scan3A_379, %eq3A_385 : vector<256x128xf32>
          %jit3A = arith.constant 1073741824 : i32
          %broadcast_in_dim3A_387 = vector.broadcast %jit3A : i32 to vector<256x128xi32>
          %select_n3A = arith.select %eq3A_386, %iota3A_12, %broadcast_in_dim3A_387 : vector<256x128xi1>, vector<256x128xi32>
          %reduce_min3A_388 = arith.constant dense<2147483647> : vector<128xi32>
          %reduce_min3A_389 = vector.multi_reduction <minsi>, %select_n3A, %reduce_min3A_388 [0] : vector<256x128xi32> to vector<128xi32>
          %broadcast_in_dim3A_390 = vector.shape_cast %reduce_min3A_389 : vector<128xi32> to vector<1x128xi32>
          %eq3A_391 = vector.broadcast %broadcast_in_dim3A_390 : vector<1x128xi32> to vector<256x128xi32>
          %eq3A_392 = arith.cmpi eq, %select_n3A, %eq3A_391 : vector<256x128xi32>
          %jit3A_393 = arith.constant 3.000000e+38 : f32
          %broadcast_in_dim3A_394 = vector.broadcast %jit3A_393 : f32 to vector<256x128xf32>
          %select_n3A_395 = arith.select %eq3A_392, %broadcast_in_dim3A_394, %scan3A_379 : vector<256x128xi1>, vector<256x128xf32>
          %eq3A_396 = vector.broadcast %scan3A_378 : i32 to vector<24x128xi32>
          %eq3A_397 = arith.cmpi eq, %iota3A, %eq3A_396 : vector<24x128xi32>
          %broadcast_in_dim3A_398 = vector.shape_cast %broadcast_in_dim3A_384 : vector<1x128xf32> to vector<1x128xf32>
          %broadcast_in_dim3A_399 = vector.broadcast %broadcast_in_dim3A_398 : vector<1x128xf32> to vector<24x128xf32>
          %select_n3A_400 = arith.select %eq3A_397, %broadcast_in_dim3A_399, %scan3A_380 : vector<24x128xi1>, vector<24x128xf32>
          %eq3A_401 = vector.broadcast %scan3A_378 : i32 to vector<24x128xi32>
          %eq3A_402 = arith.cmpi eq, %iota3A, %eq3A_401 : vector<24x128xi32>
          %broadcast_in_dim3A_403 = vector.shape_cast %broadcast_in_dim3A_390 : vector<1x128xi32> to vector<1x128xi32>
          %broadcast_in_dim3A_404 = vector.broadcast %broadcast_in_dim3A_403 : vector<1x128xi32> to vector<24x128xi32>
          %select_n3A_405 = arith.select %eq3A_402, %broadcast_in_dim3A_404, %scan3A_381 : vector<24x128xi1>, vector<24x128xi32>
          scf.yield %select_n3A_395, %select_n3A_400, %select_n3A_405 : vector<256x128xf32>, vector<24x128xf32>, vector<24x128xi32>
        }
        %scan3A_368 = arith.constant 14 : i32
        %swap3A_369 = arith.constant 120 : index
        %swap3A_370 = arith.constant 0 : index
        %swap3A_371 = vector.load %arg7[%swap3A_369, %swap3A_370] : memref<192x128xf32, #tpu.memory_space<vmem>>, vector<24x128xf32>
        tpu.vector_store %arg7[%swap3A_369, %swap3A_370], %scan3A_367#1 {strides = array<i32>} : memref<192x128xf32, #tpu.memory_space<vmem>>, vector<24x128xf32>,
        %add3A_372 = arith.constant 1280 : i32
        %add3A_373 = vector.broadcast %add3A_372 : i32 to vector<24x128xi32>
        %add3A_374 = arith.addi %scan3A_367#2, %add3A_373 : vector<24x128xi32>
        %swap3A_375 = arith.constant 120 : index
        %swap3A_376 = arith.constant 0 : index
        %swap3A_377 = vector.load %arg8[%swap3A_375, %swap3A_376] : memref<192x128xi32, #tpu.memory_space<vmem>>, vector<24x128xi32>
        tpu.vector_store %arg8[%swap3A_375, %swap3A_376], %add3A_374 {strides = array<i32>} : memref<192x128xi32, #tpu.memory_space<vmem>>, vector<24x128xi32>,
      } else {
      }
      %get3A_261 = arith.constant 1536 : index
      %get3A_262 = arith.constant 128 : index
      %get3A_263 = vector.load %arg6[%get3A_261, %get3A_262] : memref<2048x256xf32, #tpu.memory_space<vmem>>, vector<256x128xf32>
      %broadcast_in_dim3A_264 = arith.constant 3.000000e+38 : f32
      %broadcast_in_dim3A_265 = vector.broadcast %broadcast_in_dim3A_264 : f32 to vector<24x128xf32>
      %broadcast_in_dim3A_266 = arith.constant 0 : i32
      %broadcast_in_dim3A_267 = vector.broadcast %broadcast_in_dim3A_266 : i32 to vector<24x128xi32>
      %scan3A_268 = arith.constant 0 : i32
      %scan3A_269 = arith.constant 10 : i32
      %scan3A_270 = arith.addi %scan3A_268, %scan3A_269 : i32
      %scan3A_271 = arith.constant 1 : i32
      %scan3A_272:3 = scf.for %scan3A_363 = %scan3A_268 to %scan3A_270 step %scan3A_271 iter_args(%scan3A_364 = %get3A_263, %scan3A_365 = %broadcast_in_dim3A_265, %scan3A_366 = %broadcast_in_dim3A_267) -> (vector<256x128xf32>, vector<24x128xf32>, vector<24x128xi32>)  : i32 {
        %reduce_min3A_367 = arith.constant dense<0x7F800000> : vector<128xf32>
        %reduce_min3A_368 = vector.multi_reduction <minimumf>, %scan3A_364, %reduce_min3A_367 [0] : vector<256x128xf32> to vector<128xf32>
        %broadcast_in_dim3A_369 = vector.shape_cast %reduce_min3A_368 : vector<128xf32> to vector<1x128xf32>
        %eq3A_370 = vector.broadcast %broadcast_in_dim3A_369 : vector<1x128xf32> to vector<256x128xf32>
        %eq3A_371 = arith.cmpf oeq, %scan3A_364, %eq3A_370 : vector<256x128xf32>
        %jit3A = arith.constant 1073741824 : i32
        %broadcast_in_dim3A_372 = vector.broadcast %jit3A : i32 to vector<256x128xi32>
        %select_n3A = arith.select %eq3A_371, %iota3A_12, %broadcast_in_dim3A_372 : vector<256x128xi1>, vector<256x128xi32>
        %reduce_min3A_373 = arith.constant dense<2147483647> : vector<128xi32>
        %reduce_min3A_374 = vector.multi_reduction <minsi>, %select_n3A, %reduce_min3A_373 [0] : vector<256x128xi32> to vector<128xi32>
        %broadcast_in_dim3A_375 = vector.shape_cast %reduce_min3A_374 : vector<128xi32> to vector<1x128xi32>
        %eq3A_376 = vector.broadcast %broadcast_in_dim3A_375 : vector<1x128xi32> to vector<256x128xi32>
        %eq3A_377 = arith.cmpi eq, %select_n3A, %eq3A_376 : vector<256x128xi32>
        %jit3A_378 = arith.constant 3.000000e+38 : f32
        %broadcast_in_dim3A_379 = vector.broadcast %jit3A_378 : f32 to vector<256x128xf32>
        %select_n3A_380 = arith.select %eq3A_377, %broadcast_in_dim3A_379, %scan3A_364 : vector<256x128xi1>, vector<256x128xf32>
        %eq3A_381 = vector.broadcast %scan3A_363 : i32 to vector<24x128xi32>
        %eq3A_382 = arith.cmpi eq, %iota3A, %eq3A_381 : vector<24x128xi32>
        %broadcast_in_dim3A_383 = vector.shape_cast %broadcast_in_dim3A_369 : vector<1x128xf32> to vector<1x128xf32>
        %broadcast_in_dim3A_384 = vector.broadcast %broadcast_in_dim3A_383 : vector<1x128xf32> to vector<24x128xf32>
        %select_n3A_385 = arith.select %eq3A_382, %broadcast_in_dim3A_384, %scan3A_365 : vector<24x128xi1>, vector<24x128xf32>
        %eq3A_386 = vector.broadcast %scan3A_363 : i32 to vector<24x128xi32>
        %eq3A_387 = arith.cmpi eq, %iota3A, %eq3A_386 : vector<24x128xi32>
        %broadcast_in_dim3A_388 = vector.shape_cast %broadcast_in_dim3A_375 : vector<1x128xi32> to vector<1x128xi32>
        %broadcast_in_dim3A_389 = vector.broadcast %broadcast_in_dim3A_388 : vector<1x128xi32> to vector<24x128xi32>
        %select_n3A_390 = arith.select %eq3A_387, %broadcast_in_dim3A_389, %scan3A_366 : vector<24x128xi1>, vector<24x128xi32>
        scf.yield %select_n3A_380, %select_n3A_385, %select_n3A_390 : vector<256x128xf32>, vector<24x128xf32>, vector<24x128xi32>
      }
      %scan3A_273 = arith.constant 10 : i32
      %swap3A_274 = arith.constant 144 : index
      %swap3A_275 = arith.constant 0 : index
      %swap3A_276 = vector.load %arg7[%swap3A_274, %swap3A_275] : memref<192x128xf32, #tpu.memory_space<vmem>>, vector<24x128xf32>
      tpu.vector_store %arg7[%swap3A_274, %swap3A_275], %scan3A_272#1 {strides = array<i32>} : memref<192x128xf32, #tpu.memory_space<vmem>>, vector<24x128xf32>,
      %add3A_277 = arith.constant 1536 : i32
      %add3A_278 = vector.broadcast %add3A_277 : i32 to vector<24x128xi32>
      %add3A_279 = arith.addi %scan3A_272#2, %add3A_278 : vector<24x128xi32>
      %swap3A_280 = arith.constant 144 : index
      %swap3A_281 = arith.constant 0 : index
      %swap3A_282 = vector.load %arg8[%swap3A_280, %swap3A_281] : memref<192x128xi32, #tpu.memory_space<vmem>>, vector<24x128xi32>
      tpu.vector_store %arg8[%swap3A_280, %swap3A_281], %add3A_279 {strides = array<i32>} : memref<192x128xi32, #tpu.memory_space<vmem>>, vector<24x128xi32>,
      %reduce_min3A_283 = arith.constant dense<0x7F800000> : vector<128xf32>
      %reduce_min3A_284 = vector.multi_reduction <minimumf>, %scan3A_272#0, %reduce_min3A_283 [0] : vector<256x128xf32> to vector<128xf32>
      %broadcast_in_dim3A_285 = vector.shape_cast %reduce_min3A_284 : vector<128xf32> to vector<1x128xf32>
      %le3A_286 = arith.cmpf ole, %broadcast_in_dim3A_285, %scan3A_19#1 : vector<1x128xf32>
      %reduce_or3A_287 = arith.constant 1.000000e+00 : f32
      %reduce_or3A_288 = arith.constant 0.000000e+00 : f32
      %reduce_or3A_289 = vector.broadcast %reduce_or3A_287 : f32 to vector<1x128xf32>
      %reduce_or3A_290 = vector.broadcast %reduce_or3A_288 : f32 to vector<1x128xf32>
      %reduce_or3A_291 = arith.select %le3A_286, %reduce_or3A_289, %reduce_or3A_290 : vector<1x128xi1>, vector<1x128xf32>
      %reduce_or3A_292 = vector.shape_cast %reduce_or3A_291 : vector<1x128xf32> to vector<1x1x128xf32>
      %reduce_or3A_293 = arith.constant dense<0xFF800000> : vector<1xf32>
      %reduce_or3A_294 = vector.multi_reduction <maximumf>, %reduce_or3A_292, %reduce_or3A_293 [1, 2] : vector<1x1x128xf32> to vector<1xf32>
      %reduce_or3A_295 = vector.shape_cast %reduce_or3A_294 : vector<1xf32> to vector<1x1x1xf32>
      %reduce_or3A_296 = vector.extract %reduce_or3A_295[0, 0, 0] : f32 from vector<1x1x1xf32>
      %reduce_or3A_297 = arith.constant 0.000000e+00 : f32
      %reduce_or3A_298 = arith.cmpf ogt, %reduce_or3A_296, %reduce_or3A_297 : f32
      %convert_element_type3A_299 = arith.extui %reduce_or3A_298 : i1 to i32
      %cond3A_300 = arith.constant 0 : i32
      %cond3A_301 = arith.cmpi ne, %convert_element_type3A_299, %cond3A_300 : i32
      scf.if %cond3A_301 {
        %scan3A_363 = arith.constant 10 : i32
        %scan3A_364 = arith.constant 14 : i32
        %scan3A_365 = arith.addi %scan3A_363, %scan3A_364 : i32
        %scan3A_366 = arith.constant 1 : i32
        %scan3A_367:3 = scf.for %scan3A_378 = %scan3A_363 to %scan3A_365 step %scan3A_366 iter_args(%scan3A_379 = %scan3A_272#0, %scan3A_380 = %scan3A_272#1, %scan3A_381 = %scan3A_272#2) -> (vector<256x128xf32>, vector<24x128xf32>, vector<24x128xi32>)  : i32 {
          %reduce_min3A_382 = arith.constant dense<0x7F800000> : vector<128xf32>
          %reduce_min3A_383 = vector.multi_reduction <minimumf>, %scan3A_379, %reduce_min3A_382 [0] : vector<256x128xf32> to vector<128xf32>
          %broadcast_in_dim3A_384 = vector.shape_cast %reduce_min3A_383 : vector<128xf32> to vector<1x128xf32>
          %eq3A_385 = vector.broadcast %broadcast_in_dim3A_384 : vector<1x128xf32> to vector<256x128xf32>
          %eq3A_386 = arith.cmpf oeq, %scan3A_379, %eq3A_385 : vector<256x128xf32>
          %jit3A = arith.constant 1073741824 : i32
          %broadcast_in_dim3A_387 = vector.broadcast %jit3A : i32 to vector<256x128xi32>
          %select_n3A = arith.select %eq3A_386, %iota3A_12, %broadcast_in_dim3A_387 : vector<256x128xi1>, vector<256x128xi32>
          %reduce_min3A_388 = arith.constant dense<2147483647> : vector<128xi32>
          %reduce_min3A_389 = vector.multi_reduction <minsi>, %select_n3A, %reduce_min3A_388 [0] : vector<256x128xi32> to vector<128xi32>
          %broadcast_in_dim3A_390 = vector.shape_cast %reduce_min3A_389 : vector<128xi32> to vector<1x128xi32>
          %eq3A_391 = vector.broadcast %broadcast_in_dim3A_390 : vector<1x128xi32> to vector<256x128xi32>
          %eq3A_392 = arith.cmpi eq, %select_n3A, %eq3A_391 : vector<256x128xi32>
          %jit3A_393 = arith.constant 3.000000e+38 : f32
          %broadcast_in_dim3A_394 = vector.broadcast %jit3A_393 : f32 to vector<256x128xf32>
          %select_n3A_395 = arith.select %eq3A_392, %broadcast_in_dim3A_394, %scan3A_379 : vector<256x128xi1>, vector<256x128xf32>
          %eq3A_396 = vector.broadcast %scan3A_378 : i32 to vector<24x128xi32>
          %eq3A_397 = arith.cmpi eq, %iota3A, %eq3A_396 : vector<24x128xi32>
          %broadcast_in_dim3A_398 = vector.shape_cast %broadcast_in_dim3A_384 : vector<1x128xf32> to vector<1x128xf32>
          %broadcast_in_dim3A_399 = vector.broadcast %broadcast_in_dim3A_398 : vector<1x128xf32> to vector<24x128xf32>
          %select_n3A_400 = arith.select %eq3A_397, %broadcast_in_dim3A_399, %scan3A_380 : vector<24x128xi1>, vector<24x128xf32>
          %eq3A_401 = vector.broadcast %scan3A_378 : i32 to vector<24x128xi32>
          %eq3A_402 = arith.cmpi eq, %iota3A, %eq3A_401 : vector<24x128xi32>
          %broadcast_in_dim3A_403 = vector.shape_cast %broadcast_in_dim3A_390 : vector<1x128xi32> to vector<1x128xi32>
          %broadcast_in_dim3A_404 = vector.broadcast %broadcast_in_dim3A_403 : vector<1x128xi32> to vector<24x128xi32>
          %select_n3A_405 = arith.select %eq3A_402, %broadcast_in_dim3A_404, %scan3A_381 : vector<24x128xi1>, vector<24x128xi32>
          scf.yield %select_n3A_395, %select_n3A_400, %select_n3A_405 : vector<256x128xf32>, vector<24x128xf32>, vector<24x128xi32>
        }
        %scan3A_368 = arith.constant 14 : i32
        %swap3A_369 = arith.constant 144 : index
        %swap3A_370 = arith.constant 0 : index
        %swap3A_371 = vector.load %arg7[%swap3A_369, %swap3A_370] : memref<192x128xf32, #tpu.memory_space<vmem>>, vector<24x128xf32>
        tpu.vector_store %arg7[%swap3A_369, %swap3A_370], %scan3A_367#1 {strides = array<i32>} : memref<192x128xf32, #tpu.memory_space<vmem>>, vector<24x128xf32>,
        %add3A_372 = arith.constant 1536 : i32
        %add3A_373 = vector.broadcast %add3A_372 : i32 to vector<24x128xi32>
        %add3A_374 = arith.addi %scan3A_367#2, %add3A_373 : vector<24x128xi32>
        %swap3A_375 = arith.constant 144 : index
        %swap3A_376 = arith.constant 0 : index
        %swap3A_377 = vector.load %arg8[%swap3A_375, %swap3A_376] : memref<192x128xi32, #tpu.memory_space<vmem>>, vector<24x128xi32>
        tpu.vector_store %arg8[%swap3A_375, %swap3A_376], %add3A_374 {strides = array<i32>} : memref<192x128xi32, #tpu.memory_space<vmem>>, vector<24x128xi32>,
      } else {
      }
      %get3A_302 = arith.constant 1792 : index
      %get3A_303 = arith.constant 128 : index
      %get3A_304 = vector.load %arg6[%get3A_302, %get3A_303] : memref<2048x256xf32, #tpu.memory_space<vmem>>, vector<256x128xf32>
      %broadcast_in_dim3A_305 = arith.constant 3.000000e+38 : f32
      %broadcast_in_dim3A_306 = vector.broadcast %broadcast_in_dim3A_305 : f32 to vector<24x128xf32>
      %broadcast_in_dim3A_307 = arith.constant 0 : i32
      %broadcast_in_dim3A_308 = vector.broadcast %broadcast_in_dim3A_307 : i32 to vector<24x128xi32>
      %scan3A_309 = arith.constant 0 : i32
      %scan3A_310 = arith.constant 10 : i32
      %scan3A_311 = arith.addi %scan3A_309, %scan3A_310 : i32
      %scan3A_312 = arith.constant 1 : i32
      %scan3A_313:3 = scf.for %scan3A_363 = %scan3A_309 to %scan3A_311 step %scan3A_312 iter_args(%scan3A_364 = %get3A_304, %scan3A_365 = %broadcast_in_dim3A_306, %scan3A_366 = %broadcast_in_dim3A_308) -> (vector<256x128xf32>, vector<24x128xf32>, vector<24x128xi32>)  : i32 {
        %reduce_min3A_367 = arith.constant dense<0x7F800000> : vector<128xf32>
        %reduce_min3A_368 = vector.multi_reduction <minimumf>, %scan3A_364, %reduce_min3A_367 [0] : vector<256x128xf32> to vector<128xf32>
        %broadcast_in_dim3A_369 = vector.shape_cast %reduce_min3A_368 : vector<128xf32> to vector<1x128xf32>
        %eq3A_370 = vector.broadcast %broadcast_in_dim3A_369 : vector<1x128xf32> to vector<256x128xf32>
        %eq3A_371 = arith.cmpf oeq, %scan3A_364, %eq3A_370 : vector<256x128xf32>
        %jit3A = arith.constant 1073741824 : i32
        %broadcast_in_dim3A_372 = vector.broadcast %jit3A : i32 to vector<256x128xi32>
        %select_n3A = arith.select %eq3A_371, %iota3A_12, %broadcast_in_dim3A_372 : vector<256x128xi1>, vector<256x128xi32>
        %reduce_min3A_373 = arith.constant dense<2147483647> : vector<128xi32>
        %reduce_min3A_374 = vector.multi_reduction <minsi>, %select_n3A, %reduce_min3A_373 [0] : vector<256x128xi32> to vector<128xi32>
        %broadcast_in_dim3A_375 = vector.shape_cast %reduce_min3A_374 : vector<128xi32> to vector<1x128xi32>
        %eq3A_376 = vector.broadcast %broadcast_in_dim3A_375 : vector<1x128xi32> to vector<256x128xi32>
        %eq3A_377 = arith.cmpi eq, %select_n3A, %eq3A_376 : vector<256x128xi32>
        %jit3A_378 = arith.constant 3.000000e+38 : f32
        %broadcast_in_dim3A_379 = vector.broadcast %jit3A_378 : f32 to vector<256x128xf32>
        %select_n3A_380 = arith.select %eq3A_377, %broadcast_in_dim3A_379, %scan3A_364 : vector<256x128xi1>, vector<256x128xf32>
        %eq3A_381 = vector.broadcast %scan3A_363 : i32 to vector<24x128xi32>
        %eq3A_382 = arith.cmpi eq, %iota3A, %eq3A_381 : vector<24x128xi32>
        %broadcast_in_dim3A_383 = vector.shape_cast %broadcast_in_dim3A_369 : vector<1x128xf32> to vector<1x128xf32>
        %broadcast_in_dim3A_384 = vector.broadcast %broadcast_in_dim3A_383 : vector<1x128xf32> to vector<24x128xf32>
        %select_n3A_385 = arith.select %eq3A_382, %broadcast_in_dim3A_384, %scan3A_365 : vector<24x128xi1>, vector<24x128xf32>
        %eq3A_386 = vector.broadcast %scan3A_363 : i32 to vector<24x128xi32>
        %eq3A_387 = arith.cmpi eq, %iota3A, %eq3A_386 : vector<24x128xi32>
        %broadcast_in_dim3A_388 = vector.shape_cast %broadcast_in_dim3A_375 : vector<1x128xi32> to vector<1x128xi32>
        %broadcast_in_dim3A_389 = vector.broadcast %broadcast_in_dim3A_388 : vector<1x128xi32> to vector<24x128xi32>
        %select_n3A_390 = arith.select %eq3A_387, %broadcast_in_dim3A_389, %scan3A_366 : vector<24x128xi1>, vector<24x128xi32>
        scf.yield %select_n3A_380, %select_n3A_385, %select_n3A_390 : vector<256x128xf32>, vector<24x128xf32>, vector<24x128xi32>
      }
      %scan3A_314 = arith.constant 10 : i32
      %swap3A_315 = arith.constant 168 : index
      %swap3A_316 = arith.constant 0 : index
      %swap3A_317 = vector.load %arg7[%swap3A_315, %swap3A_316] : memref<192x128xf32, #tpu.memory_space<vmem>>, vector<24x128xf32>
      tpu.vector_store %arg7[%swap3A_315, %swap3A_316], %scan3A_313#1 {strides = array<i32>} : memref<192x128xf32, #tpu.memory_space<vmem>>, vector<24x128xf32>,
      %add3A_318 = arith.constant 1792 : i32
      %add3A_319 = vector.broadcast %add3A_318 : i32 to vector<24x128xi32>
      %add3A_320 = arith.addi %scan3A_313#2, %add3A_319 : vector<24x128xi32>
      %swap3A_321 = arith.constant 168 : index
      %swap3A_322 = arith.constant 0 : index
      %swap3A_323 = vector.load %arg8[%swap3A_321, %swap3A_322] : memref<192x128xi32, #tpu.memory_space<vmem>>, vector<24x128xi32>
      tpu.vector_store %arg8[%swap3A_321, %swap3A_322], %add3A_320 {strides = array<i32>} : memref<192x128xi32, #tpu.memory_space<vmem>>, vector<24x128xi32>,
      %reduce_min3A_324 = arith.constant dense<0x7F800000> : vector<128xf32>
      %reduce_min3A_325 = vector.multi_reduction <minimumf>, %scan3A_313#0, %reduce_min3A_324 [0] : vector<256x128xf32> to vector<128xf32>
      %broadcast_in_dim3A_326 = vector.shape_cast %reduce_min3A_325 : vector<128xf32> to vector<1x128xf32>
      %le3A_327 = arith.cmpf ole, %broadcast_in_dim3A_326, %scan3A_19#1 : vector<1x128xf32>
      %reduce_or3A_328 = arith.constant 1.000000e+00 : f32
      %reduce_or3A_329 = arith.constant 0.000000e+00 : f32
      %reduce_or3A_330 = vector.broadcast %reduce_or3A_328 : f32 to vector<1x128xf32>
      %reduce_or3A_331 = vector.broadcast %reduce_or3A_329 : f32 to vector<1x128xf32>
      %reduce_or3A_332 = arith.select %le3A_327, %reduce_or3A_330, %reduce_or3A_331 : vector<1x128xi1>, vector<1x128xf32>
      %reduce_or3A_333 = vector.shape_cast %reduce_or3A_332 : vector<1x128xf32> to vector<1x1x128xf32>
      %reduce_or3A_334 = arith.constant dense<0xFF800000> : vector<1xf32>
      %reduce_or3A_335 = vector.multi_reduction <maximumf>, %reduce_or3A_333, %reduce_or3A_334 [1, 2] : vector<1x1x128xf32> to vector<1xf32>
      %reduce_or3A_336 = vector.shape_cast %reduce_or3A_335 : vector<1xf32> to vector<1x1x1xf32>
      %reduce_or3A_337 = vector.extract %reduce_or3A_336[0, 0, 0] : f32 from vector<1x1x1xf32>
      %reduce_or3A_338 = arith.constant 0.000000e+00 : f32
      %reduce_or3A_339 = arith.cmpf ogt, %reduce_or3A_337, %reduce_or3A_338 : f32
      %convert_element_type3A_340 = arith.extui %reduce_or3A_339 : i1 to i32
      %cond3A_341 = arith.constant 0 : i32
      %cond3A_342 = arith.cmpi ne, %convert_element_type3A_340, %cond3A_341 : i32
      scf.if %cond3A_342 {
        %scan3A_363 = arith.constant 10 : i32
        %scan3A_364 = arith.constant 14 : i32
        %scan3A_365 = arith.addi %scan3A_363, %scan3A_364 : i32
        %scan3A_366 = arith.constant 1 : i32
        %scan3A_367:3 = scf.for %scan3A_378 = %scan3A_363 to %scan3A_365 step %scan3A_366 iter_args(%scan3A_379 = %scan3A_313#0, %scan3A_380 = %scan3A_313#1, %scan3A_381 = %scan3A_313#2) -> (vector<256x128xf32>, vector<24x128xf32>, vector<24x128xi32>)  : i32 {
          %reduce_min3A_382 = arith.constant dense<0x7F800000> : vector<128xf32>
          %reduce_min3A_383 = vector.multi_reduction <minimumf>, %scan3A_379, %reduce_min3A_382 [0] : vector<256x128xf32> to vector<128xf32>
          %broadcast_in_dim3A_384 = vector.shape_cast %reduce_min3A_383 : vector<128xf32> to vector<1x128xf32>
          %eq3A_385 = vector.broadcast %broadcast_in_dim3A_384 : vector<1x128xf32> to vector<256x128xf32>
          %eq3A_386 = arith.cmpf oeq, %scan3A_379, %eq3A_385 : vector<256x128xf32>
          %jit3A = arith.constant 1073741824 : i32
          %broadcast_in_dim3A_387 = vector.broadcast %jit3A : i32 to vector<256x128xi32>
          %select_n3A = arith.select %eq3A_386, %iota3A_12, %broadcast_in_dim3A_387 : vector<256x128xi1>, vector<256x128xi32>
          %reduce_min3A_388 = arith.constant dense<2147483647> : vector<128xi32>
          %reduce_min3A_389 = vector.multi_reduction <minsi>, %select_n3A, %reduce_min3A_388 [0] : vector<256x128xi32> to vector<128xi32>
          %broadcast_in_dim3A_390 = vector.shape_cast %reduce_min3A_389 : vector<128xi32> to vector<1x128xi32>
          %eq3A_391 = vector.broadcast %broadcast_in_dim3A_390 : vector<1x128xi32> to vector<256x128xi32>
          %eq3A_392 = arith.cmpi eq, %select_n3A, %eq3A_391 : vector<256x128xi32>
          %jit3A_393 = arith.constant 3.000000e+38 : f32
          %broadcast_in_dim3A_394 = vector.broadcast %jit3A_393 : f32 to vector<256x128xf32>
          %select_n3A_395 = arith.select %eq3A_392, %broadcast_in_dim3A_394, %scan3A_379 : vector<256x128xi1>, vector<256x128xf32>
          %eq3A_396 = vector.broadcast %scan3A_378 : i32 to vector<24x128xi32>
          %eq3A_397 = arith.cmpi eq, %iota3A, %eq3A_396 : vector<24x128xi32>
          %broadcast_in_dim3A_398 = vector.shape_cast %broadcast_in_dim3A_384 : vector<1x128xf32> to vector<1x128xf32>
          %broadcast_in_dim3A_399 = vector.broadcast %broadcast_in_dim3A_398 : vector<1x128xf32> to vector<24x128xf32>
          %select_n3A_400 = arith.select %eq3A_397, %broadcast_in_dim3A_399, %scan3A_380 : vector<24x128xi1>, vector<24x128xf32>
          %eq3A_401 = vector.broadcast %scan3A_378 : i32 to vector<24x128xi32>
          %eq3A_402 = arith.cmpi eq, %iota3A, %eq3A_401 : vector<24x128xi32>
          %broadcast_in_dim3A_403 = vector.shape_cast %broadcast_in_dim3A_390 : vector<1x128xi32> to vector<1x128xi32>
          %broadcast_in_dim3A_404 = vector.broadcast %broadcast_in_dim3A_403 : vector<1x128xi32> to vector<24x128xi32>
          %select_n3A_405 = arith.select %eq3A_402, %broadcast_in_dim3A_404, %scan3A_381 : vector<24x128xi1>, vector<24x128xi32>
          scf.yield %select_n3A_395, %select_n3A_400, %select_n3A_405 : vector<256x128xf32>, vector<24x128xf32>, vector<24x128xi32>
        }
        %scan3A_368 = arith.constant 14 : i32
        %swap3A_369 = arith.constant 168 : index
        %swap3A_370 = arith.constant 0 : index
        %swap3A_371 = vector.load %arg7[%swap3A_369, %swap3A_370] : memref<192x128xf32, #tpu.memory_space<vmem>>, vector<24x128xf32>
        tpu.vector_store %arg7[%swap3A_369, %swap3A_370], %scan3A_367#1 {strides = array<i32>} : memref<192x128xf32, #tpu.memory_space<vmem>>, vector<24x128xf32>,
        %add3A_372 = arith.constant 1792 : i32
        %add3A_373 = vector.broadcast %add3A_372 : i32 to vector<24x128xi32>
        %add3A_374 = arith.addi %scan3A_367#2, %add3A_373 : vector<24x128xi32>
        %swap3A_375 = arith.constant 168 : index
        %swap3A_376 = arith.constant 0 : index
        %swap3A_377 = vector.load %arg8[%swap3A_375, %swap3A_376] : memref<192x128xi32, #tpu.memory_space<vmem>>, vector<24x128xi32>
        tpu.vector_store %arg8[%swap3A_375, %swap3A_376], %add3A_374 {strides = array<i32>} : memref<192x128xi32, #tpu.memory_space<vmem>>, vector<24x128xi32>,
      } else {
      }
      %get3A_343 = arith.constant 0 : index
      %get3A_344 = arith.constant 0 : index
      %get3A_345 = vector.load %arg7[%get3A_343, %get3A_344] : memref<192x128xf32, #tpu.memory_space<vmem>>, vector<192x128xf32>
      %get3A_346 = arith.constant 0 : index
      %get3A_347 = arith.constant 0 : index
      %get3A_348 = vector.load %arg8[%get3A_346, %get3A_347] : memref<192x128xi32, #tpu.memory_space<vmem>>, vector<192x128xi32>
      %broadcast_in_dim3A_349 = arith.constant 0 : i32
      %broadcast_in_dim3A_350 = vector.broadcast %broadcast_in_dim3A_349 : i32 to vector<24x128xi32>
      %scan3A_351 = arith.constant 0 : i32
      %scan3A_352 = arith.constant 24 : i32
      %scan3A_353 = arith.addi %scan3A_351, %scan3A_352 : i32
      %scan3A_354 = arith.constant 1 : i32
      %scan3A_355:2 = scf.for %scan3A_363 = %scan3A_351 to %scan3A_353 step %scan3A_354 iter_args(%scan3A_364 = %get3A_345, %scan3A_365 = %broadcast_in_dim3A_350) -> (vector<192x128xf32>, vector<24x128xi32>)  : i32 {
        %reduce_min3A_366 = arith.constant dense<0x7F800000> : vector<128xf32>
        %reduce_min3A_367 = vector.multi_reduction <minimumf>, %scan3A_364, %reduce_min3A_366 [0] : vector<192x128xf32> to vector<128xf32>
        %broadcast_in_dim3A_368 = vector.shape_cast %reduce_min3A_367 : vector<128xf32> to vector<1x128xf32>
        %eq3A_369 = vector.broadcast %broadcast_in_dim3A_368 : vector<1x128xf32> to vector<192x128xf32>
        %eq3A_370 = arith.cmpf oeq, %scan3A_364, %eq3A_369 : vector<192x128xf32>
        %jit3A = arith.constant 1073741824 : i32
        %broadcast_in_dim3A_371 = vector.broadcast %jit3A : i32 to vector<192x128xi32>
        %select_n3A = arith.select %eq3A_370, %get3A_348, %broadcast_in_dim3A_371 : vector<192x128xi1>, vector<192x128xi32>
        %reduce_min3A_372 = arith.constant dense<2147483647> : vector<128xi32>
        %reduce_min3A_373 = vector.multi_reduction <minsi>, %select_n3A, %reduce_min3A_372 [0] : vector<192x128xi32> to vector<128xi32>
        %broadcast_in_dim3A_374 = vector.shape_cast %reduce_min3A_373 : vector<128xi32> to vector<1x128xi32>
        %eq3A_375 = vector.broadcast %broadcast_in_dim3A_374 : vector<1x128xi32> to vector<192x128xi32>
        %eq3A_376 = arith.cmpi eq, %select_n3A, %eq3A_375 : vector<192x128xi32>
        %jit3A_377 = arith.constant 3.000000e+38 : f32
        %broadcast_in_dim3A_378 = vector.broadcast %jit3A_377 : f32 to vector<192x128xf32>
        %select_n3A_379 = arith.select %eq3A_376, %broadcast_in_dim3A_378, %scan3A_364 : vector<192x128xi1>, vector<192x128xf32>
        %eq3A_380 = vector.broadcast %scan3A_363 : i32 to vector<24x128xi32>
        %eq3A_381 = arith.cmpi eq, %iota3A, %eq3A_380 : vector<24x128xi32>
        %broadcast_in_dim3A_382 = vector.shape_cast %broadcast_in_dim3A_374 : vector<1x128xi32> to vector<1x128xi32>
        %broadcast_in_dim3A_383 = vector.broadcast %broadcast_in_dim3A_382 : vector<1x128xi32> to vector<24x128xi32>
        %select_n3A_384 = arith.select %eq3A_381, %broadcast_in_dim3A_383, %scan3A_365 : vector<24x128xi1>, vector<24x128xi32>
        scf.yield %select_n3A_379, %select_n3A_384 : vector<192x128xf32>, vector<24x128xi32>
      }
      %scan3A_356 = arith.constant 24 : i32
      %mul3A = arith.constant 2048 : i32
      %mul3A_357 = arith.muli %arg0, %mul3A : i32
      %add3A_358 = vector.broadcast %mul3A_357 : i32 to vector<24x128xi32>
      %add3A_359 = arith.addi %scan3A_355#1, %add3A_358 : vector<24x128xi32>
      %swap3A_360 = arith.constant 0 : index
      %swap3A_361 = arith.constant 0 : index
      %swap3A_362 = vector.load %arg5[%swap3A_360, %swap3A_361] : memref<24x128xi32, #tpu.memory_space<vmem>>, vector<24x128xi32>
      tpu.vector_store %arg5[%swap3A_360, %swap3A_361], %add3A_359 {strides = array<i32>} : memref<24x128xi32, #tpu.memory_space<vmem>>, vector<24x128xi32>,
    } else {
    }
    return
  }
  func.func @transform_0(%arg0: i32, %arg1: i32, %arg2: i32) -> (i32, i32, i32) {
    %c0_i32 = arith.constant 0 : i32
    %c0_i32_0 = arith.constant 0 : i32
    %c0_i32_1 = arith.constant 0 : i32
    return %arg0, %c0_i32, %c0_i32_0 : i32, i32, i32
  }
  func.func @transform_1(%arg0: i32, %arg1: i32, %arg2: i32) -> (i32, i32, i32) {
    %c0_i32 = arith.constant 0 : i32
    %c0_i32_0 = arith.constant 0 : i32
    return %arg0, %c0_i32, %arg1 : i32, i32, i32
  }
  func.func @transform_2(%arg0: i32, %arg1: i32, %arg2: i32) -> (i32, i32) {
    %mul3A = arith.constant 8 : i32
    %mul3A_0 = arith.muli %arg0, %mul3A : i32
    %add3A = arith.addi %mul3A_0, %arg1 : i32
    %mul3A_1 = arith.constant 2 : i32
    %mul3A_2 = arith.muli %add3A, %mul3A_1 : i32
    %sub3A = arith.constant 1 : i32
    %sub3A_3 = arith.subi %arg2, %sub3A : i32
    %max3A = arith.constant 0 : i32
    %max3A_4 = arith.maxsi %sub3A_3, %max3A : i32
    %add3A_5 = arith.addi %mul3A_2, %max3A_4 : i32
    %c0_i32 = arith.constant 0 : i32
    %c0_i32_6 = arith.constant 0 : i32
    return %c0_i32, %add3A_5 : i32, i32
  }
}

module attributes {stable_mosaic.version = 14 : i64} {
  func.func @_pre_body(%arg0: i32, %arg1: memref<512x128xf32, #tpu.memory_space<vmem>>, %arg2: memref<512x16xf32, #tpu.memory_space<vmem>>, %arg3: memref<512x8xf32, #tpu.memory_space<vmem>>, %arg4: memref<128x128xf32, #tpu.memory_space<vmem>>, %arg5: memref<128x128xf32, #tpu.memory_space<vmem>>, %arg6: memref<8x128xf32, #tpu.memory_space<vmem>>, %arg7: memref<1x128xf32, #tpu.memory_space<vmem>>, %arg8: memref<512x128xf32, #tpu.memory_space<vmem>>, %arg9: memref<512x128xf32, #tpu.memory_space<vmem>>, %arg10: memref<512x384xf32, #tpu.memory_space<vmem>>) attributes {dimension_semantics = [#tpu.dimension_semantics<arbitrary>], iteration_bounds = array<i64: 16>, scalar_prefetch = 0 : i64, scratch_operands = 0 : i64, tpu.core_type = #tpu.core_type<tc>, window_params = [{transform_indices = @transform_0, window_bounds = array<i64: 512, 128>}, {transform_indices = @transform_1, window_bounds = array<i64: 512, 16>}, {transform_indices = @transform_2, window_bounds = array<i64: 512, 8>}, {pipeline_mode = #tpu.pipeline_mode<synchronous>, transform_indices = @transform_3, window_bounds = array<i64: 128, 128>}, {pipeline_mode = #tpu.pipeline_mode<synchronous>, transform_indices = @transform_4, window_bounds = array<i64: 128, 128>}, {pipeline_mode = #tpu.pipeline_mode<synchronous>, transform_indices = @transform_5, window_bounds = array<i64: 8, 128>}, {pipeline_mode = #tpu.pipeline_mode<synchronous>, transform_indices = @transform_6, window_bounds = array<i64: 1, 128>}, {transform_indices = @transform_7, window_bounds = array<i64: 512, 128>}, {transform_indices = @transform_8, window_bounds = array<i64: 512, 128>}, {transform_indices = @transform_9, window_bounds = array<i64: 512, 384>}]} {
    %get3A = arith.constant 0 : index
    %get3A_0 = arith.constant 0 : index
    %get3A_1 = vector.load %arg1[%get3A, %get3A_0] : memref<512x128xf32, #tpu.memory_space<vmem>>, vector<512x128xf32>
    %get3A_2 = arith.constant 0 : index
    %get3A_3 = arith.constant 0 : index
    %get3A_4 = vector.load %arg2[%get3A_2, %get3A_3] : memref<512x16xf32, #tpu.memory_space<vmem>>, vector<512x16xf32>
    %get3A_5 = arith.constant 0 : index
    %get3A_6 = arith.constant 0 : index
    %get3A_7 = vector.load %arg3[%get3A_5, %get3A_6] : memref<512x8xf32, #tpu.memory_space<vmem>>, vector<512x8xf32>
    %get3A_8 = arith.constant 0 : index
    %get3A_9 = arith.constant 0 : index
    %get3A_10 = vector.load %arg6[%get3A_8, %get3A_9] : memref<8x128xf32, #tpu.memory_space<vmem>>, vector<8x128xf32>
    %get3A_11 = arith.constant 0 : index
    %get3A_12 = arith.constant 0 : index
    %get3A_13 = vector.load %arg5[%get3A_11, %get3A_12] : memref<128x128xf32, #tpu.memory_space<vmem>>, vector<128x128xf32>
    %dot_general3A = arith.constant dense<0.000000e+00> : vector<512x128xf32>
    %dot_general3A_14 = tpu.matmul %get3A_1, %get3A_13, %dot_general3A {dimension_numbers = #tpu.dot_dimension_numbers<[1], [0], [0], [1], [0, 0, 1, 1], [], []>, transpose_lhs_hint = false} : vector<512x128xf32>, vector<128x128xf32>, vector<512x128xf32> -> vector<512x128xf32>
    %swap3A = arith.constant 0 : index
    %swap3A_15 = arith.constant 0 : index
    %swap3A_16 = vector.load %arg8[%swap3A, %swap3A_15] : memref<512x128xf32, #tpu.memory_space<vmem>>, vector<512x128xf32>
    tpu.vector_store %arg8[%swap3A, %swap3A_15], %dot_general3A_14 {strides = array<i32>} : memref<512x128xf32, #tpu.memory_space<vmem>>, vector<512x128xf32>,
    %get3A_17 = arith.constant 0 : index
    %get3A_18 = arith.constant 0 : index
    %get3A_19 = vector.load %arg4[%get3A_17, %get3A_18] : memref<128x128xf32, #tpu.memory_space<vmem>>, vector<128x128xf32>
    %dot_general3A_20 = arith.constant dense<0.000000e+00> : vector<512x128xf32>
    %dot_general3A_21 = tpu.matmul %get3A_1, %get3A_19, %dot_general3A_20 {dimension_numbers = #tpu.dot_dimension_numbers<[1], [0], [0], [1], [0, 0, 1, 1], [], []>, transpose_lhs_hint = false} : vector<512x128xf32>, vector<128x128xf32>, vector<512x128xf32> -> vector<512x128xf32>
    %broadcast_in_dim3A = arith.constant 0.000000e+00 : f32
    %broadcast_in_dim3A_22 = vector.broadcast %broadcast_in_dim3A : f32 to vector<512x128xf32>
    %slice3A = vector.extract_strided_slice %get3A_4 {offsets = [0, 0], sizes = [512, 1], strides = [1, 1]} : vector<512x16xf32> to vector<512x1xf32>
    %slice3A_23 = vector.extract_strided_slice %get3A_10 {offsets = [0, 0], sizes = [1, 128], strides = [1, 1]} : vector<8x128xf32> to vector<1x128xf32>
    %mul3A = vector.broadcast %slice3A : vector<512x1xf32> to vector<512x128xf32>
    %mul3A_24 = vector.broadcast %slice3A_23 : vector<1x128xf32> to vector<512x128xf32>
    %mul3A_25 = arith.mulf %mul3A, %mul3A_24 : vector<512x128xf32>
    %slice3A_26 = vector.extract_strided_slice %get3A_4 {offsets = [0, 1], sizes = [512, 1], strides = [1, 1]} : vector<512x16xf32> to vector<512x1xf32>
    %slice3A_27 = vector.extract_strided_slice %get3A_10 {offsets = [1, 0], sizes = [1, 128], strides = [1, 1]} : vector<8x128xf32> to vector<1x128xf32>
    %mul3A_28 = vector.broadcast %slice3A_26 : vector<512x1xf32> to vector<512x128xf32>
    %mul3A_29 = vector.broadcast %slice3A_27 : vector<1x128xf32> to vector<512x128xf32>
    %mul3A_30 = arith.mulf %mul3A_28, %mul3A_29 : vector<512x128xf32>
    %add3A = arith.addf %mul3A_25, %mul3A_30 : vector<512x128xf32>
    %slice3A_31 = vector.extract_strided_slice %get3A_4 {offsets = [0, 2], sizes = [512, 1], strides = [1, 1]} : vector<512x16xf32> to vector<512x1xf32>
    %slice3A_32 = vector.extract_strided_slice %get3A_10 {offsets = [2, 0], sizes = [1, 128], strides = [1, 1]} : vector<8x128xf32> to vector<1x128xf32>
    %mul3A_33 = vector.broadcast %slice3A_31 : vector<512x1xf32> to vector<512x128xf32>
    %mul3A_34 = vector.broadcast %slice3A_32 : vector<1x128xf32> to vector<512x128xf32>
    %mul3A_35 = arith.mulf %mul3A_33, %mul3A_34 : vector<512x128xf32>
    %add3A_36 = arith.addf %add3A, %mul3A_35 : vector<512x128xf32>
    %slice3A_37 = vector.extract_strided_slice %get3A_7 {offsets = [0, 0], sizes = [512, 1], strides = [1, 1]} : vector<512x8xf32> to vector<512x1xf32>
    %mul3A_38 = vector.broadcast %slice3A_37 : vector<512x1xf32> to vector<512x128xf32>
    %mul3A_39 = arith.mulf %mul3A_38, %add3A_36 : vector<512x128xf32>
    %add3A_40 = arith.addf %broadcast_in_dim3A_22, %mul3A_39 : vector<512x128xf32>
    %slice3A_41 = vector.extract_strided_slice %get3A_4 {offsets = [0, 3], sizes = [512, 1], strides = [1, 1]} : vector<512x16xf32> to vector<512x1xf32>
    %slice3A_42 = vector.extract_strided_slice %get3A_10 {offsets = [0, 0], sizes = [1, 128], strides = [1, 1]} : vector<8x128xf32> to vector<1x128xf32>
    %mul3A_43 = vector.broadcast %slice3A_41 : vector<512x1xf32> to vector<512x128xf32>
    %mul3A_44 = vector.broadcast %slice3A_42 : vector<1x128xf32> to vector<512x128xf32>
    %mul3A_45 = arith.mulf %mul3A_43, %mul3A_44 : vector<512x128xf32>
    %slice3A_46 = vector.extract_strided_slice %get3A_4 {offsets = [0, 4], sizes = [512, 1], strides = [1, 1]} : vector<512x16xf32> to vector<512x1xf32>
    %slice3A_47 = vector.extract_strided_slice %get3A_10 {offsets = [1, 0], sizes = [1, 128], strides = [1, 1]} : vector<8x128xf32> to vector<1x128xf32>
    %mul3A_48 = vector.broadcast %slice3A_46 : vector<512x1xf32> to vector<512x128xf32>
    %mul3A_49 = vector.broadcast %slice3A_47 : vector<1x128xf32> to vector<512x128xf32>
    %mul3A_50 = arith.mulf %mul3A_48, %mul3A_49 : vector<512x128xf32>
    %add3A_51 = arith.addf %mul3A_45, %mul3A_50 : vector<512x128xf32>
    %slice3A_52 = vector.extract_strided_slice %get3A_4 {offsets = [0, 5], sizes = [512, 1], strides = [1, 1]} : vector<512x16xf32> to vector<512x1xf32>
    %slice3A_53 = vector.extract_strided_slice %get3A_10 {offsets = [2, 0], sizes = [1, 128], strides = [1, 1]} : vector<8x128xf32> to vector<1x128xf32>
    %mul3A_54 = vector.broadcast %slice3A_52 : vector<512x1xf32> to vector<512x128xf32>
    %mul3A_55 = vector.broadcast %slice3A_53 : vector<1x128xf32> to vector<512x128xf32>
    %mul3A_56 = arith.mulf %mul3A_54, %mul3A_55 : vector<512x128xf32>
    %add3A_57 = arith.addf %add3A_51, %mul3A_56 : vector<512x128xf32>
    %slice3A_58 = vector.extract_strided_slice %get3A_7 {offsets = [0, 1], sizes = [512, 1], strides = [1, 1]} : vector<512x8xf32> to vector<512x1xf32>
    %mul3A_59 = vector.broadcast %slice3A_58 : vector<512x1xf32> to vector<512x128xf32>
    %mul3A_60 = arith.mulf %mul3A_59, %add3A_57 : vector<512x128xf32>
    %add3A_61 = arith.addf %add3A_40, %mul3A_60 : vector<512x128xf32>
    %slice3A_62 = vector.extract_strided_slice %get3A_4 {offsets = [0, 6], sizes = [512, 1], strides = [1, 1]} : vector<512x16xf32> to vector<512x1xf32>
    %slice3A_63 = vector.extract_strided_slice %get3A_10 {offsets = [0, 0], sizes = [1, 128], strides = [1, 1]} : vector<8x128xf32> to vector<1x128xf32>
    %mul3A_64 = vector.broadcast %slice3A_62 : vector<512x1xf32> to vector<512x128xf32>
    %mul3A_65 = vector.broadcast %slice3A_63 : vector<1x128xf32> to vector<512x128xf32>
    %mul3A_66 = arith.mulf %mul3A_64, %mul3A_65 : vector<512x128xf32>
    %slice3A_67 = vector.extract_strided_slice %get3A_4 {offsets = [0, 7], sizes = [512, 1], strides = [1, 1]} : vector<512x16xf32> to vector<512x1xf32>
    %slice3A_68 = vector.extract_strided_slice %get3A_10 {offsets = [1, 0], sizes = [1, 128], strides = [1, 1]} : vector<8x128xf32> to vector<1x128xf32>
    %mul3A_69 = vector.broadcast %slice3A_67 : vector<512x1xf32> to vector<512x128xf32>
    %mul3A_70 = vector.broadcast %slice3A_68 : vector<1x128xf32> to vector<512x128xf32>
    %mul3A_71 = arith.mulf %mul3A_69, %mul3A_70 : vector<512x128xf32>
    %add3A_72 = arith.addf %mul3A_66, %mul3A_71 : vector<512x128xf32>
    %slice3A_73 = vector.extract_strided_slice %get3A_4 {offsets = [0, 8], sizes = [512, 1], strides = [1, 1]} : vector<512x16xf32> to vector<512x1xf32>
    %slice3A_74 = vector.extract_strided_slice %get3A_10 {offsets = [2, 0], sizes = [1, 128], strides = [1, 1]} : vector<8x128xf32> to vector<1x128xf32>
    %mul3A_75 = vector.broadcast %slice3A_73 : vector<512x1xf32> to vector<512x128xf32>
    %mul3A_76 = vector.broadcast %slice3A_74 : vector<1x128xf32> to vector<512x128xf32>
    %mul3A_77 = arith.mulf %mul3A_75, %mul3A_76 : vector<512x128xf32>
    %add3A_78 = arith.addf %add3A_72, %mul3A_77 : vector<512x128xf32>
    %slice3A_79 = vector.extract_strided_slice %get3A_7 {offsets = [0, 2], sizes = [512, 1], strides = [1, 1]} : vector<512x8xf32> to vector<512x1xf32>
    %mul3A_80 = vector.broadcast %slice3A_79 : vector<512x1xf32> to vector<512x128xf32>
    %mul3A_81 = arith.mulf %mul3A_80, %add3A_78 : vector<512x128xf32>
    %add3A_82 = arith.addf %add3A_61, %mul3A_81 : vector<512x128xf32>
    %concatenate3A = tpu.concatenate %add3A_36, %add3A_57, %add3A_78 in 1 : vector<512x128xf32>, vector<512x128xf32>, vector<512x128xf32> -> vector<512x384xf32>
    %swap3A_83 = arith.constant 0 : index
    %swap3A_84 = arith.constant 0 : index
    %swap3A_85 = vector.load %arg10[%swap3A_83, %swap3A_84] : memref<512x384xf32, #tpu.memory_space<vmem>>, vector<512x384xf32>
    tpu.vector_store %arg10[%swap3A_83, %swap3A_84], %concatenate3A {strides = array<i32>} : memref<512x384xf32, #tpu.memory_space<vmem>>, vector<512x384xf32>,
    %get3A_86 = arith.constant 0 : index
    %get3A_87 = arith.constant 0 : index
    %get3A_88 = vector.load %arg7[%get3A_86, %get3A_87] : memref<1x128xf32, #tpu.memory_space<vmem>>, vector<1x128xf32>
    %add3A_89 = vector.broadcast %get3A_88 : vector<1x128xf32> to vector<512x128xf32>
    %add3A_90 = arith.addf %dot_general3A_21, %add3A_89 : vector<512x128xf32>
    %sub3A = arith.subf %add3A_90, %add3A_82 : vector<512x128xf32>
    %swap3A_91 = arith.constant 0 : index
    %swap3A_92 = arith.constant 0 : index
    %swap3A_93 = vector.load %arg9[%swap3A_91, %swap3A_92] : memref<512x128xf32, #tpu.memory_space<vmem>>, vector<512x128xf32>
    tpu.vector_store %arg9[%swap3A_91, %swap3A_92], %sub3A {strides = array<i32>} : memref<512x128xf32, #tpu.memory_space<vmem>>, vector<512x128xf32>,
    return
  }
  func.func @transform_0(%arg0: i32) -> (i32, i32) {
    %c0_i32 = arith.constant 0 : i32
    %c0_i32_0 = arith.constant 0 : i32
    return %arg0, %c0_i32 : i32, i32
  }
  func.func @transform_1(%arg0: i32) -> (i32, i32) {
    %c0_i32 = arith.constant 0 : i32
    %c0_i32_0 = arith.constant 0 : i32
    return %arg0, %c0_i32 : i32, i32
  }
  func.func @transform_2(%arg0: i32) -> (i32, i32) {
    %c0_i32 = arith.constant 0 : i32
    %c0_i32_0 = arith.constant 0 : i32
    return %arg0, %c0_i32 : i32, i32
  }
  func.func @transform_3(%arg0: i32) -> (i32, i32) {
    %c0_i32 = arith.constant 0 : i32
    %c0_i32_0 = arith.constant 0 : i32
    %c0_i32_1 = arith.constant 0 : i32
    return %c0_i32, %c0_i32_0 : i32, i32
  }
  func.func @transform_4(%arg0: i32) -> (i32, i32) {
    %c0_i32 = arith.constant 0 : i32
    %c0_i32_0 = arith.constant 0 : i32
    %c0_i32_1 = arith.constant 0 : i32
    return %c0_i32, %c0_i32_0 : i32, i32
  }
  func.func @transform_5(%arg0: i32) -> (i32, i32) {
    %c0_i32 = arith.constant 0 : i32
    %c0_i32_0 = arith.constant 0 : i32
    %c0_i32_1 = arith.constant 0 : i32
    return %c0_i32, %c0_i32_0 : i32, i32
  }
  func.func @transform_6(%arg0: i32) -> (i32, i32) {
    %c0_i32 = arith.constant 0 : i32
    %c0_i32_0 = arith.constant 0 : i32
    %c0_i32_1 = arith.constant 0 : i32
    return %c0_i32, %c0_i32_0 : i32, i32
  }
  func.func @transform_7(%arg0: i32) -> (i32, i32) {
    %c0_i32 = arith.constant 0 : i32
    %c0_i32_0 = arith.constant 0 : i32
    return %arg0, %c0_i32 : i32, i32
  }
  func.func @transform_8(%arg0: i32) -> (i32, i32) {
    %c0_i32 = arith.constant 0 : i32
    %c0_i32_0 = arith.constant 0 : i32
    return %arg0, %c0_i32 : i32, i32
  }
  func.func @transform_9(%arg0: i32) -> (i32, i32) {
    %c0_i32 = arith.constant 0 : i32
    %c0_i32_0 = arith.constant 0 : i32
    return %arg0, %c0_i32 : i32, i32
  }
}

module attributes {stable_mosaic.version = 14 : i64} {
  func.func @_mlp_body(%arg0: i32, %arg1: memref<3072x128xf32, #tpu.memory_space<vmem>>, %arg2: memref<128x24xf32, #tpu.memory_space<vmem>>, %arg3: memref<128x24xf32, #tpu.memory_space<vmem>>, %arg4: memref<128x24xf32, #tpu.memory_space<vmem>>, %arg5: memref<128x128xf32, #tpu.memory_space<vmem>>, %arg6: memref<128x384xf32, #tpu.memory_space<vmem>>, %arg7: memref<128x128xf32, #tpu.memory_space<vmem>>, %arg8: memref<1x128xf32, #tpu.memory_space<vmem>>, %arg9: memref<128x128xf32, #tpu.memory_space<vmem>>, %arg10: memref<1x128xf32, #tpu.memory_space<vmem>>, %arg11: memref<128x128xf32, #tpu.memory_space<vmem>>) attributes {dimension_semantics = [#tpu.dimension_semantics<arbitrary>], iteration_bounds = array<i64: 64>, scalar_prefetch = 0 : i64, scratch_operands = 0 : i64, tpu.core_type = #tpu.core_type<tc>, window_params = [{transform_indices = @transform_0, window_bounds = array<i64: 3072, 128>}, {transform_indices = @transform_1, window_bounds = array<i64: 128, 24>}, {transform_indices = @transform_2, window_bounds = array<i64: 128, 24>}, {transform_indices = @transform_3, window_bounds = array<i64: 128, 24>}, {transform_indices = @transform_4, window_bounds = array<i64: 128, 128>}, {transform_indices = @transform_5, window_bounds = array<i64: 128, 384>}, {pipeline_mode = #tpu.pipeline_mode<synchronous>, transform_indices = @transform_6, window_bounds = array<i64: 128, 128>}, {pipeline_mode = #tpu.pipeline_mode<synchronous>, transform_indices = @transform_7, window_bounds = array<i64: 1, 128>}, {pipeline_mode = #tpu.pipeline_mode<synchronous>, transform_indices = @transform_8, window_bounds = array<i64: 128, 128>}, {pipeline_mode = #tpu.pipeline_mode<synchronous>, transform_indices = @transform_9, window_bounds = array<i64: 1, 128>}, {transform_indices = @transform_10, window_bounds = array<i64: 128, 128>}]} {
    %get3A = arith.constant 0 : index
    %get3A_0 = arith.constant 0 : index
    %get3A_1 = vector.load %arg1[%get3A, %get3A_0] : memref<3072x128xf32, #tpu.memory_space<vmem>>, vector<3072x128xf32>
    %get3A_2 = arith.constant 0 : index
    %get3A_3 = arith.constant 0 : index
    %get3A_4 = vector.load %arg5[%get3A_2, %get3A_3] : memref<128x128xf32, #tpu.memory_space<vmem>>, vector<128x128xf32>
    %get3A_5 = arith.constant 0 : index
    %get3A_6 = arith.constant 0 : index
    %get3A_7 = vector.load %arg6[%get3A_5, %get3A_6] : memref<128x384xf32, #tpu.memory_space<vmem>>, vector<128x384xf32>
    %reshape3A = vector.shape_cast %get3A_1 : vector<3072x128xf32> to vector<128x24x128xf32>
    %broadcast_in_dim3A = vector.shape_cast %get3A_4 : vector<128x128xf32> to vector<128x1x128xf32>
    %add3A = vector.broadcast %broadcast_in_dim3A : vector<128x1x128xf32> to vector<128x24x128xf32>
    %add3A_8 = arith.addf %reshape3A, %add3A : vector<128x24x128xf32>
    %get3A_9 = arith.constant 0 : index
    %get3A_10 = arith.constant 0 : index
    %get3A_11 = vector.load %arg2[%get3A_9, %get3A_10] : memref<128x24xf32, #tpu.memory_space<vmem>>, vector<128x24xf32>
    %broadcast_in_dim3A_12 = vector.shape_cast %get3A_11 : vector<128x24xf32> to vector<128x24x1xf32>
    %slice3A = vector.extract_strided_slice %get3A_7 {offsets = [0, 0], sizes = [128, 128], strides = [1, 1]} : vector<128x384xf32> to vector<128x128xf32>
    %broadcast_in_dim3A_13 = vector.shape_cast %slice3A : vector<128x128xf32> to vector<128x1x128xf32>
    %mul3A = vector.broadcast %broadcast_in_dim3A_12 : vector<128x24x1xf32> to vector<128x24x128xf32>
    %mul3A_14 = vector.broadcast %broadcast_in_dim3A_13 : vector<128x1x128xf32> to vector<128x24x128xf32>
    %mul3A_15 = arith.mulf %mul3A, %mul3A_14 : vector<128x24x128xf32>
    %add3A_16 = arith.addf %add3A_8, %mul3A_15 : vector<128x24x128xf32>
    %get3A_17 = arith.constant 0 : index
    %get3A_18 = arith.constant 0 : index
    %get3A_19 = vector.load %arg3[%get3A_17, %get3A_18] : memref<128x24xf32, #tpu.memory_space<vmem>>, vector<128x24xf32>
    %broadcast_in_dim3A_20 = vector.shape_cast %get3A_19 : vector<128x24xf32> to vector<128x24x1xf32>
    %slice3A_21 = vector.extract_strided_slice %get3A_7 {offsets = [0, 128], sizes = [128, 128], strides = [1, 1]} : vector<128x384xf32> to vector<128x128xf32>
    %broadcast_in_dim3A_22 = vector.shape_cast %slice3A_21 : vector<128x128xf32> to vector<128x1x128xf32>
    %mul3A_23 = vector.broadcast %broadcast_in_dim3A_20 : vector<128x24x1xf32> to vector<128x24x128xf32>
    %mul3A_24 = vector.broadcast %broadcast_in_dim3A_22 : vector<128x1x128xf32> to vector<128x24x128xf32>
    %mul3A_25 = arith.mulf %mul3A_23, %mul3A_24 : vector<128x24x128xf32>
    %add3A_26 = arith.addf %add3A_16, %mul3A_25 : vector<128x24x128xf32>
    %get3A_27 = arith.constant 0 : index
    %get3A_28 = arith.constant 0 : index
    %get3A_29 = vector.load %arg4[%get3A_27, %get3A_28] : memref<128x24xf32, #tpu.memory_space<vmem>>, vector<128x24xf32>
    %broadcast_in_dim3A_30 = vector.shape_cast %get3A_29 : vector<128x24xf32> to vector<128x24x1xf32>
    %slice3A_31 = vector.extract_strided_slice %get3A_7 {offsets = [0, 256], sizes = [128, 128], strides = [1, 1]} : vector<128x384xf32> to vector<128x128xf32>
    %broadcast_in_dim3A_32 = vector.shape_cast %slice3A_31 : vector<128x128xf32> to vector<128x1x128xf32>
    %mul3A_33 = vector.broadcast %broadcast_in_dim3A_30 : vector<128x24x1xf32> to vector<128x24x128xf32>
    %mul3A_34 = vector.broadcast %broadcast_in_dim3A_32 : vector<128x1x128xf32> to vector<128x24x128xf32>
    %mul3A_35 = arith.mulf %mul3A_33, %mul3A_34 : vector<128x24x128xf32>
    %add3A_36 = arith.addf %add3A_26, %mul3A_35 : vector<128x24x128xf32>
    %gt3A = arith.constant 0.000000e+00 : f32
    %gt3A_37 = vector.broadcast %gt3A : f32 to vector<128x24x128xf32>
    %gt3A_38 = arith.cmpf ogt, %add3A_36, %gt3A_37 : vector<128x24x128xf32>
    %mul3A_39 = arith.constant 1.000000e-01 : f32
    %mul3A_40 = vector.broadcast %mul3A_39 : f32 to vector<128x24x128xf32>
    %mul3A_41 = arith.mulf %mul3A_40, %add3A_36 : vector<128x24x128xf32>
    %select_n3A = arith.select %gt3A_38, %add3A_36, %mul3A_41 : vector<128x24x128xi1>, vector<128x24x128xf32>
    %reshape3A_42 = vector.shape_cast %select_n3A : vector<128x24x128xf32> to vector<3072x128xf32>
    %get3A_43 = arith.constant 0 : index
    %get3A_44 = arith.constant 0 : index
    %get3A_45 = vector.load %arg7[%get3A_43, %get3A_44] : memref<128x128xf32, #tpu.memory_space<vmem>>, vector<128x128xf32>
    %dot_general3A = arith.constant dense<0.000000e+00> : vector<3072x128xf32>
    %dot_general3A_46 = tpu.matmul %reshape3A_42, %get3A_45, %dot_general3A {dimension_numbers = #tpu.dot_dimension_numbers<[1], [0], [0], [1], [0, 0, 1, 1], [], []>, transpose_lhs_hint = false} : vector<3072x128xf32>, vector<128x128xf32>, vector<3072x128xf32> -> vector<3072x128xf32>
    %get3A_47 = arith.constant 0 : index
    %get3A_48 = arith.constant 0 : index
    %get3A_49 = vector.load %arg8[%get3A_47, %get3A_48] : memref<1x128xf32, #tpu.memory_space<vmem>>, vector<1x128xf32>
    %add3A_50 = vector.broadcast %get3A_49 : vector<1x128xf32> to vector<3072x128xf32>
    %add3A_51 = arith.addf %dot_general3A_46, %add3A_50 : vector<3072x128xf32>
    %gt3A_52 = arith.constant 0.000000e+00 : f32
    %gt3A_53 = vector.broadcast %gt3A_52 : f32 to vector<3072x128xf32>
    %gt3A_54 = arith.cmpf ogt, %add3A_51, %gt3A_53 : vector<3072x128xf32>
    %mul3A_55 = arith.constant 1.000000e-01 : f32
    %mul3A_56 = vector.broadcast %mul3A_55 : f32 to vector<3072x128xf32>
    %mul3A_57 = arith.mulf %mul3A_56, %add3A_51 : vector<3072x128xf32>
    %select_n3A_58 = arith.select %gt3A_54, %add3A_51, %mul3A_57 : vector<3072x128xi1>, vector<3072x128xf32>
    %get3A_59 = arith.constant 0 : index
    %get3A_60 = arith.constant 0 : index
    %get3A_61 = vector.load %arg9[%get3A_59, %get3A_60] : memref<128x128xf32, #tpu.memory_space<vmem>>, vector<128x128xf32>
    %dot_general3A_62 = arith.constant dense<0.000000e+00> : vector<3072x128xf32>
    %dot_general3A_63 = tpu.matmul %select_n3A_58, %get3A_61, %dot_general3A_62 {dimension_numbers = #tpu.dot_dimension_numbers<[1], [0], [0], [1], [0, 0, 1, 1], [], []>, transpose_lhs_hint = false} : vector<3072x128xf32>, vector<128x128xf32>, vector<3072x128xf32> -> vector<3072x128xf32>
    %get3A_64 = arith.constant 0 : index
    %get3A_65 = arith.constant 0 : index
    %get3A_66 = vector.load %arg10[%get3A_64, %get3A_65] : memref<1x128xf32, #tpu.memory_space<vmem>>, vector<1x128xf32>
    %add3A_67 = vector.broadcast %get3A_66 : vector<1x128xf32> to vector<3072x128xf32>
    %add3A_68 = arith.addf %dot_general3A_63, %add3A_67 : vector<3072x128xf32>
    %reshape3A_69 = vector.shape_cast %add3A_68 : vector<3072x128xf32> to vector<128x24x128xf32>
    %reduce_max3A = arith.constant dense<0xFF800000> : vector<128x128xf32>
    %reduce_max3A_70 = vector.multi_reduction <maximumf>, %reshape3A_69, %reduce_max3A [1] : vector<128x24x128xf32> to vector<128x128xf32>
    %swap3A = arith.constant 0 : index
    %swap3A_71 = arith.constant 0 : index
    %swap3A_72 = vector.load %arg11[%swap3A, %swap3A_71] : memref<128x128xf32, #tpu.memory_space<vmem>>, vector<128x128xf32>
    tpu.vector_store %arg11[%swap3A, %swap3A_71], %reduce_max3A_70 {strides = array<i32>} : memref<128x128xf32, #tpu.memory_space<vmem>>, vector<128x128xf32>,
    return
  }
  func.func @transform_0(%arg0: i32) -> (i32, i32) {
    %c0_i32 = arith.constant 0 : i32
    %c0_i32_0 = arith.constant 0 : i32
    return %arg0, %c0_i32 : i32, i32
  }
  func.func @transform_1(%arg0: i32) -> (i32, i32) {
    %c0_i32 = arith.constant 0 : i32
    %c0_i32_0 = arith.constant 0 : i32
    return %arg0, %c0_i32 : i32, i32
  }
  func.func @transform_2(%arg0: i32) -> (i32, i32) {
    %c0_i32 = arith.constant 0 : i32
    %c0_i32_0 = arith.constant 0 : i32
    return %arg0, %c0_i32 : i32, i32
  }
  func.func @transform_3(%arg0: i32) -> (i32, i32) {
    %c0_i32 = arith.constant 0 : i32
    %c0_i32_0 = arith.constant 0 : i32
    return %arg0, %c0_i32 : i32, i32
  }
  func.func @transform_4(%arg0: i32) -> (i32, i32) {
    %c0_i32 = arith.constant 0 : i32
    %c0_i32_0 = arith.constant 0 : i32
    return %arg0, %c0_i32 : i32, i32
  }
  func.func @transform_5(%arg0: i32) -> (i32, i32) {
    %c0_i32 = arith.constant 0 : i32
    %c0_i32_0 = arith.constant 0 : i32
    return %arg0, %c0_i32 : i32, i32
  }
  func.func @transform_6(%arg0: i32) -> (i32, i32) {
    %c0_i32 = arith.constant 0 : i32
    %c0_i32_0 = arith.constant 0 : i32
    %c0_i32_1 = arith.constant 0 : i32
    return %c0_i32, %c0_i32_0 : i32, i32
  }
  func.func @transform_7(%arg0: i32) -> (i32, i32) {
    %c0_i32 = arith.constant 0 : i32
    %c0_i32_0 = arith.constant 0 : i32
    %c0_i32_1 = arith.constant 0 : i32
    return %c0_i32, %c0_i32_0 : i32, i32
  }
  func.func @transform_8(%arg0: i32) -> (i32, i32) {
    %c0_i32 = arith.constant 0 : i32
    %c0_i32_0 = arith.constant 0 : i32
    %c0_i32_1 = arith.constant 0 : i32
    return %c0_i32, %c0_i32_0 : i32, i32
  }
  func.func @transform_9(%arg0: i32) -> (i32, i32) {
    %c0_i32 = arith.constant 0 : i32
    %c0_i32_0 = arith.constant 0 : i32
    %c0_i32_1 = arith.constant 0 : i32
    return %c0_i32, %c0_i32_0 : i32, i32
  }
  func.func @transform_10(%arg0: i32) -> (i32, i32) {
    %c0_i32 = arith.constant 0 : i32
    %c0_i32_0 = arith.constant 0 : i32
    return %arg0, %c0_i32 : i32, i32
  }
}

</mosaic_0001>

<sc_bundles>
// kernel: kernel.6.cloned.1.call-start
scs
__scs_entry_jumppad:
0x0: {  	(pc) =	sbr.rel $0x88, $3  }
0x1: {  	(tag) =	ssettag $0x0;
	lr =	simm.s32 $0x1  }
0x2: {  	[smem:$0x3F98] =	sst lr;
	_ =	strace $0xD0000000  }
0x3: {  	_ = 	snop  }
0x4: {  	_ = 	snop  }
0x5: {  	_ = 	snop  }
0x6: {  	_ = 	snop  }
0x7: {  	_ = 	snop  }
__scs_overlays_trampoline_lowered:
0x8: {  	[smem:$0x3FA7] =	sst s0  }
0x9: {  	[smem:$0x3FA8] =	sst s1  }
0xa: {  	[smem:$0x3FA9] =	sst s2  }
0xb: {  	[smem:$0x3FAA] =	sst s3  }
0xc: {  	[smem:$0x3FAB] =	sst s4  }
0xd: {  	[smem:$0x3FAC] =	sst s5  }
0xe: {  	[smem:$0x3FAD] =	sst s6  }
0xf: {  	[smem:$0x3FAE] =	sst s7  }
0x10: {  	[smem:$0x3FAF] =	sst s8  }
0x11: {  	[smem:$0x3FB0] =	sst s9;
	s0 =	simm.s32 @!p0 $0x0  }
0x12: {  	s1 =	sld [smem:$0x3F96];
	s0 =	simm.s32 @p0 $0x1  }
0x13: {  	[smem:$0x3FB1] =	sst s0;
	s0 =	simm.s32 @!p1 $0x0  }
0x14: {  	s2 =	sld [smem:$0x3F95];
	s0 =	simm.s32 @p1 $0x1  }
0x15: {  	[smem:$0x3FB2] =	sst s0;
	s0 =	simm.s32 @!p2 $0x0  }
0x16: {  	s3 =	sld [smem:$0x3FDB];
	s0 =	simm.s32 @p2 $0x1  }
0x17: {  	s4 =	simm.s32 $0x1BF5;
	[smem:$0x3FB4] =	sst s0  }
0x18: {  	s0 =	sld [smem:$0x3F97];
	_ =	swait.ge [sflag:s4], $0x0  }
0x19: {  	s7 =	sld [smem:$0x3F98]  }
0x1a: {  	s8 =	sadd.s32 $0xFFFFE003, lr  }
0x1b: {  	s9 =	sadd.s32 $0xFFFFFEF7, lr;
	s5 =	simm.s32 $0xFFFFFFFF;
	p2 =	slt.u32 s8, $0xFFFFF086  }
0x1c: {  	p1 =	slt.u32 s9, $0xF7A;
	s5 =	simm.s32 @!p2 $0x0  }
0x1d: {  	s5 =	simm.s32 @p1 $0x1;
	p0 =	seq.s32 s7, s2  }
0x1e: {  	s7 =	smul.u32 @!p0 $0xF7A, s2;
	p2 =	seq.s32 @!p0 s5, $0x0  }
0x1f: {  	s9 =	smul.u32 $0xF7A, s1;
	s8 =	simm.s32 @!p0 $0x1BF5;
	p2 =	por !p2, p0  }
0x20: {  	[sflag:s8] =	ssyncset.s32 @!p0 $0xFFFFF086;
	s6 =	sadd.s32 @!p0 s3, s7;
	s7 =	simm.s32 @!p0 $0x108  }
0x21: {  	s3 =	sadd.s32 s3, s9;
	s6 =	sadd.s32 @!p0 $0x88, s6;
	s7 =	simm.s32 @p2 $0x1082  }
0x22: {  	[simem:s7], [sflag:s8] =	dma.local @!p0 [hbm:s6], $0xF7A  }
0x23: {  	s9 =	sor.u32 $0xD0000000, s2;
	s6 =	simm.s32 $0x108;
	_ =	swait.ge @!p0 [sflag:s8], $0x0  }
0x24: {  	s3 =	sadd.s32 $0x88, s3;
	s6 =	simm.s32 @!p1 $0x1082;
	[sflag:s4] =	ssyncset.s32 $0xFFFFF086  }
0x25: {  	[simem:s6], [sflag:s4] =	dma.local [hbm:s3], $0xF7A  }
0x26: {  	[smem:$0x3F98] =	sst s1;
	(tag) =	ssettag s2;
	_ =	strace s9  }
0x27: {  	s1 =	sld [smem:$0x3FA8]  }
0x28: {  	s2 =	sld [smem:$0x3FA9]  }
0x29: {  	s4 =	sld [smem:$0x3FAB]  }
0x2a: {  	p0 =	seq.s32 s5, $0x0;
	s5 =	sld [smem:$0x3FAC]  }
0x2b: {  	s6 =	sld [smem:$0x3FAD]  }
0x2c: {  	s7 =	sld [smem:$0x3FAE]  }
0x2d: {  	s3 =	simm.s32 $0x108;
	s8 =	sld [smem:$0x3FAF]  }
0x2e: {  	s3 =	simm.s32 @!p0 $0x1082;
	s9 =	sld [smem:$0x3FB0]  }
0x2f: {  	lr =	sadd.s32 s0, s3;
	s0 =	sld [smem:$0x3FA7]  }
0x30: {  	s3 =	sld [smem:$0x3FAA]  }
0x31: {  	[smem:$0x3FB3] =	sst s10  }
0x32: {  	s10 =	sld [smem:$0x3FB1];
	_ =	sdelay $0x3  }
0x33: {  	p0 =	seq.s32 s10, $0x1;
	s10 =	sld [smem:$0x3FB3];
	_ =	sdelay $0x3  }
0x34: {  	[smem:$0x3FB3] =	sst s10  }
0x35: {  	s10 =	sld [smem:$0x3FB2];
	_ =	sdelay $0x3  }
0x36: {  	p1 =	seq.s32 s10, $0x1;
	s10 =	sld [smem:$0x3FB3];
	_ =	sdelay $0x3  }
0x37: {  	[smem:$0x3FB3] =	sst s10  }
0x38: {  	s10 =	sld [smem:$0x3FB4]  }
0x39: {  	_ = 	snop;
	(pc) =	sbr.ind lr, $3  }
0x3a: {  	_ = 	snop  }
0x3b: {  	_ = 	snop  }
0x3c: {  	p2 =	seq.s32 s10, $0x1;
	s10 =	sld [smem:$0x3FB3]  }
0x3d: {  	_ =	shalt  }
0x3e: {  	_ =	shalt  }
0x3f: {  	_ =	shalt  }
0x40: {  	_ =	shalt  }
0x41: {  	_ =	shalt  }
0x42: {  	_ =	shalt  }
0x43: {  	_ =	shalt  }
0x44: {  	_ =	shalt  }
0x45: {  	_ =	shalt  }
0x46: {  	_ =	shalt  }
0x47: {  	_ =	shalt  }
0x48: {  	_ =	shalt  }
0x49: {  	_ =	shalt  }
0x4a: {  	_ =	shalt  }
0x4b: {  	_ =	shalt  }
0x4c: {  	_ =	shalt  }
0x4d: {  	_ =	shalt  }
0x4e: {  	_ =	shalt  }
0x4f: {  	_ =	shalt  }
0x50: {  	_ =	shalt  }
0x51: {  	_ =	shalt  }
0x52: {  	_ =	shalt  }
0x53: {  	_ =	shalt  }
0x54: {  	_ =	shalt  }
0x55: {  	_ =	shalt  }
0x56: {  	_ =	shalt  }
0x57: {  	_ =	shalt  }
0x58: {  	_ =	shalt  }
0x59: {  	_ =	shalt  }
0x5a: {  	_ =	shalt  }
0x5b: {  	_ =	shalt  }
0x5c: {  	_ =	shalt  }
0x5d: {  	_ =	shalt  }
0x5e: {  	_ =	shalt  }
0x5f: {  	_ =	shalt  }
0x60: {  	_ =	shalt  }
0x61: {  	_ =	shalt  }
0x62: {  	_ =	shalt  }
0x63: {  	_ =	shalt  }
0x64: {  	_ =	shalt  }
0x65: {  	_ =	shalt  }
0x66: {  	_ =	shalt  }
0x67: {  	_ =	shalt  }
0x68: {  	_ =	shalt  }
0x69: {  	_ =	shalt  }
0x6a: {  	_ =	shalt  }
0x6b: {  	_ =	shalt  }
0x6c: {  	_ =	shalt  }
0x6d: {  	_ =	shalt  }
0x6e: {  	_ =	shalt  }
0x6f: {  	_ =	shalt  }
0x70: {  	_ =	shalt  }
0x71: {  	_ =	shalt  }
0x72: {  	_ =	shalt  }
0x73: {  	_ =	shalt  }
0x74: {  	_ =	shalt  }
0x75: {  	_ =	shalt  }
0x76: {  	_ =	shalt  }
0x77: {  	_ =	shalt  }
0x78: {  	_ =	shalt  }
0x79: {  	_ =	shalt  }
0x7a: {  	_ =	shalt  }
0x7b: {  	_ =	shalt  }
0x7c: {  	_ =	shalt  }
0x7d: {  	_ =	shalt  }
0x7e: {  	_ =	shalt  }
0x7f: {  	_ =	shalt  }
0x80: {  	_ =	shalt  }
0x81: {  	_ =	shalt  }
0x82: {  	_ =	shalt  }
0x83: {  	_ =	shalt  }
0x84: {  	_ =	shalt  }
0x85: {  	_ =	shalt  }
0x86: {  	_ =	shalt  }
0x87: {  	_ =	shalt  }
.Lfunc_end0:
.L_simem_size_0:
called_computation_lowered:
.L_overlay_start_0:
0x88: {  	s2 =	sld [smem:$0x3FD9]  }
0x89: {  	s3 =	sld [smem:$0x3FFE];
	_ =	sdelay $0x1  }
0x8a: {  	s1 =	srdreg.scid  }
0x8b: {  	s0 =	sand.u32 $0x1, s1  }
0x8c: {  	s17 =	sshll.u32 s0, $0xA;
	s2 =	sadd.s32 s3, s2  }
0x8d: {  	s2 =	sadd.s32 s2, s17  }
0x8e: {  	[smem:$0x3FBF] =	sst s2  }
0x8f: {  	_ = 	snop  }
0x90: {  	s2 =	sld [smem:$0x3FD0];
	(tm) =	ssettm $0x1  }
0x91: {  	s18 =	sld [smem:$0x3FFB];
	_ =	sdelay $0x3  }
0x92: {  	_ =	strace s18  }
0x93: {  	s3 =	sld [smem:$0x3FFC];
	_ =	sdelay $0x3  }
0x94: {  	_ =	strace s3  }
0x95: {  	s3 =	sld [smem:$0x3FFD];
	_ =	sdelay $0x3  }
0x96: {  	_ =	strace s3  }
0x97: {  	_ =	strace $0x8FFFFFFF  }
0x98: {  	s19 =	sld [smem:$0x3FDB];
	_ =	sdelay $0x1  }
0x99: {  	s4 =	simm.s32 $_scs_section_size  }
0x9a: {  	s5 =	simm.s32 $_size__tile_overlayer_lowered;
	s6 =	simm.s32 $_tile_overlayer_lowered  }
0x9b: {  	s22 =	simm.s32 $0x1BFF;
	s21 =	sshll.u32 s6, $0x1;
	s3 =	sadd.s32 s4, s19  }
0x9c: {  	s7 =	simm.s32 $0x0;
	s20 =	sshll.u32 s5, $0x1;
	s5 =	sadd.s32 s21, s3  }
0x9d: {  	[timem:s7], [sflag:s22] =	dma.local [hbm:s5], s20  }
0x9e: {  	_ =	swait.ge [sflag:s22], s20  }
0x9f: {  	s4 =	ssub.s32 $0x0, s20;
	[sflag:s22] =	ssyncset.done $0x0  }
0xa0: {  	[sflag:s22] =	ssyncadd.s32 s4;
	_ =	sdelay $0x1  }
0xa1: {  	s23 =	simm.s32 $0x1B8B  }
0xa2: {  	_ =	swait.ge [sflag:s23], $0x1  }
0xa3: {  	[sflag:s23] =	ssyncset.done $0x0  }
0xa4: {  	s25 =	simm.s32 $0x1B8E;
	s24 =	sld [smem:$0x3FFE];
	[sflag:s23] =	ssyncadd.s32 $0xFFFFFFFF  }
0xa5: {  	s26 =	simm.s32 $execute0_lowered;
	[smem:$0x3FD2] =	sst s25  }
0xa6: {  	s5 =	sshll.u32 s26, $0x1;
	_ =	strace $0x80000046;
	[dreg:$0x1] =	wrdreg $0xFFFFFFFF  }
0xa7: {  	s28 =	simm.s32 $_size_execute0_lowered;
	s3 =	sadd.s32 s3, s5;
	[dreg:$0x0] =	wrdreg $0x0  }
0xa8: {  	s5 =	sshll.u32 s28, $0x1;
	[dreg:$0x2] =	wrdreg s3  }
0xa9: {  	[dreg:$0x3] =	wrdreg s5  }
0xaa: {  	[dreg:$0x4] =	wrdreg $0xC0  }
0xab: {  	_ =	task [dreg:s7], $0x5FFFF  }
0xac: {  	[dreg:$0x1] =	wrdreg $0xFFFFFFFF  }
0xad: {  	[dreg:$0x0] =	wrdreg $0x60  }
0xae: {  	[dreg:$0x2] =	wrdreg s2  }
0xaf: {  	[dreg:$0x3] =	wrdreg s24  }
0xb0: {  	[dreg:$0x4] =	wrdreg $0x9  }
0xb1: {  	_ =	task.clear_ibuf [dreg:s7], $0x5FFFF;
	_ =	strace $0x90000046  }
0xb2: {  	s29 =	simm.s32 $0x9;
	_ =	strace $0x80000048  }
0xb3: {  	_ =	swait.ge [sflag:s29], $0x1  }
0xb4: {  	[sflag:s29] =	ssyncadd.s32 $0xFFFFFFFF  }
0xb5: {  	_ =	strace $0x90000048  }
0xb6: {  	_ =	sfence  }
0xb7: {  	s30 =	sld [smem:$0x0];
	_ =	sdelay $0x2  }
0xb8: {  	s31 =	sshll.u32 s1, $0xD;
	s1 =	sshrl.u32 s1, $0x2  }
0xb9: {  	s3 =	sand.u32 $0x4000, s31;
	s1 =	sadd.s32 s1, s30  }
0xba: {  	s0 =	sor.u32 s3, s0;
	s1 =	sshll.u32 s1, $0x11  }
0xbb: {  	s0 =	sor.u32 s1, s0  }
0xbc: {  	s0 =	sadd.s32 $0x8F2B, s0  }
0xbd: {  	[sflag:s0] =	ssyncadd.remote.s32 $0x1  }
0xbe: {  	_ =	sfence.sel $0xFFFF  }
0xbf: {  	[dreg:$0x0] =	wrdreg $0xFFFFFFFF;
	(pc) =	sbr.abs _section_cstart, $3  }
0xc0: {  	[dreg:$0x1] =	wrdreg $0xFFFFFFFF  }
0xc1: {  	_ =	task.clear_ibuf [dreg:s7], $0x2FFFF;
	_ =	strace $0x9FFFFFFF  }
0xc2: {  	(tm) =	ssettm $0x7FFFFFFF  }
0xc3: {  	_ =	shalt  }
tec
execute0_lowered:
.L_overlay_start_1:
0x0: {  	(tag) =	ssettag $0x1  }
0x1: {  	s2 =	rddreg [dreg:$0x0];
	s1 =	srdreg.scid  }
0x2: {  	s0 =	stileid.u32;
	s5 =	rddreg [dreg:$0x1]  }
0x3: {  	s3 =	simm.s32 $0x0;
	s14 =	simm.s32 $0x9800;
	s15 =	simm.s32 $0x5800  }
0x4: {  	s16 =	simm.s32 $0x9980;
	s17 =	simm.s32 $0x1;
	s18 =	simm.s32 $0x3  }
0x5: {  	s19 =	simm.s32 $0x2;
	s20 =	simm.s32 $0x4;
	s21 =	simm.s32 $0x9B00  }
0x6: {  	s22 =	simm.s32 $0x0;
	s7 =	sand.u32 $0x1, s1;
	s10 =	smul.u32 $0x180000, s0  }
0x7: {  	s4 =	sshll.u32 s0, $0x1;
	[smem:$0x7FF] =	sst s3;
	s29 =	smul.u32 $0x30000, s0  }
0x8: {  	s13 =	sadd.s32 $0x7AE00, s5;
	s6 =	sor.u32 s7, s4;
	s12 =	smul.u32 $0xC0000, s7  }
0x9: {  	_ =	strace $0x80000047;
	s9 =	ssub.s32 $0x2, s7;
	s30 =	smul.u32 $0x18000, s7  }
0xa: {  	s4 =	sadd.s32 $0x1E00, s5;
	s8 =	smul.u32 $0x1800, s6;
	s11 =	sshrl.u32 s9, $0x1  }
0xb: {  	s6 =	smul.u32 $0x900, s6;
	s31 =	sadd.s32 s29, s13;
	s9 =	ssub.s32 s9, s11  }
0xc: {  	s28 =	sadd.s32 s12, s10;
	s10 =	simm.s32 $0x5;
	s8 =	sshrl.u32 s8, $0x3  }
0xd: {  	s11 =	simm.s32 $0x80;
	s12 =	simm.s32 $0x1800;
	s8 =	sadd.s32 s8, s5  }
0xe: {  	s6 =	sadd.s32 s6, s5;
	s5 =	sadd.s32 $0x2E00, s8;
	s8 =	sor.u32 $0x4000, s28  }
0xf: {  	s7 =	smax.u32 s9, $0x1;
	s9 =	sadd.s32 s30, s31;
	s8 =	sshrl.u32 s8, $0x3  }
0x10: {  	s6 =	sadd.s32 $0x68E00, s6;
	s8 =	sadd.s32 s8, s13;
	s13 =	simm.s32 $0x180  }
.LBB2_1:
0x11: {  	[tilespmem:s3], [sflag:$0x5] =	stream.linear.gather [hbm4b:s5+s3], $0x1800, $0x38;
	[tilespmem:$0xE300] =	vst v63  }
0x12: {  	_ =	swait.ge [sflag:s10], $0x1800  }
0x13: {  	[sflag:s10] =	ssyncset.done $0x0  }
0x14: {  	s23 =	simm.s32 $0x0;
	[sflag:s10] =	ssyncadd.s32 $0xFFFFE800  }
0x15: {  	v0 =	vld [tilespmem:s23+$0x0];
	_ =	sdelay $0x4  }
0x16: {  	v0 =	vshll.u32 v0, $0x2  }
0x17: {  	[tilespmem:$0x9800] =	vst v0;
	v1 =	vor.u32 $0x1, v0  }
0x18: {  	v0 =	vor.u32 $0x2, v0;
	[tilespmem:$0x9880] =	vst v1  }
0x19: {  	[tilespmem:$0x9900] =	vst v0  }
0x1a: {  	v0 =	vld [tilespmem:s23+$0x10];
	_ =	sdelay $0x4  }
0x1b: {  	v0 =	vshll.u32 v0, $0x2  }
0x1c: {  	[tilespmem:$0x9810] =	vst v0;
	v49 =	vor.u32 $0x1, v0  }
0x1d: {  	v0 =	vor.u32 $0x2, v0;
	[tilespmem:$0x9890] =	vst v49  }
0x1e: {  	[tilespmem:$0x9910] =	vst v0  }
0x1f: {  	v0 =	vld [tilespmem:s23+$0x20];
	_ =	sdelay $0x4  }
0x20: {  	v0 =	vshll.u32 v0, $0x2  }
0x21: {  	[tilespmem:$0x9820] =	vst v0;
	v50 =	vor.u32 $0x1, v0  }
0x22: {  	v0 =	vor.u32 $0x2, v0;
	[tilespmem:$0x98A0] =	vst v50  }
0x23: {  	[tilespmem:$0x9920] =	vst v0  }
0x24: {  	v0 =	vld [tilespmem:s23+$0x30];
	_ =	sdelay $0x4  }
0x25: {  	v0 =	vshll.u32 v0, $0x2  }
0x26: {  	[tilespmem:$0x9830] =	vst v0;
	v51 =	vor.u32 $0x1, v0  }
0x27: {  	v0 =	vor.u32 $0x2, v0;
	[tilespmem:$0x98B0] =	vst v51  }
0x28: {  	[tilespmem:$0x9930] =	vst v0  }
0x29: {  	v0 =	vld [tilespmem:s23+$0x40];
	_ =	sdelay $0x4  }
0x2a: {  	v0 =	vshll.u32 v0, $0x2  }
0x2b: {  	[tilespmem:$0x9840] =	vst v0;
	v52 =	vor.u32 $0x1, v0  }
0x2c: {  	v0 =	vor.u32 $0x2, v0;
	[tilespmem:$0x98C0] =	vst v52  }
0x2d: {  	[tilespmem:$0x9940] =	vst v0  }
0x2e: {  	v0 =	vld [tilespmem:s23+$0x50];
	_ =	sdelay $0x4  }
0x2f: {  	v0 =	vshll.u32 v0, $0x2  }
0x30: {  	[tilespmem:$0x9850] =	vst v0;
	v53 =	vor.u32 $0x1, v0  }
0x31: {  	v0 =	vor.u32 $0x2, v0;
	[tilespmem:$0x98D0] =	vst v53  }
0x32: {  	[tilespmem:$0x9950] =	vst v0  }
0x33: {  	v0 =	vld [tilespmem:s23+$0x60];
	_ =	sdelay $0x4  }
0x34: {  	v0 =	vshll.u32 v0, $0x2  }
0x35: {  	[tilespmem:$0x9860] =	vst v0;
	v54 =	vor.u32 $0x1, v0  }
0x36: {  	v0 =	vor.u32 $0x2, v0;
	[tilespmem:$0x98E0] =	vst v54  }
0x37: {  	[tilespmem:$0x9960] =	vst v0  }
0x38: {  	v0 =	vld [tilespmem:s23+$0x70];
	_ =	sdelay $0x4  }
0x39: {  	v0 =	vshll.u32 v0, $0x2  }
0x3a: {  	[tilespmem:$0x9870] =	vst v0;
	v55 =	vor.u32 $0x1, v0  }
0x3b: {  	v0 =	vor.u32 $0x2, v0;
	[tilespmem:$0x98F0] =	vst v55  }
0x3c: {  	[tilespmem:$0x9970] =	vst v0  }
0x3d: {  	[tilespmem:s12], [sflag:$0x1] =	stream.indirect.gather [hbm4b:s2+s11], $0x80, s23, s11, $0xb8;
	[tilespmem:$0xE300] =	vst v63  }
0x3e: {  	_ = 	snop  }
0x3f: {  	[tilespmem:s21], [sflag:$0x3] =	stream.indirect.gather [hbm4b:s4+s13], $0x1, s14, s13, $0xb8;
	[tilespmem:$0xE300] =	vst v63  }
0x40: {  	v0 =	vld [tilespmem:s23+$0x80];
	_ =	sdelay $0x4  }
0x41: {  	v0 =	vshll.u32 v0, $0x2  }
0x42: {  	[tilespmem:$0x9980] =	vst v0;
	v56 =	vor.u32 $0x1, v0  }
0x43: {  	v0 =	vor.u32 $0x2, v0;
	[tilespmem:$0x9A00] =	vst v56  }
0x44: {  	[tilespmem:$0x9A80] =	vst v0  }
0x45: {  	v0 =	vld [tilespmem:s23+$0x90];
	_ =	sdelay $0x4  }
0x46: {  	v0 =	vshll.u32 v0, $0x2  }
0x47: {  	[tilespmem:$0x9990] =	vst v0;
	v57 =	vor.u32 $0x1, v0  }
0x48: {  	v0 =	vor.u32 $0x2, v0;
	[tilespmem:$0x9A10] =	vst v57  }
0x49: {  	[tilespmem:$0x9A90] =	vst v0  }
0x4a: {  	v0 =	vld [tilespmem:s23+$0xA0];
	_ =	sdelay $0x4  }
0x4b: {  	v0 =	vshll.u32 v0, $0x2  }
0x4c: {  	[tilespmem:$0x99A0] =	vst v0;
	v58 =	vor.u32 $0x1, v0  }
0x4d: {  	v0 =	vor.u32 $0x2, v0;
	[tilespmem:$0x9A20] =	vst v58  }
0x4e: {  	[tilespmem:$0x9AA0] =	vst v0  }
0x4f: {  	v0 =	vld [tilespmem:s23+$0xB0];
	_ =	sdelay $0x4  }
0x50: {  	v0 =	vshll.u32 v0, $0x2  }
0x51: {  	[tilespmem:$0x99B0] =	vst v0;
	v59 =	vor.u32 $0x1, v0  }
0x52: {  	v0 =	vor.u32 $0x2, v0;
	[tilespmem:$0x9A30] =	vst v59  }
0x53: {  	[tilespmem:$0x9AB0] =	vst v0  }
0x54: {  	v0 =	vld [tilespmem:s23+$0xC0];
	_ =	sdelay $0x4  }
0x55: {  	v0 =	vshll.u32 v0, $0x2  }
0x56: {  	[tilespmem:$0x99C0] =	vst v0;
	v60 =	vor.u32 $0x1, v0  }
0x57: {  	v0 =	vor.u32 $0x2, v0;
	[tilespmem:$0x9A40] =	vst v60  }
0x58: {  	[tilespmem:$0x9AC0] =	vst v0  }
0x59: {  	v0 =	vld [tilespmem:s23+$0xD0];
	_ =	sdelay $0x4  }
0x5a: {  	v0 =	vshll.u32 v0, $0x2  }
0x5b: {  	[tilespmem:$0x99D0] =	vst v0;
	v61 =	vor.u32 $0x1, v0  }
0x5c: {  	v0 =	vor.u32 $0x2, v0;
	[tilespmem:$0x9A50] =	vst v61  }
0x5d: {  	[tilespmem:$0x9AD0] =	vst v0  }
0x5e: {  	v0 =	vld [tilespmem:s23+$0xE0];
	_ =	sdelay $0x4  }
0x5f: {  	v0 =	vshll.u32 v0, $0x2  }
0x60: {  	[tilespmem:$0x99E0] =	vst v0;
	v62 =	vor.u32 $0x1, v0  }
0x61: {  	v0 =	vor.u32 $0x2, v0;
	[tilespmem:$0x9A60] =	vst v62  }
0x62: {  	[tilespmem:$0x9AE0] =	vst v0  }
0x63: {  	v0 =	vld [tilespmem:s23+$0xF0];
	_ =	sdelay $0x4  }
0x64: {  	v0 =	vshll.u32 v0, $0x2  }
0x65: {  	[tilespmem:$0x99F0] =	vst v0;
	v63 =	vor.u32 $0x1, v0  }
0x66: {  	v0 =	vor.u32 $0x2, v0;
	[tilespmem:$0x9A70] =	vst v63  }
0x67: {  	s30 =	simm.s32 $0x80;
	[tilespmem:$0x9AF0] =	vst v0  }
0x68: {  	[tilespmem:s15], [sflag:$0x2] =	stream.indirect.gather [hbm4b:s2+s11], $0x80, s30, s11, $0xb8;
	[tilespmem:$0xE300] =	vst v63  }
0x69: {  	s31 =	simm.s32 $0x9C80  }
0x6a: {  	[tilespmem:s31], [sflag:$0x4] =	stream.indirect.gather [hbm4b:s4+s13], $0x1, s16, s13, $0xb8;
	[tilespmem:$0xE300] =	vst v63  }
0x6b: {  	s24 =	simm.s32 $0x400;
	s25 =	sadd.s32 $0x1000, s9;
	_ =	swait.ge [sflag:s17], $0x4000  }
0x6c: {  	s26 =	simm.s32 $0x9E00;
	s28 =	sadd.s32 $0x1000, s8;
	[sflag:s17] =	ssyncset.done $0x0  }
0x6d: {  	s29 =	smov.u32 s9;
	s23 =	smov.u32 s8;
	[sflag:s17] =	ssyncadd.s32 $0xFFFFC000  }
.LBB2_2:
0x6e: {  	[hbm4b:s29+s3] =	stream.linear.scatter [tilespmem:s12], [sflag:$0x5], $0x4000, $0x38;
	[tilespmem:$0xE300] =	vst v63  }
0x6f: {  	s30 =	smov.u32 s24;
	s29 =	smov.u32 s25  }
0x70: {  	p0 =	sne.s32 s24, $0x5C00;
	s24 =	sadd.s32 $0x400, s24;
	_ =	swait.ge [sflag:s10], $0x4000  }
0x71: {  	[sflag:s10] =	ssyncset.done $0x0  }
0x72: {  	[sflag:s10] =	ssyncadd.s32 $0xFFFFC000  }
0x73: {  	_ =	swait.ge [sflag:s18], $0x180  }
0x74: {  	[sflag:s18] =	ssyncset.done $0x0  }
0x75: {  	[sflag:s18] =	ssyncadd.s32 $0xFFFFFE80  }
0x76: {  	_ =	swait.ge [sflag:s19], $0x4000  }
0x77: {  	[sflag:s19] =	ssyncset.done $0x0  }
0x78: {  	[sflag:s19] =	ssyncadd.s32 $0xFFFFC000  }
0x79: {  	[hbm4b:s23+s3] =	stream.linear.scatter [tilespmem:s15], [sflag:$0x5], $0x4000, $0x38;
	[tilespmem:$0xE300] =	vst v63  }
0x7a: {  	s23 =	smov.u32 s28;
	_ =	swait.ge [sflag:s10], $0x4000  }
0x7b: {  	[sflag:s10] =	ssyncset.done $0x0  }
0x7c: {  	[sflag:s10] =	ssyncadd.s32 $0xFFFFC000  }
0x7d: {  	_ =	swait.ge [sflag:s20], $0x180  }
0x7e: {  	[sflag:s20] =	ssyncset.done $0x0  }
0x7f: {  	s30 =	sshra.s32 s30, $0x2;
	[sflag:s20] =	ssyncadd.s32 $0xFFFFFE80  }
0x80: {  	v0 =	vld [tilespmem:s30+$0x0];
	_ =	sdelay $0x4  }
0x81: {  	v0 =	vshll.u32 v0, $0x2  }
0x82: {  	[tilespmem:$0x9800] =	vst v0;
	v1 =	vor.u32 $0x1, v0;
	v0 =	vor.u32 $0x2, v0  }
0x83: {  	[tilespmem:$0x9880] =	vst v1  }
0x84: {  	[tilespmem:$0x9900] =	vst v0  }
0x85: {  	v0 =	vld [tilespmem:s30+$0x10];
	_ =	sdelay $0x4  }
0x86: {  	v0 =	vshll.u32 v0, $0x2  }
0x87: {  	[tilespmem:$0x9810] =	vst v0;
	v1 =	vor.u32 $0x1, v0;
	v0 =	vor.u32 $0x2, v0  }
0x88: {  	[tilespmem:$0x9890] =	vst v1  }
0x89: {  	[tilespmem:$0x9910] =	vst v0  }
0x8a: {  	v0 =	vld [tilespmem:s30+$0x20];
	_ =	sdelay $0x4  }
0x8b: {  	v0 =	vshll.u32 v0, $0x2  }
0x8c: {  	[tilespmem:$0x9820] =	vst v0;
	v1 =	vor.u32 $0x1, v0;
	v0 =	vor.u32 $0x2, v0  }
0x8d: {  	[tilespmem:$0x98A0] =	vst v1  }
0x8e: {  	[tilespmem:$0x9920] =	vst v0  }
0x8f: {  	v0 =	vld [tilespmem:s30+$0x30];
	_ =	sdelay $0x4  }
0x90: {  	v0 =	vshll.u32 v0, $0x2  }
0x91: {  	[tilespmem:$0x9830] =	vst v0;
	v1 =	vor.u32 $0x1, v0;
	v0 =	vor.u32 $0x2, v0  }
0x92: {  	[tilespmem:$0x98B0] =	vst v1  }
0x93: {  	[tilespmem:$0x9930] =	vst v0  }
0x94: {  	v0 =	vld [tilespmem:s30+$0x40];
	_ =	sdelay $0x4  }
0x95: {  	v0 =	vshll.u32 v0, $0x2  }
0x96: {  	[tilespmem:$0x9840] =	vst v0;
	v1 =	vor.u32 $0x1, v0;
	v0 =	vor.u32 $0x2, v0  }
0x97: {  	[tilespmem:$0x98C0] =	vst v1  }
0x98: {  	[tilespmem:$0x9940] =	vst v0  }
0x99: {  	v0 =	vld [tilespmem:s30+$0x50];
	_ =	sdelay $0x4  }
0x9a: {  	v0 =	vshll.u32 v0, $0x2  }
0x9b: {  	[tilespmem:$0x9850] =	vst v0;
	v1 =	vor.u32 $0x1, v0;
	v0 =	vor.u32 $0x2, v0  }
0x9c: {  	[tilespmem:$0x98D0] =	vst v1  }
0x9d: {  	[tilespmem:$0x9950] =	vst v0  }
0x9e: {  	v0 =	vld [tilespmem:s30+$0x60];
	_ =	sdelay $0x4  }
0x9f: {  	v0 =	vshll.u32 v0, $0x2  }
0xa0: {  	[tilespmem:$0x9860] =	vst v0;
	v1 =	vor.u32 $0x1, v0;
	v0 =	vor.u32 $0x2, v0  }
0xa1: {  	[tilespmem:$0x98E0] =	vst v1  }
0xa2: {  	[tilespmem:$0x9960] =	vst v0  }
0xa3: {  	v0 =	vld [tilespmem:s30+$0x70];
	_ =	sdelay $0x4  }
0xa4: {  	v0 =	vshll.u32 v0, $0x2  }
0xa5: {  	[tilespmem:$0x9870] =	vst v0;
	v1 =	vor.u32 $0x1, v0;
	v0 =	vor.u32 $0x2, v0  }
0xa6: {  	[tilespmem:$0x98F0] =	vst v1  }
0xa7: {  	[tilespmem:$0x9970] =	vst v0  }
0xa8: {  	[tilespmem:s12], [sflag:$0x1] =	stream.indirect.gather [hbm4b:s2+s11], $0x80, s30, s11, $0xb8;
	[tilespmem:$0xE300] =	vst v63  }
0xa9: {  	_ = 	snop  }
0xaa: {  	[tilespmem:s26], [sflag:$0x3] =	stream.indirect.gather [hbm4b:s4+s13], $0x1, s14, s13, $0xb8;
	[tilespmem:$0xE300] =	vst v63  }
0xab: {  	v0 =	vld [tilespmem:s30+$0x80];
	_ =	sdelay $0x4  }
0xac: {  	v0 =	vshll.u32 v0, $0x2  }
0xad: {  	[tilespmem:$0x9980] =	vst v0;
	v1 =	vor.u32 $0x1, v0;
	v0 =	vor.u32 $0x2, v0  }
0xae: {  	[tilespmem:$0x9A00] =	vst v1  }
0xaf: {  	[tilespmem:$0x9A80] =	vst v0  }
0xb0: {  	v0 =	vld [tilespmem:s30+$0x90];
	_ =	sdelay $0x4  }
0xb1: {  	v0 =	vshll.u32 v0, $0x2  }
0xb2: {  	[tilespmem:$0x9990] =	vst v0;
	v1 =	vor.u32 $0x1, v0;
	v0 =	vor.u32 $0x2, v0  }
0xb3: {  	[tilespmem:$0x9A10] =	vst v1  }
0xb4: {  	[tilespmem:$0x9A90] =	vst v0  }
0xb5: {  	v0 =	vld [tilespmem:s30+$0xA0];
	_ =	sdelay $0x4  }
0xb6: {  	v0 =	vshll.u32 v0, $0x2  }
0xb7: {  	[tilespmem:$0x99A0] =	vst v0;
	v1 =	vor.u32 $0x1, v0;
	v0 =	vor.u32 $0x2, v0  }
0xb8: {  	[tilespmem:$0x9A20] =	vst v1  }
0xb9: {  	[tilespmem:$0x9AA0] =	vst v0  }
0xba: {  	v0 =	vld [tilespmem:s30+$0xB0];
	_ =	sdelay $0x4  }
0xbb: {  	v0 =	vshll.u32 v0, $0x2  }
0xbc: {  	[tilespmem:$0x99B0] =	vst v0;
	v1 =	vor.u32 $0x1, v0;
	v0 =	vor.u32 $0x2, v0  }
0xbd: {  	[tilespmem:$0x9A30] =	vst v1  }
0xbe: {  	[tilespmem:$0x9AB0] =	vst v0  }
0xbf: {  	v0 =	vld [tilespmem:s30+$0xC0];
	_ =	sdelay $0x4  }
0xc0: {  	v0 =	vshll.u32 v0, $0x2  }
0xc1: {  	[tilespmem:$0x99C0] =	vst v0;
	v1 =	vor.u32 $0x1, v0;
	v0 =	vor.u32 $0x2, v0  }
0xc2: {  	[tilespmem:$0x9A40] =	vst v1  }
0xc3: {  	[tilespmem:$0x9AC0] =	vst v0  }
0xc4: {  	v0 =	vld [tilespmem:s30+$0xD0];
	_ =	sdelay $0x4  }
0xc5: {  	v0 =	vshll.u32 v0, $0x2  }
0xc6: {  	[tilespmem:$0x99D0] =	vst v0;
	v1 =	vor.u32 $0x1, v0;
	v0 =	vor.u32 $0x2, v0  }
0xc7: {  	[tilespmem:$0x9A50] =	vst v1  }
0xc8: {  	[tilespmem:$0x9AD0] =	vst v0  }
0xc9: {  	v0 =	vld [tilespmem:s30+$0xE0]  }
0xca: {  	s31 =	sadd.s32 $0x80, s30;
	_ =	sdelay $0x1  }
0xcb: {  	s1 =	sadd.s32 $0x180, s26;
	_ =	sdelay $0x1  }
0xcc: {  	v0 =	vshll.u32 v0, $0x2  }
0xcd: {  	[tilespmem:$0x99E0] =	vst v0;
	v1 =	vor.u32 $0x1, v0;
	v0 =	vor.u32 $0x2, v0  }
0xce: {  	[tilespmem:$0x9A60] =	vst v1  }
0xcf: {  	[tilespmem:$0x9AE0] =	vst v0  }
0xd0: {  	v0 =	vld [tilespmem:s30+$0xF0];
	_ =	sdelay $0x4  }
0xd1: {  	v0 =	vshll.u32 v0, $0x2  }
0xd2: {  	[tilespmem:$0x99F0] =	vst v0;
	v1 =	vor.u32 $0x1, v0;
	v0 =	vor.u32 $0x2, v0  }
0xd3: {  	[tilespmem:$0x9A70] =	vst v1  }
0xd4: {  	[tilespmem:$0x9AF0] =	vst v0  }
0xd5: {  	[tilespmem:s15], [sflag:$0x2] =	stream.indirect.gather [hbm4b:s2+s11], $0x80, s31, s11, $0xb8;
	[tilespmem:$0xE300] =	vst v63  }
.Ltmp0:
0xd6: {  	(pc) =	sbr.rel @p0 .LBB2_2-.Ltmp0, $4  }
0xd7: {  	[tilespmem:s1], [sflag:$0x4] =	stream.indirect.gather [hbm4b:s4+s13], $0x1, s16, s13, $0xb8;
	[tilespmem:$0xE300] =	vst v63  }
0xd8: {  	_ =	swait.ge [sflag:s17], $0x4000  }
0xd9: {  	s25 =	sadd.s32 $0x1000, s25;
	[sflag:s17] =	ssyncset.done $0x0  }
0xda: {  	s28 =	sadd.s32 $0x1000, s28;
	s26 =	sadd.s32 $0x300, s26;
	[sflag:s17] =	ssyncadd.s32 $0xFFFFC000  }
0xdb: {  	[hbm4b:s29+s3] =	stream.linear.scatter [tilespmem:s12], [sflag:$0x5], $0x4000, $0x38;
	[tilespmem:$0xE300] =	vst v63  }
0xdc: {  	_ =	swait.ge [sflag:s10], $0x4000  }
0xdd: {  	[sflag:s10] =	ssyncset.done $0x0  }
0xde: {  	[sflag:s10] =	ssyncadd.s32 $0xFFFFC000  }
0xdf: {  	_ =	swait.ge [sflag:s18], $0x180  }
0xe0: {  	[sflag:s18] =	ssyncset.done $0x0  }
0xe1: {  	[sflag:s18] =	ssyncadd.s32 $0xFFFFFE80  }
0xe2: {  	_ =	swait.ge [sflag:s19], $0x4000  }
0xe3: {  	[sflag:s19] =	ssyncset.done $0x0  }
0xe4: {  	[sflag:s19] =	ssyncadd.s32 $0xFFFFC000  }
0xe5: {  	[hbm4b:s23+s3] =	stream.linear.scatter [tilespmem:s15], [sflag:$0x5], $0x4000, $0x38;
	[tilespmem:$0xE300] =	vst v63  }
0xe6: {  	_ =	swait.ge [sflag:s10], $0x4000  }
0xe7: {  	[sflag:s10] =	ssyncset.done $0x0  }
0xe8: {  	[sflag:s10] =	ssyncadd.s32 $0xFFFFC000  }
0xe9: {  	s22 =	sadd.s32 $0x1, s22;
	_ =	swait.ge [sflag:s20], $0x180  }
0xea: {  	p0 =	sne.s32 s22, s7;
	[sflag:s20] =	ssyncset.done $0x0  }
.Ltmp1:
0xeb: {  	[sflag:s20] =	ssyncadd.s32 $0xFFFFFE80;
	(pc) =	sbr.rel @p0 .LBB2_1-.Ltmp1, $4  }
0xec: {  	[hbm4b:s6+s3] =	stream.linear.scatter [tilespmem:s21], [sflag:$0x5], $0x4800, $0x38;
	[tilespmem:$0xE300] =	vst v63  }
0xed: {  	_ =	swait.ge [sflag:s10], $0x4800  }
0xee: {  	[sflag:s10] =	ssyncset.done $0x0  }
0xef: {  	[sflag:s10] =	ssyncadd.s32 $0xFFFFB800  }
0xf0: {  	_ =	sfence.sel $0x180000  }
0xf1: {  	[bflag:$0x0] =	sbarrier.arrive $0xFFFF  }
0xf2: {  	_ =	strace $0x90000047  }
0xf3: {  	[bflag:$0x2] =	sbarrier.arrive $0xFFFF  }
0xf4: {  	p0 =	sne.s32 s0, $0x0;
	s0 =	rddreg [dreg:$0x2]  }
0xf5: {  	s0 =	sadd.s32 @!p0 $0x100000, s0  }
0xf6: {  	[sflag:s0] =	ssyncadd.tile.s32 @!p0 $0x1;
	_ =	shalt  }
.Lfunc_end2:
_tile_overlayer_lowered:
.L_overlay_start_2:
0xf7: {  	(tag) =	ssettag $0x2  }
0xf8: {  	s0 =	rddreg [dreg:$0x0];
	s2 =	stileid.u32  }
0xf9: {  	s1 =	rddreg [dreg:$0x1];
	p0 =	sne.s32 s2, $0x0  }
0xfa: {  	s3 =	rddreg [dreg:$0x2];
	[bflag:$0x3] =	sbarrier.arrive $0xFFFF;
	s2 =	simm.s32 @!p0 $0x1C05  }
0xfb: {  	[timem:s3], [sflag:s2] =	dma.local @!p0 [hbm:s0], s1  }
0xfc: {  	s0 =	simm.s32 @!p0 $0x5  }
0xfd: {  	_ =	swait.ge @!p0 [sflag:s0], s1  }
0xfe: {  	s1 =	ssub.s32 @!p0 $0x0, s1;
	[sflag:s0] =	ssyncset.done @!p0 $0x0  }
0xff: {  	[sflag:s0] =	ssyncadd.s32 @!p0 s1  }
0x100: {  	[bflag:$0x3] =	sbarrier.arrive $0xFFFF  }
0x101: {  	_ =	shalt  }

</sc_bundles>
